<compile_context>
chip_gen: v7x
topology: tpu7x:2x2x1
jax: 0.10.2.dev20260603
libtpu: 0.0.44.dev20260713+nightly
codegen_flags: <defaults>
</compile_context>

<pallas_src>
import functools

import jax
import jax.numpy as jnp
from jax import lax
from jax.experimental import pallas as pl
from jax.experimental.pallas import tpu as pltpu
from jax.experimental.pallas import tpu_sc as plsc

N = 10000
E = 320000
F = 128
H = 128
C = 10
G = 64

NC = 2
NS = 16
NW = NC * NS

K = 128
CPW = 80
EP = NW * CPW * K
TOT = EP // K
SPLIT_C0 = TOT // 2
NP = 10240
RPT = NP // NS
BLK = 1024
NBLK = NP // BLK


def _mesh():
    return plsc.VectorSubcoreMesh(
        core_axis_name="c", subcore_axis_name="s",
        num_cores=NC, num_subcores=NS)


def _make_seg_kernel(gather: bool, W: int = 128):

    def body(*refs):
        if gather:
            (h_hbm, src_hbm, dst_hbm, out_hbm,
             sidx0, sidx1, didx0, didx1, rows0, rows1,
             accum, sem0, sem1, sems0, sems1) = refs
        else:
            (dst_hbm, out_hbm,
             sidx0, sidx1, didx0, didx1, rows0, rows1,
             accum, sem0, sem1, sems0, sems1) = refs
        sidx = (sidx0, sidx1)
        didx = (didx0, didx1)
        rows = (rows0, rows1)
        sem = (sem0, sem1)
        sems = (sems0, sems1)
        c = lax.axis_index("c")
        s = lax.axis_index("s")
        wid = c * NS + s
        tb = s * RPT

        z16 = jnp.zeros((16,), jnp.float32)

        @pl.loop(0, K)
        def _(i):
            for j in range(W // 16):
                rows0[i, pl.ds(j * 16, 16)] = z16

        for k in range(RPT // K):
            pltpu.sync_copy(rows0, accum.at[pl.ds(tb + k * K, K)])

        if not gather:
            o16 = jnp.ones((16,), jnp.float32)

            @pl.loop(0, K)
            def _(i):
                for j in range(W // 16):
                    rows0[i, pl.ds(j * 16, 16)] = o16
                    rows1[i, pl.ds(j * 16, 16)] = o16

        plsc.subcore_barrier()

        if gather:
            n0, n1 = SPLIT_C0 // NS, (TOT - SPLIT_C0) // NS
            n = jnp.where(c == 0, n0, n1)
            cbase = c * SPLIT_C0 + s * n
        else:
            n = CPW
            cbase = wid * CPW

        def fire_gather(chunk, b):
            base = (cbase + chunk) * K
            pltpu.sync_copy(dst_hbm.at[pl.ds(base, K)], didx[b])
            if gather:
                pltpu.sync_copy(src_hbm.at[pl.ds(base, K)], sidx[b])
                pltpu.async_copy(h_hbm.at[sidx[b]], rows[b], sem[b])

        def wait_gather(b):
            if gather:
                pltpu.make_async_copy(h_hbm.at[sidx[b]], rows[b], sem[b]).wait()

        def fire_scatter(b):
            pltpu.async_copy(rows[b], accum.at[didx[b]], sems[b], add=True)

        def wait_scatter(b):
            pltpu.make_async_copy(rows[b], accum.at[didx[b]], sems[b]).wait()

        @pl.when(n > 0)
        def _():
            fire_gather(0, 0)

        @pl.loop(0, n, step=2)
        def _(i):
            for b in range(2):
                cur = i + b
                nxt = cur + 1

                @pl.when((nxt < n) & (cur > 0))
                def _():
                    wait_scatter(1 - b)

                @pl.when(nxt < n)
                def _():
                    fire_gather(nxt, 1 - b)

                wait_gather(b)
                fire_scatter(b)

        @pl.when(n > 0)
        def _():
            wait_scatter(0)
            wait_scatter(1)

        plsc.subcore_barrier()

        pltpu.sync_copy(accum.at[pl.ds(tb, RPT)],
                        out_hbm.at[pl.ds(c * NP + tb, RPT)])

    return pl.kernel(
        body,
        out_type=jax.ShapeDtypeStruct((NC * NP, W), jnp.float32),
        mesh=_mesh(),
        scratch_types=[
            pltpu.VMEM((K,), jnp.int32),
            pltpu.VMEM((K,), jnp.int32),
            pltpu.VMEM((K,), jnp.int32),
            pltpu.VMEM((K,), jnp.int32),
            pltpu.VMEM((K, W), jnp.float32),
            pltpu.VMEM((K, W), jnp.float32),
            pltpu.VMEM_SHARED((NP, W), jnp.float32),
            pltpu.SemaphoreType.DMA,
            pltpu.SemaphoreType.DMA,
            pltpu.SemaphoreType.DMA,
            pltpu.SemaphoreType.DMA,
        ],
    )


@functools.lru_cache(maxsize=None)
def _seg_kernels():
    return _make_seg_kernel(True), _make_seg_kernel(False)


def _combine_body(p0, p1, c0, c1, h, wl, wr, b, out):
    cnt = c0[:, :1] + c1[:, :1]
    scale = 1.0 / jnp.maximum(cnt, 1.0)
    aggr = (p0[...] + p1[...]) * scale
    acc = jnp.dot(aggr, wl[...], preferred_element_type=jnp.float32)
    acc += jnp.dot(h[...], wr[...], preferred_element_type=jnp.float32)
    out[...] = jnp.maximum(acc + b[...], 0.0)


_combine = pl.pallas_call(
    _combine_body,
    grid=(NBLK,),
    in_specs=[
        pl.BlockSpec((BLK, 128), lambda i: (i, 0)),
        pl.BlockSpec((BLK, 128), lambda i: (i, 0)),
        pl.BlockSpec((BLK, 16), lambda i: (i, 0)),
        pl.BlockSpec((BLK, 16), lambda i: (i, 0)),
        pl.BlockSpec((BLK, 128), lambda i: (i, 0)),
        pl.BlockSpec((128, 128), lambda i: (0, 0)),
        pl.BlockSpec((128, 128), lambda i: (0, 0)),
        pl.BlockSpec((1, 128), lambda i: (0, 0)),
    ],
    out_specs=pl.BlockSpec((BLK, 128), lambda i: (i, 0)),
    out_shape=jax.ShapeDtypeStruct((NP, 128), jnp.float32),
)


def _final_body(h, batch, w4, b4, w5, b5, out, pooled, cnt):
    i = pl.program_id(0)

    @pl.when(i == 0)
    def _():
        pooled[...] = jnp.zeros_like(pooled)
        cnt[...] = jnp.zeros_like(cnt)

    bb = batch[...].reshape(1, BLK)
    gids = lax.broadcasted_iota(jnp.int32, (G, BLK), 0)
    mask = (bb == gids).astype(jnp.float32)
    pooled[...] += jnp.dot(mask, h[...], preferred_element_type=jnp.float32)
    cnt[...] += jnp.sum(mask, axis=1, keepdims=True)

    @pl.when(i == NBLK - 1)
    def _():
        mean = pooled[...] / jnp.maximum(cnt[:, :1], 1.0)
        t = jnp.maximum(
            jnp.dot(mean, w4[...], preferred_element_type=jnp.float32) + b4[...], 0.0)
        logits = jnp.dot(t, w5[...], preferred_element_type=jnp.float32) + b5[...]
        m = jnp.max(logits, axis=-1, keepdims=True)
        lse = jnp.log(jnp.sum(jnp.exp(logits - m), axis=-1, keepdims=True)) + m
        out[...] = logits - lse


_final = pl.pallas_call(
    _final_body,
    grid=(NBLK,),
    in_specs=[
        pl.BlockSpec((BLK, 128), lambda i: (i, 0)),
        pl.BlockSpec((1, 1, BLK), lambda i: (i, 0, 0)),
        pl.BlockSpec((128, 64), lambda i: (0, 0)),
        pl.BlockSpec((1, 64), lambda i: (0, 0)),
        pl.BlockSpec((64, C), lambda i: (0, 0)),
        pl.BlockSpec((1, C), lambda i: (0, 0)),
    ],
    out_specs=pl.BlockSpec((G, C), lambda i: (0, 0)),
    out_shape=jax.ShapeDtypeStruct((G, C), jnp.float32),
    scratch_shapes=[
        pltpu.VMEM((G, 128), jnp.float32),
        pltpu.VMEM((G, 1), jnp.float32),
    ],
)


def kernel(x, edge_index, batch, wl1, wr1, b1, wl2, wr2, b2, wl3, wr3, b3,
           w4, b4, w5, b5):
    src = edge_index[0]
    dst = edge_index[1]
    pad = jnp.arange(EP - E, dtype=jnp.int32)
    src_p = jnp.concatenate([src, pad % N])
    dst_p = jnp.concatenate([dst, N + pad % (NP - N)])
    h = jnp.concatenate([x, jnp.zeros((NP - N, F), jnp.float32)])
    batch_p = jnp.concatenate(
        [batch, jnp.full((NP - N,), G, jnp.int32)]).reshape(NBLK, 1, BLK)

    _seg, _cnt = _seg_kernels()
    cnts = _cnt(dst_p)
    c0, c1 = cnts[:NP, :16], cnts[NP:, :16]
    parts = _seg(h, src_p, dst_p)
    h = _combine(parts[:NP], parts[NP:], c0, c1, h, wl1, wr1, b1.reshape(1, H))

    parts = _seg(h, src_p, dst_p)
    h = _combine(parts[:NP], parts[NP:], c0, c1, h, wl2, wr2, b2.reshape(1, H))

    parts = _seg(h, src_p, dst_p)
    h = _combine(parts[:NP], parts[NP:], c0, c1, h, wl3, wr3, b3.reshape(1, H))

    return _final(h, batch_p, w4, b4.reshape(1, 64), w5, b5.reshape(1, C))

# --- scband reference (transcript-rebuilt; emitter-appended) ---
"""Pipeline reference for scband-graph-sage0-tpk-48155173323149 (READ-ONLY COPY).

The authoritative reference and input builder live on the scoring server;
editing this copy changes nothing except your own understanding.
"""

import jax, jax.numpy as jnp
import numpy as np

N = 10000
E = 320000
F = 128
H = 128
C = 10
G = 64


def setup_inputs(seed: int = 0):
    key = jax.random.key(seed)
    ks = jax.random.split(key, 16)
    x = jax.random.normal(ks[0], (N, F), dtype=jnp.float32)
    edge_index = jax.random.randint(ks[1], (2, E), 0, N, dtype=jnp.int32)
    batch = jnp.sort(jax.random.randint(ks[2], (N,), 0, G, dtype=jnp.int32))

    def lin(k, i, o):
        s = 1.0 / np.sqrt(i)
        return jax.random.uniform(k, (i, o), jnp.float32, -s, s)

    def bias(k, i, o):
        s = 1.0 / np.sqrt(i)
        return jax.random.uniform(k, (o,), jnp.float32, -s, s)

    return {
        "x": x, "edge_index": edge_index, "batch": batch,
        "wl1": lin(ks[3], F, H), "wr1": lin(ks[4], F, H), "b1": bias(ks[5], F, H),
        "wl2": lin(ks[6], H, H), "wr2": lin(ks[7], H, H), "b2": bias(ks[8], H, H),
        "wl3": lin(ks[9], H, H), "wr3": lin(ks[10], H, H), "b3": bias(ks[11], H, H),
        "w4": lin(ks[12], H, 64), "b4": bias(ks[13], H, 64),
        "w5": lin(ks[14], 64, C), "b5": bias(ks[15], 64, C),
    }


def _sage(x, src, dst, wl, wr, b):
    # PyG SAGEConv (mean aggr): out = lin_l(mean_{j->i} x_j) + lin_r(x_i) + bias
    msg = jnp.take(x, src, axis=0)
    s = jax.ops.segment_sum(msg, dst, num_segments=x.shape[0])
    cnt = jax.ops.segment_sum(jnp.ones((src.shape[0],), jnp.float32), dst, num_segments=x.shape[0])
    aggr = s / jnp.maximum(cnt, 1.0)[:, None]
    return aggr @ wl + x @ wr + b


def _mean_pool(h, batch):
    s = jax.ops.segment_sum(h, batch, num_segments=G)
    cnt = jax.ops.segment_sum(jnp.ones((h.shape[0],), jnp.float32), batch, num_segments=G)
    return s / jnp.maximum(cnt, 1.0)[:, None]


def reference(x, edge_index, batch, wl1, wr1, b1, wl2, wr2, b2, wl3, wr3, b3, w4, b4, w5, b5):
    src, dst = edge_index[0], edge_index[1]
    h = jax.nn.relu(_sage(x, src, dst, wl1, wr1, b1))
    h = jax.nn.relu(_sage(h, src, dst, wl2, wr2, b2))
    h = jax.nn.relu(_sage(h, src, dst, wl3, wr3, b3))
    pooled = _mean_pool(h, batch)
    h = jax.nn.relu(pooled @ w4 + b4)
    return jax.nn.log_softmax(h @ w5 + b5, axis=-1)

if __name__ == "__main__":
    import jax
    _d = setup_inputs()
    print(jax.jit(kernel)(*tuple(_d.values())))

</pallas_src>

<mosaic_0001>
#map = affine_map<(d0, d1) -> (0, 0)>
#map1 = affine_map<(d0, d1) -> (0)>
module attributes {stable_mosaic.version = 14 : i64} {
  func.func @body(%arg0: i32, %arg1: i32, %arg2: memref<10240x128xf32, #tpu.memory_space<hbm>>, %arg3: memref<327680xi32, #tpu.memory_space<hbm>>, %arg4: memref<327680xi32, #tpu.memory_space<hbm>>, %arg5: memref<20480x128xf32, #tpu.memory_space<hbm>>, %arg6: memref<128xi32, #tpu.memory_space<vmem>>, %arg7: memref<128xi32, #tpu.memory_space<vmem>>, %arg8: memref<128xi32, #tpu.memory_space<vmem>>, %arg9: memref<128xi32, #tpu.memory_space<vmem>>, %arg10: memref<128x128xf32, #tpu.memory_space<vmem>>, %arg11: memref<128x128xf32, #tpu.memory_space<vmem>>, %arg12: memref<10240x128xf32, #tpu.memory_space<vmem_shared>>, %arg13: memref<!tpu.dma_semaphore, #tpu.memory_space<semaphore_mem>>, %arg14: memref<!tpu.dma_semaphore, #tpu.memory_space<semaphore_mem>>, %arg15: memref<!tpu.dma_semaphore, #tpu.memory_space<semaphore_mem>>, %arg16: memref<!tpu.dma_semaphore, #tpu.memory_space<semaphore_mem>>) attributes {dimension_semantics = [#tpu.dimension_semantics<core_parallel>, #tpu.dimension_semantics<subcore_parallel>], iteration_bounds = array<i64: 2, 16>, scalar_prefetch = 0 : i64, scratch_operands = 11 : i64, tpu.core_type = #tpu.core_type<sc_vector_subcore>, window_params = [{transform_indices = #map}, {transform_indices = #map1}, {transform_indices = #map1}, {transform_indices = #map}]} {
    %mul3A = arith.constant 16 : i32
    %mul3A_0 = arith.muli %arg0, %mul3A : i32
    %add3A = arith.addi %mul3A_0, %arg1 : i32
    %mul3A_1 = arith.constant 640 : i32
    %mul3A_2 = arith.muli %arg1, %mul3A_1 : i32
    %broadcast_in_dim3A = arith.constant 0.000000e+00 : f32
    %broadcast_in_dim3A_3 = vector.broadcast %broadcast_in_dim3A : f32 to vector<16xf32>
    %scan3A = arith.constant 0 : i32
    %scan3A_4 = arith.constant 128 : i32
    %scan3A_5 = arith.addi %scan3A, %scan3A_4 : i32
    %scan3A_6 = arith.constant 1 : i32
    scf.for %scan3A_51 = %scan3A to %scan3A_5 step %scan3A_6  : i32 {
      %mul3A_52 = arith.constant 1 : i32
      %mul3A_53 = arith.muli %scan3A_51, %mul3A_52 : i32
      %add3A_54 = arith.constant 0 : i32
      %add3A_55 = arith.addi %add3A_54, %mul3A_53 : i32
      %swap3A = arith.index_cast %add3A_55 : i32 to index
      %swap3A_56 = arith.constant 0 : index
      %swap3A_57 = tpu.vector_load %arg10[%swap3A, %swap3A_56] {strides = array<i32>} : memref<128x128xf32, #tpu.memory_space<vmem>>, vector<1x16xf32>,
      %swap3A_58 = vector.shape_cast %swap3A_57 : vector<1x16xf32> to vector<16xf32>
      %swap3A_59 = vector.shape_cast %broadcast_in_dim3A_3 : vector<16xf32> to vector<1x16xf32>
      tpu.vector_store %arg10[%swap3A, %swap3A_56], %swap3A_59 {strides = array<i32>} : memref<128x128xf32, #tpu.memory_space<vmem>>, vector<1x16xf32>,
      %swap3A_60 = arith.index_cast %add3A_55 : i32 to index
      %swap3A_61 = arith.constant 16 : index
      %swap3A_62 = tpu.vector_load %arg10[%swap3A_60, %swap3A_61] {strides = array<i32>} : memref<128x128xf32, #tpu.memory_space<vmem>>, vector<1x16xf32>,
      %swap3A_63 = vector.shape_cast %swap3A_62 : vector<1x16xf32> to vector<16xf32>
      %swap3A_64 = vector.shape_cast %broadcast_in_dim3A_3 : vector<16xf32> to vector<1x16xf32>
      tpu.vector_store %arg10[%swap3A_60, %swap3A_61], %swap3A_64 {strides = array<i32>} : memref<128x128xf32, #tpu.memory_space<vmem>>, vector<1x16xf32>,
      %swap3A_65 = arith.index_cast %add3A_55 : i32 to index
      %swap3A_66 = arith.constant 32 : index
      %swap3A_67 = tpu.vector_load %arg10[%swap3A_65, %swap3A_66] {strides = array<i32>} : memref<128x128xf32, #tpu.memory_space<vmem>>, vector<1x16xf32>,
      %swap3A_68 = vector.shape_cast %swap3A_67 : vector<1x16xf32> to vector<16xf32>
      %swap3A_69 = vector.shape_cast %broadcast_in_dim3A_3 : vector<16xf32> to vector<1x16xf32>
      tpu.vector_store %arg10[%swap3A_65, %swap3A_66], %swap3A_69 {strides = array<i32>} : memref<128x128xf32, #tpu.memory_space<vmem>>, vector<1x16xf32>,
      %swap3A_70 = arith.index_cast %add3A_55 : i32 to index
      %swap3A_71 = arith.constant 48 : index
      %swap3A_72 = tpu.vector_load %arg10[%swap3A_70, %swap3A_71] {strides = array<i32>} : memref<128x128xf32, #tpu.memory_space<vmem>>, vector<1x16xf32>,
      %swap3A_73 = vector.shape_cast %swap3A_72 : vector<1x16xf32> to vector<16xf32>
      %swap3A_74 = vector.shape_cast %broadcast_in_dim3A_3 : vector<16xf32> to vector<1x16xf32>
      tpu.vector_store %arg10[%swap3A_70, %swap3A_71], %swap3A_74 {strides = array<i32>} : memref<128x128xf32, #tpu.memory_space<vmem>>, vector<1x16xf32>,
      %swap3A_75 = arith.index_cast %add3A_55 : i32 to index
      %swap3A_76 = arith.constant 64 : index
      %swap3A_77 = tpu.vector_load %arg10[%swap3A_75, %swap3A_76] {strides = array<i32>} : memref<128x128xf32, #tpu.memory_space<vmem>>, vector<1x16xf32>,
      %swap3A_78 = vector.shape_cast %swap3A_77 : vector<1x16xf32> to vector<16xf32>
      %swap3A_79 = vector.shape_cast %broadcast_in_dim3A_3 : vector<16xf32> to vector<1x16xf32>
      tpu.vector_store %arg10[%swap3A_75, %swap3A_76], %swap3A_79 {strides = array<i32>} : memref<128x128xf32, #tpu.memory_space<vmem>>, vector<1x16xf32>,
      %swap3A_80 = arith.index_cast %add3A_55 : i32 to index
      %swap3A_81 = arith.constant 80 : index
      %swap3A_82 = tpu.vector_load %arg10[%swap3A_80, %swap3A_81] {strides = array<i32>} : memref<128x128xf32, #tpu.memory_space<vmem>>, vector<1x16xf32>,
      %swap3A_83 = vector.shape_cast %swap3A_82 : vector<1x16xf32> to vector<16xf32>
      %swap3A_84 = vector.shape_cast %broadcast_in_dim3A_3 : vector<16xf32> to vector<1x16xf32>
      tpu.vector_store %arg10[%swap3A_80, %swap3A_81], %swap3A_84 {strides = array<i32>} : memref<128x128xf32, #tpu.memory_space<vmem>>, vector<1x16xf32>,
      %swap3A_85 = arith.index_cast %add3A_55 : i32 to index
      %swap3A_86 = arith.constant 96 : index
      %swap3A_87 = tpu.vector_load %arg10[%swap3A_85, %swap3A_86] {strides = array<i32>} : memref<128x128xf32, #tpu.memory_space<vmem>>, vector<1x16xf32>,
      %swap3A_88 = vector.shape_cast %swap3A_87 : vector<1x16xf32> to vector<16xf32>
      %swap3A_89 = vector.shape_cast %broadcast_in_dim3A_3 : vector<16xf32> to vector<1x16xf32>
      tpu.vector_store %arg10[%swap3A_85, %swap3A_86], %swap3A_89 {strides = array<i32>} : memref<128x128xf32, #tpu.memory_space<vmem>>, vector<1x16xf32>,
      %swap3A_90 = arith.index_cast %add3A_55 : i32 to index
      %swap3A_91 = arith.constant 112 : index
      %swap3A_92 = tpu.vector_load %arg10[%swap3A_90, %swap3A_91] {strides = array<i32>} : memref<128x128xf32, #tpu.memory_space<vmem>>, vector<1x16xf32>,
      %swap3A_93 = vector.shape_cast %swap3A_92 : vector<1x16xf32> to vector<16xf32>
      %swap3A_94 = vector.shape_cast %broadcast_in_dim3A_3 : vector<16xf32> to vector<1x16xf32>
      tpu.vector_store %arg10[%swap3A_90, %swap3A_91], %swap3A_94 {strides = array<i32>} : memref<128x128xf32, #tpu.memory_space<vmem>>, vector<1x16xf32>,
    }
    %scan3A_7 = arith.constant 128 : i32
    %add3A_8 = arith.constant 0 : i32
    %add3A_9 = arith.addi %mul3A_2, %add3A_8 : i32
    "tpu.region"() ({
      %run_scoped3A = tpu.sem_alloc : memref<!tpu.dma_semaphore, #tpu.memory_space<semaphore_mem>>
      %dma_start3A = arith.constant 0 : i32
      %dma_start3A_51 = tpu.memref_slice %arg12[%add3A_9, %dma_start3A] : memref<10240x128xf32, #tpu.memory_space<vmem_shared>> -> memref<128x128xf32, #tpu.memory_space<vmem_shared>>
      %dma_start3A_52 = arith.constant 0 : i32
      %dma_start3A_53 = tpu.memref_slice %arg12[%add3A_9, %dma_start3A_52] : memref<10240x128xf32, #tpu.memory_space<vmem_shared>> -> memref<128x128xf32, #tpu.memory_space<vmem_shared>>
      tpu.enqueue_dma source(%arg10 : memref<128x128xf32, #tpu.memory_space<vmem>>) target(%dma_start3A_53 : memref<128x128xf32, #tpu.memory_space<vmem_shared>>) target_semaphore(%run_scoped3A : memref<!tpu.dma_semaphore, #tpu.memory_space<semaphore_mem>>)
      %dma_wait3A = arith.constant 0 : i32
      %dma_wait3A_54 = tpu.memref_slice %arg12[%add3A_9, %dma_wait3A] : memref<10240x128xf32, #tpu.memory_space<vmem_shared>> -> memref<128x128xf32, #tpu.memory_space<vmem_shared>>
      %dma_wait3A_55 = arith.constant 0 : i32
      %dma_wait3A_56 = tpu.memref_slice %arg12[%add3A_9, %dma_wait3A_55] : memref<10240x128xf32, #tpu.memory_space<vmem_shared>> -> memref<128x128xf32, #tpu.memory_space<vmem_shared>>
      tpu.wait_dma2 semaphore(%run_scoped3A : memref<!tpu.dma_semaphore, #tpu.memory_space<semaphore_mem>>) src(%arg10 : memref<128x128xf32, #tpu.memory_space<vmem>>) dst(%dma_wait3A_56 : memref<128x128xf32, #tpu.memory_space<vmem_shared>>)
      tpu.yield
    }) : () -> ()
    %add3A_10 = arith.constant 128 : i32
    %add3A_11 = arith.addi %mul3A_2, %add3A_10 : i32
    "tpu.region"() ({
      %run_scoped3A = tpu.sem_alloc : memref<!tpu.dma_semaphore, #tpu.memory_space<semaphore_mem>>
      %dma_start3A = arith.constant 0 : i32
      %dma_start3A_51 = tpu.memref_slice %arg12[%add3A_11, %dma_start3A] : memref<10240x128xf32, #tpu.memory_space<vmem_shared>> -> memref<128x128xf32, #tpu.memory_space<vmem_shared>>
      %dma_start3A_52 = arith.constant 0 : i32
      %dma_start3A_53 = tpu.memref_slice %arg12[%add3A_11, %dma_start3A_52] : memref<10240x128xf32, #tpu.memory_space<vmem_shared>> -> memref<128x128xf32, #tpu.memory_space<vmem_shared>>
      tpu.enqueue_dma source(%arg10 : memref<128x128xf32, #tpu.memory_space<vmem>>) target(%dma_start3A_53 : memref<128x128xf32, #tpu.memory_space<vmem_shared>>) target_semaphore(%run_scoped3A : memref<!tpu.dma_semaphore, #tpu.memory_space<semaphore_mem>>)
      %dma_wait3A = arith.constant 0 : i32
      %dma_wait3A_54 = tpu.memref_slice %arg12[%add3A_11, %dma_wait3A] : memref<10240x128xf32, #tpu.memory_space<vmem_shared>> -> memref<128x128xf32, #tpu.memory_space<vmem_shared>>
      %dma_wait3A_55 = arith.constant 0 : i32
      %dma_wait3A_56 = tpu.memref_slice %arg12[%add3A_11, %dma_wait3A_55] : memref<10240x128xf32, #tpu.memory_space<vmem_shared>> -> memref<128x128xf32, #tpu.memory_space<vmem_shared>>
      tpu.wait_dma2 semaphore(%run_scoped3A : memref<!tpu.dma_semaphore, #tpu.memory_space<semaphore_mem>>) src(%arg10 : memref<128x128xf32, #tpu.memory_space<vmem>>) dst(%dma_wait3A_56 : memref<128x128xf32, #tpu.memory_space<vmem_shared>>)
      tpu.yield
    }) : () -> ()
    %add3A_12 = arith.constant 256 : i32
    %add3A_13 = arith.addi %mul3A_2, %add3A_12 : i32
    "tpu.region"() ({
      %run_scoped3A = tpu.sem_alloc : memref<!tpu.dma_semaphore, #tpu.memory_space<semaphore_mem>>
      %dma_start3A = arith.constant 0 : i32
      %dma_start3A_51 = tpu.memref_slice %arg12[%add3A_13, %dma_start3A] : memref<10240x128xf32, #tpu.memory_space<vmem_shared>> -> memref<128x128xf32, #tpu.memory_space<vmem_shared>>
      %dma_start3A_52 = arith.constant 0 : i32
      %dma_start3A_53 = tpu.memref_slice %arg12[%add3A_13, %dma_start3A_52] : memref<10240x128xf32, #tpu.memory_space<vmem_shared>> -> memref<128x128xf32, #tpu.memory_space<vmem_shared>>
      tpu.enqueue_dma source(%arg10 : memref<128x128xf32, #tpu.memory_space<vmem>>) target(%dma_start3A_53 : memref<128x128xf32, #tpu.memory_space<vmem_shared>>) target_semaphore(%run_scoped3A : memref<!tpu.dma_semaphore, #tpu.memory_space<semaphore_mem>>)
      %dma_wait3A = arith.constant 0 : i32
      %dma_wait3A_54 = tpu.memref_slice %arg12[%add3A_13, %dma_wait3A] : memref<10240x128xf32, #tpu.memory_space<vmem_shared>> -> memref<128x128xf32, #tpu.memory_space<vmem_shared>>
      %dma_wait3A_55 = arith.constant 0 : i32
      %dma_wait3A_56 = tpu.memref_slice %arg12[%add3A_13, %dma_wait3A_55] : memref<10240x128xf32, #tpu.memory_space<vmem_shared>> -> memref<128x128xf32, #tpu.memory_space<vmem_shared>>
      tpu.wait_dma2 semaphore(%run_scoped3A : memref<!tpu.dma_semaphore, #tpu.memory_space<semaphore_mem>>) src(%arg10 : memref<128x128xf32, #tpu.memory_space<vmem>>) dst(%dma_wait3A_56 : memref<128x128xf32, #tpu.memory_space<vmem_shared>>)
      tpu.yield
    }) : () -> ()
    %add3A_14 = arith.constant 384 : i32
    %add3A_15 = arith.addi %mul3A_2, %add3A_14 : i32
    "tpu.region"() ({
      %run_scoped3A = tpu.sem_alloc : memref<!tpu.dma_semaphore, #tpu.memory_space<semaphore_mem>>
      %dma_start3A = arith.constant 0 : i32
      %dma_start3A_51 = tpu.memref_slice %arg12[%add3A_15, %dma_start3A] : memref<10240x128xf32, #tpu.memory_space<vmem_shared>> -> memref<128x128xf32, #tpu.memory_space<vmem_shared>>
      %dma_start3A_52 = arith.constant 0 : i32
      %dma_start3A_53 = tpu.memref_slice %arg12[%add3A_15, %dma_start3A_52] : memref<10240x128xf32, #tpu.memory_space<vmem_shared>> -> memref<128x128xf32, #tpu.memory_space<vmem_shared>>
      tpu.enqueue_dma source(%arg10 : memref<128x128xf32, #tpu.memory_space<vmem>>) target(%dma_start3A_53 : memref<128x128xf32, #tpu.memory_space<vmem_shared>>) target_semaphore(%run_scoped3A : memref<!tpu.dma_semaphore, #tpu.memory_space<semaphore_mem>>)
      %dma_wait3A = arith.constant 0 : i32
      %dma_wait3A_54 = tpu.memref_slice %arg12[%add3A_15, %dma_wait3A] : memref<10240x128xf32, #tpu.memory_space<vmem_shared>> -> memref<128x128xf32, #tpu.memory_space<vmem_shared>>
      %dma_wait3A_55 = arith.constant 0 : i32
      %dma_wait3A_56 = tpu.memref_slice %arg12[%add3A_15, %dma_wait3A_55] : memref<10240x128xf32, #tpu.memory_space<vmem_shared>> -> memref<128x128xf32, #tpu.memory_space<vmem_shared>>
      tpu.wait_dma2 semaphore(%run_scoped3A : memref<!tpu.dma_semaphore, #tpu.memory_space<semaphore_mem>>) src(%arg10 : memref<128x128xf32, #tpu.memory_space<vmem>>) dst(%dma_wait3A_56 : memref<128x128xf32, #tpu.memory_space<vmem_shared>>)
      tpu.yield
    }) : () -> ()
    %add3A_16 = arith.constant 512 : i32
    %add3A_17 = arith.addi %mul3A_2, %add3A_16 : i32
    "tpu.region"() ({
      %run_scoped3A = tpu.sem_alloc : memref<!tpu.dma_semaphore, #tpu.memory_space<semaphore_mem>>
      %dma_start3A = arith.constant 0 : i32
      %dma_start3A_51 = tpu.memref_slice %arg12[%add3A_17, %dma_start3A] : memref<10240x128xf32, #tpu.memory_space<vmem_shared>> -> memref<128x128xf32, #tpu.memory_space<vmem_shared>>
      %dma_start3A_52 = arith.constant 0 : i32
      %dma_start3A_53 = tpu.memref_slice %arg12[%add3A_17, %dma_start3A_52] : memref<10240x128xf32, #tpu.memory_space<vmem_shared>> -> memref<128x128xf32, #tpu.memory_space<vmem_shared>>
      tpu.enqueue_dma source(%arg10 : memref<128x128xf32, #tpu.memory_space<vmem>>) target(%dma_start3A_53 : memref<128x128xf32, #tpu.memory_space<vmem_shared>>) target_semaphore(%run_scoped3A : memref<!tpu.dma_semaphore, #tpu.memory_space<semaphore_mem>>)
      %dma_wait3A = arith.constant 0 : i32
      %dma_wait3A_54 = tpu.memref_slice %arg12[%add3A_17, %dma_wait3A] : memref<10240x128xf32, #tpu.memory_space<vmem_shared>> -> memref<128x128xf32, #tpu.memory_space<vmem_shared>>
      %dma_wait3A_55 = arith.constant 0 : i32
      %dma_wait3A_56 = tpu.memref_slice %arg12[%add3A_17, %dma_wait3A_55] : memref<10240x128xf32, #tpu.memory_space<vmem_shared>> -> memref<128x128xf32, #tpu.memory_space<vmem_shared>>
      tpu.wait_dma2 semaphore(%run_scoped3A : memref<!tpu.dma_semaphore, #tpu.memory_space<semaphore_mem>>) src(%arg10 : memref<128x128xf32, #tpu.memory_space<vmem>>) dst(%dma_wait3A_56 : memref<128x128xf32, #tpu.memory_space<vmem_shared>>)
      tpu.yield
    }) : () -> ()
    %barrier3A = arith.constant 0 : index
    tpu.barrier barrier_id(%barrier3A)
    %eq3A = arith.constant 0 : i32
    %eq3A_18 = arith.cmpi eq, %arg0, %eq3A : i32
    %jit3A = arith.constant 80 : i32
    %jit3A_19 = arith.constant 80 : i32
    %select_n3A = arith.select %eq3A_18, %jit3A, %jit3A_19 : i32
    %mul3A_20 = arith.constant 1280 : i32
    %mul3A_21 = arith.muli %arg0, %mul3A_20 : i32
    %mul3A_22 = arith.muli %arg1, %select_n3A : i32
    %add3A_23 = arith.addi %mul3A_21, %mul3A_22 : i32
    %gt3A = arith.constant 0 : i32
    %gt3A_24 = arith.cmpi sgt, %select_n3A, %gt3A : i32
    %convert_element_type3A = arith.extui %gt3A_24 : i1 to i32
    %cond3A = arith.constant 0 : i32
    %cond3A_25 = arith.cmpi ne, %convert_element_type3A, %cond3A : i32
    scf.if %cond3A_25 {
      %add3A_51 = arith.constant 0 : i32
      %add3A_52 = arith.addi %add3A_23, %add3A_51 : i32
      %mul3A_53 = arith.constant 128 : i32
      %mul3A_54 = arith.muli %add3A_52, %mul3A_53 : i32
      "tpu.region"() ({
        %run_scoped3A = tpu.sem_alloc : memref<!tpu.dma_semaphore, #tpu.memory_space<semaphore_mem>>
        %dma_start3A_57 = tpu.memref_slice %arg4[%mul3A_54] : memref<327680xi32, #tpu.memory_space<hbm>> -> memref<128xi32, #tpu.memory_space<hbm>>
        %dma_start3A_58 = tpu.memref_slice %arg4[%mul3A_54] : memref<327680xi32, #tpu.memory_space<hbm>> -> memref<128xi32, #tpu.memory_space<hbm>>
        tpu.enqueue_dma source(%dma_start3A_58 : memref<128xi32, #tpu.memory_space<hbm>>) target(%arg8 : memref<128xi32, #tpu.memory_space<vmem>>) target_semaphore(%run_scoped3A : memref<!tpu.dma_semaphore, #tpu.memory_space<semaphore_mem>>)
        %dma_wait3A = tpu.memref_slice %arg4[%mul3A_54] : memref<327680xi32, #tpu.memory_space<hbm>> -> memref<128xi32, #tpu.memory_space<hbm>>
        %dma_wait3A_59 = tpu.memref_slice %arg4[%mul3A_54] : memref<327680xi32, #tpu.memory_space<hbm>> -> memref<128xi32, #tpu.memory_space<hbm>>
        tpu.wait_dma2 semaphore(%run_scoped3A : memref<!tpu.dma_semaphore, #tpu.memory_space<semaphore_mem>>) src(%dma_wait3A_59 : memref<128xi32, #tpu.memory_space<hbm>>) dst(%arg8 : memref<128xi32, #tpu.memory_space<vmem>>)
        tpu.yield
      }) : () -> ()
      "tpu.region"() ({
        %run_scoped3A = tpu.sem_alloc : memref<!tpu.dma_semaphore, #tpu.memory_space<semaphore_mem>>
        %dma_start3A_57 = tpu.memref_slice %arg3[%mul3A_54] : memref<327680xi32, #tpu.memory_space<hbm>> -> memref<128xi32, #tpu.memory_space<hbm>>
        %dma_start3A_58 = tpu.memref_slice %arg3[%mul3A_54] : memref<327680xi32, #tpu.memory_space<hbm>> -> memref<128xi32, #tpu.memory_space<hbm>>
        tpu.enqueue_dma source(%dma_start3A_58 : memref<128xi32, #tpu.memory_space<hbm>>) target(%arg6 : memref<128xi32, #tpu.memory_space<vmem>>) target_semaphore(%run_scoped3A : memref<!tpu.dma_semaphore, #tpu.memory_space<semaphore_mem>>)
        %dma_wait3A = tpu.memref_slice %arg3[%mul3A_54] : memref<327680xi32, #tpu.memory_space<hbm>> -> memref<128xi32, #tpu.memory_space<hbm>>
        %dma_wait3A_59 = tpu.memref_slice %arg3[%mul3A_54] : memref<327680xi32, #tpu.memory_space<hbm>> -> memref<128xi32, #tpu.memory_space<hbm>>
        tpu.wait_dma2 semaphore(%run_scoped3A : memref<!tpu.dma_semaphore, #tpu.memory_space<semaphore_mem>>) src(%dma_wait3A_59 : memref<128xi32, #tpu.memory_space<hbm>>) dst(%arg6 : memref<128xi32, #tpu.memory_space<vmem>>)
        tpu.yield
      }) : () -> ()
      %dma_start3A = arith.constant 0 : i32
      %dma_start3A_55 = arith.constant 0 : i32
      %dma_start3A_56 = tpu.memref_slice %arg2[%dma_start3A, %dma_start3A_55] : memref<10240x128xf32, #tpu.memory_space<hbm>> -> memref<10240x128xf32, #tpu.memory_space<hbm>>
      tpu.enqueue_indirect_dma source(%dma_start3A_56 : memref<10240x128xf32, #tpu.memory_space<hbm>>) target(%arg10 : memref<128x128xf32, #tpu.memory_space<vmem>>) offsets(%arg6 : memref<128xi32, #tpu.memory_space<vmem>>) semaphore(%arg13 : memref<!tpu.dma_semaphore, #tpu.memory_space<semaphore_mem>>)
    } else {
    }
    %sub3A = arith.constant 0 : i32
    %sub3A_26 = arith.subi %select_n3A, %sub3A : i32
    %sub3A_27 = arith.constant 2 : i32
    %sub3A_28 = arith.constant 1 : i32
    %sub3A_29 = arith.subi %sub3A_27, %sub3A_28 : i32
    %add3A_30 = arith.addi %sub3A_26, %sub3A_29 : i32
    %div3A = arith.constant 2 : i32
    %div3A_31 = arith.divsi %add3A_30, %div3A : i32
    %while3A = arith.constant 2 : i32
    %while3A_32 = arith.constant 0 : i32
    %while3A_33 = arith.constant 0 : i32
    %while3A_34 = arith.subi %div3A_31, %while3A_33 : i32
    %while3A_35 = arith.addi %while3A_33, %while3A_34 : i32
    %while3A_36 = arith.constant 1 : i32
    %while3A_37 = arith.divsi %while3A_34, %while3A_36 : i32
    %while3A_38 = arith.muli %while3A_37, %while3A_36 : i32
    %while3A_39 = arith.addi %while3A_33, %while3A_38 : i32
    %while3A_40 = arith.constant 1 : i32
    scf.for %while3A_51 = %while3A_33 to %while3A_39 step %while3A_40  : i32 {
      %mul3A_52 = arith.muli %while3A_51, %while3A : i32
      %add3A_53 = arith.addi %while3A_32, %mul3A_52 : i32
      %add3A_54 = arith.constant 0 : i32
      %add3A_55 = arith.addi %add3A_53, %add3A_54 : i32
      %add3A_56 = arith.constant 1 : i32
      %add3A_57 = arith.addi %add3A_55, %add3A_56 : i32
      %lt3A = arith.cmpi slt, %add3A_57, %select_n3A : i32
      %gt3A_58 = arith.constant 0 : i32
      %gt3A_59 = arith.cmpi sgt, %add3A_55, %gt3A_58 : i32
      %and3A = arith.andi %lt3A, %gt3A_59 : i1
      %convert_element_type3A_60 = arith.extui %and3A : i1 to i32
      %cond3A_61 = arith.constant 0 : i32
      %cond3A_62 = arith.cmpi ne, %convert_element_type3A_60, %cond3A_61 : i32
      scf.if %cond3A_62 {
        %dma_wait3A_92 = arith.constant 0 : i32
        %dma_wait3A_93 = arith.constant 0 : i32
        %dma_wait3A_94 = tpu.memref_slice %arg12[%dma_wait3A_92, %dma_wait3A_93] : memref<10240x128xf32, #tpu.memory_space<vmem_shared>> -> memref<10240x128xf32, #tpu.memory_space<vmem_shared>>
        tpu.wait_indirect_dma semaphore(%arg16 : memref<!tpu.dma_semaphore, #tpu.memory_space<semaphore_mem>>) src(%arg11 : memref<128x128xf32, #tpu.memory_space<vmem>>) dst(%dma_wait3A_94 : memref<10240x128xf32, #tpu.memory_space<vmem_shared>>)
      } else {
      }
      %lt3A_63 = arith.cmpi slt, %add3A_57, %select_n3A : i32
      %convert_element_type3A_64 = arith.extui %lt3A_63 : i1 to i32
      %cond3A_65 = arith.constant 0 : i32
      %cond3A_66 = arith.cmpi ne, %convert_element_type3A_64, %cond3A_65 : i32
      scf.if %cond3A_66 {
        %add3A_92 = arith.addi %add3A_23, %add3A_57 : i32
        %mul3A_93 = arith.constant 128 : i32
        %mul3A_94 = arith.muli %add3A_92, %mul3A_93 : i32
        "tpu.region"() ({
          %run_scoped3A = tpu.sem_alloc : memref<!tpu.dma_semaphore, #tpu.memory_space<semaphore_mem>>
          %dma_start3A_98 = tpu.memref_slice %arg4[%mul3A_94] : memref<327680xi32, #tpu.memory_space<hbm>> -> memref<128xi32, #tpu.memory_space<hbm>>
          %dma_start3A_99 = tpu.memref_slice %arg4[%mul3A_94] : memref<327680xi32, #tpu.memory_space<hbm>> -> memref<128xi32, #tpu.memory_space<hbm>>
          tpu.enqueue_dma source(%dma_start3A_99 : memref<128xi32, #tpu.memory_space<hbm>>) target(%arg9 : memref<128xi32, #tpu.memory_space<vmem>>) target_semaphore(%run_scoped3A : memref<!tpu.dma_semaphore, #tpu.memory_space<semaphore_mem>>)
          %dma_wait3A_100 = tpu.memref_slice %arg4[%mul3A_94] : memref<327680xi32, #tpu.memory_space<hbm>> -> memref<128xi32, #tpu.memory_space<hbm>>
          %dma_wait3A_101 = tpu.memref_slice %arg4[%mul3A_94] : memref<327680xi32, #tpu.memory_space<hbm>> -> memref<128xi32, #tpu.memory_space<hbm>>
          tpu.wait_dma2 semaphore(%run_scoped3A : memref<!tpu.dma_semaphore, #tpu.memory_space<semaphore_mem>>) src(%dma_wait3A_101 : memref<128xi32, #tpu.memory_space<hbm>>) dst(%arg9 : memref<128xi32, #tpu.memory_space<vmem>>)
          tpu.yield
        }) : () -> ()
        "tpu.region"() ({
          %run_scoped3A = tpu.sem_alloc : memref<!tpu.dma_semaphore, #tpu.memory_space<semaphore_mem>>
          %dma_start3A_98 = tpu.memref_slice %arg3[%mul3A_94] : memref<327680xi32, #tpu.memory_space<hbm>> -> memref<128xi32, #tpu.memory_space<hbm>>
          %dma_start3A_99 = tpu.memref_slice %arg3[%mul3A_94] : memref<327680xi32, #tpu.memory_space<hbm>> -> memref<128xi32, #tpu.memory_space<hbm>>
          tpu.enqueue_dma source(%dma_start3A_99 : memref<128xi32, #tpu.memory_space<hbm>>) target(%arg7 : memref<128xi32, #tpu.memory_space<vmem>>) target_semaphore(%run_scoped3A : memref<!tpu.dma_semaphore, #tpu.memory_space<semaphore_mem>>)
          %dma_wait3A_100 = tpu.memref_slice %arg3[%mul3A_94] : memref<327680xi32, #tpu.memory_space<hbm>> -> memref<128xi32, #tpu.memory_space<hbm>>
          %dma_wait3A_101 = tpu.memref_slice %arg3[%mul3A_94] : memref<327680xi32, #tpu.memory_space<hbm>> -> memref<128xi32, #tpu.memory_space<hbm>>
          tpu.wait_dma2 semaphore(%run_scoped3A : memref<!tpu.dma_semaphore, #tpu.memory_space<semaphore_mem>>) src(%dma_wait3A_101 : memref<128xi32, #tpu.memory_space<hbm>>) dst(%arg7 : memref<128xi32, #tpu.memory_space<vmem>>)
          tpu.yield
        }) : () -> ()
        %dma_start3A_95 = arith.constant 0 : i32
        %dma_start3A_96 = arith.constant 0 : i32
        %dma_start3A_97 = tpu.memref_slice %arg2[%dma_start3A_95, %dma_start3A_96] : memref<10240x128xf32, #tpu.memory_space<hbm>> -> memref<10240x128xf32, #tpu.memory_space<hbm>>
        tpu.enqueue_indirect_dma source(%dma_start3A_97 : memref<10240x128xf32, #tpu.memory_space<hbm>>) target(%arg11 : memref<128x128xf32, #tpu.memory_space<vmem>>) offsets(%arg7 : memref<128xi32, #tpu.memory_space<vmem>>) semaphore(%arg14 : memref<!tpu.dma_semaphore, #tpu.memory_space<semaphore_mem>>)
      } else {
      }
      %dma_wait3A = arith.constant 0 : i32
      %dma_wait3A_67 = arith.constant 0 : i32
      %dma_wait3A_68 = tpu.memref_slice %arg2[%dma_wait3A, %dma_wait3A_67] : memref<10240x128xf32, #tpu.memory_space<hbm>> -> memref<10240x128xf32, #tpu.memory_space<hbm>>
      tpu.wait_indirect_dma semaphore(%arg13 : memref<!tpu.dma_semaphore, #tpu.memory_space<semaphore_mem>>) src(%dma_wait3A_68 : memref<10240x128xf32, #tpu.memory_space<hbm>>) dst(%arg10 : memref<128x128xf32, #tpu.memory_space<vmem>>)
      %dma_start3A = arith.constant 0 : i32
      %dma_start3A_69 = arith.constant 0 : i32
      %dma_start3A_70 = tpu.memref_slice %arg12[%dma_start3A, %dma_start3A_69] : memref<10240x128xf32, #tpu.memory_space<vmem_shared>> -> memref<10240x128xf32, #tpu.memory_space<vmem_shared>>
      tpu.enqueue_indirect_dma source(%arg10 : memref<128x128xf32, #tpu.memory_space<vmem>>) target(%dma_start3A_70 : memref<10240x128xf32, #tpu.memory_space<vmem_shared>>) offsets(%arg8 : memref<128xi32, #tpu.memory_space<vmem>>) semaphore(%arg15 : memref<!tpu.dma_semaphore, #tpu.memory_space<semaphore_mem>>) {add = true}
      %add3A_71 = arith.constant 1 : i32
      %add3A_72 = arith.addi %add3A_53, %add3A_71 : i32
      %add3A_73 = arith.constant 1 : i32
      %add3A_74 = arith.addi %add3A_72, %add3A_73 : i32
      %lt3A_75 = arith.cmpi slt, %add3A_74, %select_n3A : i32
      %gt3A_76 = arith.constant 0 : i32
      %gt3A_77 = arith.cmpi sgt, %add3A_72, %gt3A_76 : i32
      %and3A_78 = arith.andi %lt3A_75, %gt3A_77 : i1
      %convert_element_type3A_79 = arith.extui %and3A_78 : i1 to i32
      %cond3A_80 = arith.constant 0 : i32
      %cond3A_81 = arith.cmpi ne, %convert_element_type3A_79, %cond3A_80 : i32
      scf.if %cond3A_81 {
        %dma_wait3A_92 = arith.constant 0 : i32
        %dma_wait3A_93 = arith.constant 0 : i32
        %dma_wait3A_94 = tpu.memref_slice %arg12[%dma_wait3A_92, %dma_wait3A_93] : memref<10240x128xf32, #tpu.memory_space<vmem_shared>> -> memref<10240x128xf32, #tpu.memory_space<vmem_shared>>
        tpu.wait_indirect_dma semaphore(%arg15 : memref<!tpu.dma_semaphore, #tpu.memory_space<semaphore_mem>>) src(%arg10 : memref<128x128xf32, #tpu.memory_space<vmem>>) dst(%dma_wait3A_94 : memref<10240x128xf32, #tpu.memory_space<vmem_shared>>)
      } else {
      }
      %lt3A_82 = arith.cmpi slt, %add3A_74, %select_n3A : i32
      %convert_element_type3A_83 = arith.extui %lt3A_82 : i1 to i32
      %cond3A_84 = arith.constant 0 : i32
      %cond3A_85 = arith.cmpi ne, %convert_element_type3A_83, %cond3A_84 : i32
      scf.if %cond3A_85 {
        %add3A_92 = arith.addi %add3A_23, %add3A_74 : i32
        %mul3A_93 = arith.constant 128 : i32
        %mul3A_94 = arith.muli %add3A_92, %mul3A_93 : i32
        "tpu.region"() ({
          %run_scoped3A = tpu.sem_alloc : memref<!tpu.dma_semaphore, #tpu.memory_space<semaphore_mem>>
          %dma_start3A_98 = tpu.memref_slice %arg4[%mul3A_94] : memref<327680xi32, #tpu.memory_space<hbm>> -> memref<128xi32, #tpu.memory_space<hbm>>
          %dma_start3A_99 = tpu.memref_slice %arg4[%mul3A_94] : memref<327680xi32, #tpu.memory_space<hbm>> -> memref<128xi32, #tpu.memory_space<hbm>>
          tpu.enqueue_dma source(%dma_start3A_99 : memref<128xi32, #tpu.memory_space<hbm>>) target(%arg8 : memref<128xi32, #tpu.memory_space<vmem>>) target_semaphore(%run_scoped3A : memref<!tpu.dma_semaphore, #tpu.memory_space<semaphore_mem>>)
          %dma_wait3A_100 = tpu.memref_slice %arg4[%mul3A_94] : memref<327680xi32, #tpu.memory_space<hbm>> -> memref<128xi32, #tpu.memory_space<hbm>>
          %dma_wait3A_101 = tpu.memref_slice %arg4[%mul3A_94] : memref<327680xi32, #tpu.memory_space<hbm>> -> memref<128xi32, #tpu.memory_space<hbm>>
          tpu.wait_dma2 semaphore(%run_scoped3A : memref<!tpu.dma_semaphore, #tpu.memory_space<semaphore_mem>>) src(%dma_wait3A_101 : memref<128xi32, #tpu.memory_space<hbm>>) dst(%arg8 : memref<128xi32, #tpu.memory_space<vmem>>)
          tpu.yield
        }) : () -> ()
        "tpu.region"() ({
          %run_scoped3A = tpu.sem_alloc : memref<!tpu.dma_semaphore, #tpu.memory_space<semaphore_mem>>
          %dma_start3A_98 = tpu.memref_slice %arg3[%mul3A_94] : memref<327680xi32, #tpu.memory_space<hbm>> -> memref<128xi32, #tpu.memory_space<hbm>>
          %dma_start3A_99 = tpu.memref_slice %arg3[%mul3A_94] : memref<327680xi32, #tpu.memory_space<hbm>> -> memref<128xi32, #tpu.memory_space<hbm>>
          tpu.enqueue_dma source(%dma_start3A_99 : memref<128xi32, #tpu.memory_space<hbm>>) target(%arg6 : memref<128xi32, #tpu.memory_space<vmem>>) target_semaphore(%run_scoped3A : memref<!tpu.dma_semaphore, #tpu.memory_space<semaphore_mem>>)
          %dma_wait3A_100 = tpu.memref_slice %arg3[%mul3A_94] : memref<327680xi32, #tpu.memory_space<hbm>> -> memref<128xi32, #tpu.memory_space<hbm>>
          %dma_wait3A_101 = tpu.memref_slice %arg3[%mul3A_94] : memref<327680xi32, #tpu.memory_space<hbm>> -> memref<128xi32, #tpu.memory_space<hbm>>
          tpu.wait_dma2 semaphore(%run_scoped3A : memref<!tpu.dma_semaphore, #tpu.memory_space<semaphore_mem>>) src(%dma_wait3A_101 : memref<128xi32, #tpu.memory_space<hbm>>) dst(%arg6 : memref<128xi32, #tpu.memory_space<vmem>>)
          tpu.yield
        }) : () -> ()
        %dma_start3A_95 = arith.constant 0 : i32
        %dma_start3A_96 = arith.constant 0 : i32
        %dma_start3A_97 = tpu.memref_slice %arg2[%dma_start3A_95, %dma_start3A_96] : memref<10240x128xf32, #tpu.memory_space<hbm>> -> memref<10240x128xf32, #tpu.memory_space<hbm>>
        tpu.enqueue_indirect_dma source(%dma_start3A_97 : memref<10240x128xf32, #tpu.memory_space<hbm>>) target(%arg10 : memref<128x128xf32, #tpu.memory_space<vmem>>) offsets(%arg6 : memref<128xi32, #tpu.memory_space<vmem>>) semaphore(%arg13 : memref<!tpu.dma_semaphore, #tpu.memory_space<semaphore_mem>>)
      } else {
      }
      %dma_wait3A_86 = arith.constant 0 : i32
      %dma_wait3A_87 = arith.constant 0 : i32
      %dma_wait3A_88 = tpu.memref_slice %arg2[%dma_wait3A_86, %dma_wait3A_87] : memref<10240x128xf32, #tpu.memory_space<hbm>> -> memref<10240x128xf32, #tpu.memory_space<hbm>>
      tpu.wait_indirect_dma semaphore(%arg14 : memref<!tpu.dma_semaphore, #tpu.memory_space<semaphore_mem>>) src(%dma_wait3A_88 : memref<10240x128xf32, #tpu.memory_space<hbm>>) dst(%arg11 : memref<128x128xf32, #tpu.memory_space<vmem>>)
      %dma_start3A_89 = arith.constant 0 : i32
      %dma_start3A_90 = arith.constant 0 : i32
      %dma_start3A_91 = tpu.memref_slice %arg12[%dma_start3A_89, %dma_start3A_90] : memref<10240x128xf32, #tpu.memory_space<vmem_shared>> -> memref<10240x128xf32, #tpu.memory_space<vmem_shared>>
      tpu.enqueue_indirect_dma source(%arg11 : memref<128x128xf32, #tpu.memory_space<vmem>>) target(%dma_start3A_91 : memref<10240x128xf32, #tpu.memory_space<vmem_shared>>) offsets(%arg9 : memref<128xi32, #tpu.memory_space<vmem>>) semaphore(%arg16 : memref<!tpu.dma_semaphore, #tpu.memory_space<semaphore_mem>>) {add = true}
    }
    %while3A_41 = arith.constant 1 : i32
    scf.for %while3A_51 = %while3A_39 to %while3A_35 step %while3A_41  : i32 {
      %mul3A_52 = arith.muli %while3A_51, %while3A : i32
      %add3A_53 = arith.addi %while3A_32, %mul3A_52 : i32
      %add3A_54 = arith.constant 0 : i32
      %add3A_55 = arith.addi %add3A_53, %add3A_54 : i32
      %add3A_56 = arith.constant 1 : i32
      %add3A_57 = arith.addi %add3A_55, %add3A_56 : i32
      %lt3A = arith.cmpi slt, %add3A_57, %select_n3A : i32
      %gt3A_58 = arith.constant 0 : i32
      %gt3A_59 = arith.cmpi sgt, %add3A_55, %gt3A_58 : i32
      %and3A = arith.andi %lt3A, %gt3A_59 : i1
      %convert_element_type3A_60 = arith.extui %and3A : i1 to i32
      %cond3A_61 = arith.constant 0 : i32
      %cond3A_62 = arith.cmpi ne, %convert_element_type3A_60, %cond3A_61 : i32
      scf.if %cond3A_62 {
        %dma_wait3A_92 = arith.constant 0 : i32
        %dma_wait3A_93 = arith.constant 0 : i32
        %dma_wait3A_94 = tpu.memref_slice %arg12[%dma_wait3A_92, %dma_wait3A_93] : memref<10240x128xf32, #tpu.memory_space<vmem_shared>> -> memref<10240x128xf32, #tpu.memory_space<vmem_shared>>
        tpu.wait_indirect_dma semaphore(%arg16 : memref<!tpu.dma_semaphore, #tpu.memory_space<semaphore_mem>>) src(%arg11 : memref<128x128xf32, #tpu.memory_space<vmem>>) dst(%dma_wait3A_94 : memref<10240x128xf32, #tpu.memory_space<vmem_shared>>)
      } else {
      }
      %lt3A_63 = arith.cmpi slt, %add3A_57, %select_n3A : i32
      %convert_element_type3A_64 = arith.extui %lt3A_63 : i1 to i32
      %cond3A_65 = arith.constant 0 : i32
      %cond3A_66 = arith.cmpi ne, %convert_element_type3A_64, %cond3A_65 : i32
      scf.if %cond3A_66 {
        %add3A_92 = arith.addi %add3A_23, %add3A_57 : i32
        %mul3A_93 = arith.constant 128 : i32
        %mul3A_94 = arith.muli %add3A_92, %mul3A_93 : i32
        "tpu.region"() ({
          %run_scoped3A = tpu.sem_alloc : memref<!tpu.dma_semaphore, #tpu.memory_space<semaphore_mem>>
          %dma_start3A_98 = tpu.memref_slice %arg4[%mul3A_94] : memref<327680xi32, #tpu.memory_space<hbm>> -> memref<128xi32, #tpu.memory_space<hbm>>
          %dma_start3A_99 = tpu.memref_slice %arg4[%mul3A_94] : memref<327680xi32, #tpu.memory_space<hbm>> -> memref<128xi32, #tpu.memory_space<hbm>>
          tpu.enqueue_dma source(%dma_start3A_99 : memref<128xi32, #tpu.memory_space<hbm>>) target(%arg9 : memref<128xi32, #tpu.memory_space<vmem>>) target_semaphore(%run_scoped3A : memref<!tpu.dma_semaphore, #tpu.memory_space<semaphore_mem>>)
          %dma_wait3A_100 = tpu.memref_slice %arg4[%mul3A_94] : memref<327680xi32, #tpu.memory_space<hbm>> -> memref<128xi32, #tpu.memory_space<hbm>>
          %dma_wait3A_101 = tpu.memref_slice %arg4[%mul3A_94] : memref<327680xi32, #tpu.memory_space<hbm>> -> memref<128xi32, #tpu.memory_space<hbm>>
          tpu.wait_dma2 semaphore(%run_scoped3A : memref<!tpu.dma_semaphore, #tpu.memory_space<semaphore_mem>>) src(%dma_wait3A_101 : memref<128xi32, #tpu.memory_space<hbm>>) dst(%arg9 : memref<128xi32, #tpu.memory_space<vmem>>)
          tpu.yield
        }) : () -> ()
        "tpu.region"() ({
          %run_scoped3A = tpu.sem_alloc : memref<!tpu.dma_semaphore, #tpu.memory_space<semaphore_mem>>
          %dma_start3A_98 = tpu.memref_slice %arg3[%mul3A_94] : memref<327680xi32, #tpu.memory_space<hbm>> -> memref<128xi32, #tpu.memory_space<hbm>>
          %dma_start3A_99 = tpu.memref_slice %arg3[%mul3A_94] : memref<327680xi32, #tpu.memory_space<hbm>> -> memref<128xi32, #tpu.memory_space<hbm>>
          tpu.enqueue_dma source(%dma_start3A_99 : memref<128xi32, #tpu.memory_space<hbm>>) target(%arg7 : memref<128xi32, #tpu.memory_space<vmem>>) target_semaphore(%run_scoped3A : memref<!tpu.dma_semaphore, #tpu.memory_space<semaphore_mem>>)
          %dma_wait3A_100 = tpu.memref_slice %arg3[%mul3A_94] : memref<327680xi32, #tpu.memory_space<hbm>> -> memref<128xi32, #tpu.memory_space<hbm>>
          %dma_wait3A_101 = tpu.memref_slice %arg3[%mul3A_94] : memref<327680xi32, #tpu.memory_space<hbm>> -> memref<128xi32, #tpu.memory_space<hbm>>
          tpu.wait_dma2 semaphore(%run_scoped3A : memref<!tpu.dma_semaphore, #tpu.memory_space<semaphore_mem>>) src(%dma_wait3A_101 : memref<128xi32, #tpu.memory_space<hbm>>) dst(%arg7 : memref<128xi32, #tpu.memory_space<vmem>>)
          tpu.yield
        }) : () -> ()
        %dma_start3A_95 = arith.constant 0 : i32
        %dma_start3A_96 = arith.constant 0 : i32
        %dma_start3A_97 = tpu.memref_slice %arg2[%dma_start3A_95, %dma_start3A_96] : memref<10240x128xf32, #tpu.memory_space<hbm>> -> memref<10240x128xf32, #tpu.memory_space<hbm>>
        tpu.enqueue_indirect_dma source(%dma_start3A_97 : memref<10240x128xf32, #tpu.memory_space<hbm>>) target(%arg11 : memref<128x128xf32, #tpu.memory_space<vmem>>) offsets(%arg7 : memref<128xi32, #tpu.memory_space<vmem>>) semaphore(%arg14 : memref<!tpu.dma_semaphore, #tpu.memory_space<semaphore_mem>>)
      } else {
      }
      %dma_wait3A = arith.constant 0 : i32
      %dma_wait3A_67 = arith.constant 0 : i32
      %dma_wait3A_68 = tpu.memref_slice %arg2[%dma_wait3A, %dma_wait3A_67] : memref<10240x128xf32, #tpu.memory_space<hbm>> -> memref<10240x128xf32, #tpu.memory_space<hbm>>
      tpu.wait_indirect_dma semaphore(%arg13 : memref<!tpu.dma_semaphore, #tpu.memory_space<semaphore_mem>>) src(%dma_wait3A_68 : memref<10240x128xf32, #tpu.memory_space<hbm>>) dst(%arg10 : memref<128x128xf32, #tpu.memory_space<vmem>>)
      %dma_start3A = arith.constant 0 : i32
      %dma_start3A_69 = arith.constant 0 : i32
      %dma_start3A_70 = tpu.memref_slice %arg12[%dma_start3A, %dma_start3A_69] : memref<10240x128xf32, #tpu.memory_space<vmem_shared>> -> memref<10240x128xf32, #tpu.memory_space<vmem_shared>>
      tpu.enqueue_indirect_dma source(%arg10 : memref<128x128xf32, #tpu.memory_space<vmem>>) target(%dma_start3A_70 : memref<10240x128xf32, #tpu.memory_space<vmem_shared>>) offsets(%arg8 : memref<128xi32, #tpu.memory_space<vmem>>) semaphore(%arg15 : memref<!tpu.dma_semaphore, #tpu.memory_space<semaphore_mem>>) {add = true}
      %add3A_71 = arith.constant 1 : i32
      %add3A_72 = arith.addi %add3A_53, %add3A_71 : i32
      %add3A_73 = arith.constant 1 : i32
      %add3A_74 = arith.addi %add3A_72, %add3A_73 : i32
      %lt3A_75 = arith.cmpi slt, %add3A_74, %select_n3A : i32
      %gt3A_76 = arith.constant 0 : i32
      %gt3A_77 = arith.cmpi sgt, %add3A_72, %gt3A_76 : i32
      %and3A_78 = arith.andi %lt3A_75, %gt3A_77 : i1
      %convert_element_type3A_79 = arith.extui %and3A_78 : i1 to i32
      %cond3A_80 = arith.constant 0 : i32
      %cond3A_81 = arith.cmpi ne, %convert_element_type3A_79, %cond3A_80 : i32
      scf.if %cond3A_81 {
        %dma_wait3A_92 = arith.constant 0 : i32
        %dma_wait3A_93 = arith.constant 0 : i32
        %dma_wait3A_94 = tpu.memref_slice %arg12[%dma_wait3A_92, %dma_wait3A_93] : memref<10240x128xf32, #tpu.memory_space<vmem_shared>> -> memref<10240x128xf32, #tpu.memory_space<vmem_shared>>
        tpu.wait_indirect_dma semaphore(%arg15 : memref<!tpu.dma_semaphore, #tpu.memory_space<semaphore_mem>>) src(%arg10 : memref<128x128xf32, #tpu.memory_space<vmem>>) dst(%dma_wait3A_94 : memref<10240x128xf32, #tpu.memory_space<vmem_shared>>)
      } else {
      }
      %lt3A_82 = arith.cmpi slt, %add3A_74, %select_n3A : i32
      %convert_element_type3A_83 = arith.extui %lt3A_82 : i1 to i32
      %cond3A_84 = arith.constant 0 : i32
      %cond3A_85 = arith.cmpi ne, %convert_element_type3A_83, %cond3A_84 : i32
      scf.if %cond3A_85 {
        %add3A_92 = arith.addi %add3A_23, %add3A_74 : i32
        %mul3A_93 = arith.constant 128 : i32
        %mul3A_94 = arith.muli %add3A_92, %mul3A_93 : i32
        "tpu.region"() ({
          %run_scoped3A = tpu.sem_alloc : memref<!tpu.dma_semaphore, #tpu.memory_space<semaphore_mem>>
          %dma_start3A_98 = tpu.memref_slice %arg4[%mul3A_94] : memref<327680xi32, #tpu.memory_space<hbm>> -> memref<128xi32, #tpu.memory_space<hbm>>
          %dma_start3A_99 = tpu.memref_slice %arg4[%mul3A_94] : memref<327680xi32, #tpu.memory_space<hbm>> -> memref<128xi32, #tpu.memory_space<hbm>>
          tpu.enqueue_dma source(%dma_start3A_99 : memref<128xi32, #tpu.memory_space<hbm>>) target(%arg8 : memref<128xi32, #tpu.memory_space<vmem>>) target_semaphore(%run_scoped3A : memref<!tpu.dma_semaphore, #tpu.memory_space<semaphore_mem>>)
          %dma_wait3A_100 = tpu.memref_slice %arg4[%mul3A_94] : memref<327680xi32, #tpu.memory_space<hbm>> -> memref<128xi32, #tpu.memory_space<hbm>>
          %dma_wait3A_101 = tpu.memref_slice %arg4[%mul3A_94] : memref<327680xi32, #tpu.memory_space<hbm>> -> memref<128xi32, #tpu.memory_space<hbm>>
          tpu.wait_dma2 semaphore(%run_scoped3A : memref<!tpu.dma_semaphore, #tpu.memory_space<semaphore_mem>>) src(%dma_wait3A_101 : memref<128xi32, #tpu.memory_space<hbm>>) dst(%arg8 : memref<128xi32, #tpu.memory_space<vmem>>)
          tpu.yield
        }) : () -> ()
        "tpu.region"() ({
          %run_scoped3A = tpu.sem_alloc : memref<!tpu.dma_semaphore, #tpu.memory_space<semaphore_mem>>
          %dma_start3A_98 = tpu.memref_slice %arg3[%mul3A_94] : memref<327680xi32, #tpu.memory_space<hbm>> -> memref<128xi32, #tpu.memory_space<hbm>>
          %dma_start3A_99 = tpu.memref_slice %arg3[%mul3A_94] : memref<327680xi32, #tpu.memory_space<hbm>> -> memref<128xi32, #tpu.memory_space<hbm>>
          tpu.enqueue_dma source(%dma_start3A_99 : memref<128xi32, #tpu.memory_space<hbm>>) target(%arg6 : memref<128xi32, #tpu.memory_space<vmem>>) target_semaphore(%run_scoped3A : memref<!tpu.dma_semaphore, #tpu.memory_space<semaphore_mem>>)
          %dma_wait3A_100 = tpu.memref_slice %arg3[%mul3A_94] : memref<327680xi32, #tpu.memory_space<hbm>> -> memref<128xi32, #tpu.memory_space<hbm>>
          %dma_wait3A_101 = tpu.memref_slice %arg3[%mul3A_94] : memref<327680xi32, #tpu.memory_space<hbm>> -> memref<128xi32, #tpu.memory_space<hbm>>
          tpu.wait_dma2 semaphore(%run_scoped3A : memref<!tpu.dma_semaphore, #tpu.memory_space<semaphore_mem>>) src(%dma_wait3A_101 : memref<128xi32, #tpu.memory_space<hbm>>) dst(%arg6 : memref<128xi32, #tpu.memory_space<vmem>>)
          tpu.yield
        }) : () -> ()
        %dma_start3A_95 = arith.constant 0 : i32
        %dma_start3A_96 = arith.constant 0 : i32
        %dma_start3A_97 = tpu.memref_slice %arg2[%dma_start3A_95, %dma_start3A_96] : memref<10240x128xf32, #tpu.memory_space<hbm>> -> memref<10240x128xf32, #tpu.memory_space<hbm>>
        tpu.enqueue_indirect_dma source(%dma_start3A_97 : memref<10240x128xf32, #tpu.memory_space<hbm>>) target(%arg10 : memref<128x128xf32, #tpu.memory_space<vmem>>) offsets(%arg6 : memref<128xi32, #tpu.memory_space<vmem>>) semaphore(%arg13 : memref<!tpu.dma_semaphore, #tpu.memory_space<semaphore_mem>>)
      } else {
      }
      %dma_wait3A_86 = arith.constant 0 : i32
      %dma_wait3A_87 = arith.constant 0 : i32
      %dma_wait3A_88 = tpu.memref_slice %arg2[%dma_wait3A_86, %dma_wait3A_87] : memref<10240x128xf32, #tpu.memory_space<hbm>> -> memref<10240x128xf32, #tpu.memory_space<hbm>>
      tpu.wait_indirect_dma semaphore(%arg14 : memref<!tpu.dma_semaphore, #tpu.memory_space<semaphore_mem>>) src(%dma_wait3A_88 : memref<10240x128xf32, #tpu.memory_space<hbm>>) dst(%arg11 : memref<128x128xf32, #tpu.memory_space<vmem>>)
      %dma_start3A_89 = arith.constant 0 : i32
      %dma_start3A_90 = arith.constant 0 : i32
      %dma_start3A_91 = tpu.memref_slice %arg12[%dma_start3A_89, %dma_start3A_90] : memref<10240x128xf32, #tpu.memory_space<vmem_shared>> -> memref<10240x128xf32, #tpu.memory_space<vmem_shared>>
      tpu.enqueue_indirect_dma source(%arg11 : memref<128x128xf32, #tpu.memory_space<vmem>>) target(%dma_start3A_91 : memref<10240x128xf32, #tpu.memory_space<vmem_shared>>) offsets(%arg9 : memref<128xi32, #tpu.memory_space<vmem>>) semaphore(%arg16 : memref<!tpu.dma_semaphore, #tpu.memory_space<semaphore_mem>>) {add = true}
    }
    %gt3A_42 = arith.constant 0 : i32
    %gt3A_43 = arith.cmpi sgt, %select_n3A, %gt3A_42 : i32
    %convert_element_type3A_44 = arith.extui %gt3A_43 : i1 to i32
    %cond3A_45 = arith.constant 0 : i32
    %cond3A_46 = arith.cmpi ne, %convert_element_type3A_44, %cond3A_45 : i32
    scf.if %cond3A_46 {
      %dma_wait3A = arith.constant 0 : i32
      %dma_wait3A_51 = arith.constant 0 : i32
      %dma_wait3A_52 = tpu.memref_slice %arg12[%dma_wait3A, %dma_wait3A_51] : memref<10240x128xf32, #tpu.memory_space<vmem_shared>> -> memref<10240x128xf32, #tpu.memory_space<vmem_shared>>
      tpu.wait_indirect_dma semaphore(%arg15 : memref<!tpu.dma_semaphore, #tpu.memory_space<semaphore_mem>>) src(%arg10 : memref<128x128xf32, #tpu.memory_space<vmem>>) dst(%dma_wait3A_52 : memref<10240x128xf32, #tpu.memory_space<vmem_shared>>)
      %dma_wait3A_53 = arith.constant 0 : i32
      %dma_wait3A_54 = arith.constant 0 : i32
      %dma_wait3A_55 = tpu.memref_slice %arg12[%dma_wait3A_53, %dma_wait3A_54] : memref<10240x128xf32, #tpu.memory_space<vmem_shared>> -> memref<10240x128xf32, #tpu.memory_space<vmem_shared>>
      tpu.wait_indirect_dma semaphore(%arg16 : memref<!tpu.dma_semaphore, #tpu.memory_space<semaphore_mem>>) src(%arg11 : memref<128x128xf32, #tpu.memory_space<vmem>>) dst(%dma_wait3A_55 : memref<10240x128xf32, #tpu.memory_space<vmem_shared>>)
    } else {
    }
    %barrier3A_47 = arith.constant 0 : index
    tpu.barrier barrier_id(%barrier3A_47)
    %mul3A_48 = arith.constant 10240 : i32
    %mul3A_49 = arith.muli %arg0, %mul3A_48 : i32
    %add3A_50 = arith.addi %mul3A_49, %mul3A_2 : i32
    "tpu.region"() ({
      %run_scoped3A = tpu.sem_alloc : memref<!tpu.dma_semaphore, #tpu.memory_space<semaphore_mem>>
      %dma_start3A = arith.constant 0 : i32
      %dma_start3A_51 = tpu.memref_slice %arg5[%add3A_50, %dma_start3A] : memref<20480x128xf32, #tpu.memory_space<hbm>> -> memref<640x128xf32, #tpu.memory_space<hbm>>
      %dma_start3A_52 = arith.constant 0 : i32
      %dma_start3A_53 = tpu.memref_slice %arg12[%mul3A_2, %dma_start3A_52] : memref<10240x128xf32, #tpu.memory_space<vmem_shared>> -> memref<640x128xf32, #tpu.memory_space<vmem_shared>>
      tpu.enqueue_dma source(%dma_start3A_53 : memref<640x128xf32, #tpu.memory_space<vmem_shared>>) target(%dma_start3A_51 : memref<640x128xf32, #tpu.memory_space<hbm>>) target_semaphore(%run_scoped3A : memref<!tpu.dma_semaphore, #tpu.memory_space<semaphore_mem>>)
      %dma_wait3A = arith.constant 0 : i32
      %dma_wait3A_54 = tpu.memref_slice %arg5[%add3A_50, %dma_wait3A] : memref<20480x128xf32, #tpu.memory_space<hbm>> -> memref<640x128xf32, #tpu.memory_space<hbm>>
      %dma_wait3A_55 = arith.constant 0 : i32
      %dma_wait3A_56 = tpu.memref_slice %arg12[%mul3A_2, %dma_wait3A_55] : memref<10240x128xf32, #tpu.memory_space<vmem_shared>> -> memref<640x128xf32, #tpu.memory_space<vmem_shared>>
      tpu.wait_dma2 semaphore(%run_scoped3A : memref<!tpu.dma_semaphore, #tpu.memory_space<semaphore_mem>>) src(%dma_wait3A_56 : memref<640x128xf32, #tpu.memory_space<vmem_shared>>) dst(%dma_wait3A_54 : memref<640x128xf32, #tpu.memory_space<hbm>>)
      tpu.yield
    }) : () -> ()
    return
  }
}

#map = affine_map<(d0, d1) -> (0, 0)>
#map1 = affine_map<(d0, d1) -> (0)>
module attributes {stable_mosaic.version = 14 : i64} {
  func.func @body(%arg0: i32, %arg1: i32, %arg2: memref<10240x128xf32, #tpu.memory_space<hbm>>, %arg3: memref<327680xi32, #tpu.memory_space<hbm>>, %arg4: memref<327680xi32, #tpu.memory_space<hbm>>, %arg5: memref<20480x128xf32, #tpu.memory_space<hbm>>, %arg6: memref<128xi32, #tpu.memory_space<vmem>>, %arg7: memref<128xi32, #tpu.memory_space<vmem>>, %arg8: memref<128xi32, #tpu.memory_space<vmem>>, %arg9: memref<128xi32, #tpu.memory_space<vmem>>, %arg10: memref<128x128xf32, #tpu.memory_space<vmem>>, %arg11: memref<128x128xf32, #tpu.memory_space<vmem>>, %arg12: memref<10240x128xf32, #tpu.memory_space<vmem_shared>>, %arg13: memref<!tpu.dma_semaphore, #tpu.memory_space<semaphore_mem>>, %arg14: memref<!tpu.dma_semaphore, #tpu.memory_space<semaphore_mem>>, %arg15: memref<!tpu.dma_semaphore, #tpu.memory_space<semaphore_mem>>, %arg16: memref<!tpu.dma_semaphore, #tpu.memory_space<semaphore_mem>>) attributes {dimension_semantics = [#tpu.dimension_semantics<core_parallel>, #tpu.dimension_semantics<subcore_parallel>], iteration_bounds = array<i64: 2, 16>, scalar_prefetch = 0 : i64, scratch_operands = 11 : i64, tpu.core_type = #tpu.core_type<sc_vector_subcore>, window_params = [{transform_indices = #map}, {transform_indices = #map1}, {transform_indices = #map1}, {transform_indices = #map}]} {
    %mul3A = arith.constant 16 : i32
    %mul3A_0 = arith.muli %arg0, %mul3A : i32
    %add3A = arith.addi %mul3A_0, %arg1 : i32
    %mul3A_1 = arith.constant 640 : i32
    %mul3A_2 = arith.muli %arg1, %mul3A_1 : i32
    %broadcast_in_dim3A = arith.constant 0.000000e+00 : f32
    %broadcast_in_dim3A_3 = vector.broadcast %broadcast_in_dim3A : f32 to vector<16xf32>
    %scan3A = arith.constant 0 : i32
    %scan3A_4 = arith.constant 128 : i32
    %scan3A_5 = arith.addi %scan3A, %scan3A_4 : i32
    %scan3A_6 = arith.constant 1 : i32
    scf.for %scan3A_51 = %scan3A to %scan3A_5 step %scan3A_6  : i32 {
      %mul3A_52 = arith.constant 1 : i32
      %mul3A_53 = arith.muli %scan3A_51, %mul3A_52 : i32
      %add3A_54 = arith.constant 0 : i32
      %add3A_55 = arith.addi %add3A_54, %mul3A_53 : i32
      %swap3A = arith.index_cast %add3A_55 : i32 to index
      %swap3A_56 = arith.constant 0 : index
      %swap3A_57 = tpu.vector_load %arg10[%swap3A, %swap3A_56] {strides = array<i32>} : memref<128x128xf32, #tpu.memory_space<vmem>>, vector<1x16xf32>,
      %swap3A_58 = vector.shape_cast %swap3A_57 : vector<1x16xf32> to vector<16xf32>
      %swap3A_59 = vector.shape_cast %broadcast_in_dim3A_3 : vector<16xf32> to vector<1x16xf32>
      tpu.vector_store %arg10[%swap3A, %swap3A_56], %swap3A_59 {strides = array<i32>} : memref<128x128xf32, #tpu.memory_space<vmem>>, vector<1x16xf32>,
      %swap3A_60 = arith.index_cast %add3A_55 : i32 to index
      %swap3A_61 = arith.constant 16 : index
      %swap3A_62 = tpu.vector_load %arg10[%swap3A_60, %swap3A_61] {strides = array<i32>} : memref<128x128xf32, #tpu.memory_space<vmem>>, vector<1x16xf32>,
      %swap3A_63 = vector.shape_cast %swap3A_62 : vector<1x16xf32> to vector<16xf32>
      %swap3A_64 = vector.shape_cast %broadcast_in_dim3A_3 : vector<16xf32> to vector<1x16xf32>
      tpu.vector_store %arg10[%swap3A_60, %swap3A_61], %swap3A_64 {strides = array<i32>} : memref<128x128xf32, #tpu.memory_space<vmem>>, vector<1x16xf32>,
      %swap3A_65 = arith.index_cast %add3A_55 : i32 to index
      %swap3A_66 = arith.constant 32 : index
      %swap3A_67 = tpu.vector_load %arg10[%swap3A_65, %swap3A_66] {strides = array<i32>} : memref<128x128xf32, #tpu.memory_space<vmem>>, vector<1x16xf32>,
      %swap3A_68 = vector.shape_cast %swap3A_67 : vector<1x16xf32> to vector<16xf32>
      %swap3A_69 = vector.shape_cast %broadcast_in_dim3A_3 : vector<16xf32> to vector<1x16xf32>
      tpu.vector_store %arg10[%swap3A_65, %swap3A_66], %swap3A_69 {strides = array<i32>} : memref<128x128xf32, #tpu.memory_space<vmem>>, vector<1x16xf32>,
      %swap3A_70 = arith.index_cast %add3A_55 : i32 to index
      %swap3A_71 = arith.constant 48 : index
      %swap3A_72 = tpu.vector_load %arg10[%swap3A_70, %swap3A_71] {strides = array<i32>} : memref<128x128xf32, #tpu.memory_space<vmem>>, vector<1x16xf32>,
      %swap3A_73 = vector.shape_cast %swap3A_72 : vector<1x16xf32> to vector<16xf32>
      %swap3A_74 = vector.shape_cast %broadcast_in_dim3A_3 : vector<16xf32> to vector<1x16xf32>
      tpu.vector_store %arg10[%swap3A_70, %swap3A_71], %swap3A_74 {strides = array<i32>} : memref<128x128xf32, #tpu.memory_space<vmem>>, vector<1x16xf32>,
      %swap3A_75 = arith.index_cast %add3A_55 : i32 to index
      %swap3A_76 = arith.constant 64 : index
      %swap3A_77 = tpu.vector_load %arg10[%swap3A_75, %swap3A_76] {strides = array<i32>} : memref<128x128xf32, #tpu.memory_space<vmem>>, vector<1x16xf32>,
      %swap3A_78 = vector.shape_cast %swap3A_77 : vector<1x16xf32> to vector<16xf32>
      %swap3A_79 = vector.shape_cast %broadcast_in_dim3A_3 : vector<16xf32> to vector<1x16xf32>
      tpu.vector_store %arg10[%swap3A_75, %swap3A_76], %swap3A_79 {strides = array<i32>} : memref<128x128xf32, #tpu.memory_space<vmem>>, vector<1x16xf32>,
      %swap3A_80 = arith.index_cast %add3A_55 : i32 to index
      %swap3A_81 = arith.constant 80 : index
      %swap3A_82 = tpu.vector_load %arg10[%swap3A_80, %swap3A_81] {strides = array<i32>} : memref<128x128xf32, #tpu.memory_space<vmem>>, vector<1x16xf32>,
      %swap3A_83 = vector.shape_cast %swap3A_82 : vector<1x16xf32> to vector<16xf32>
      %swap3A_84 = vector.shape_cast %broadcast_in_dim3A_3 : vector<16xf32> to vector<1x16xf32>
      tpu.vector_store %arg10[%swap3A_80, %swap3A_81], %swap3A_84 {strides = array<i32>} : memref<128x128xf32, #tpu.memory_space<vmem>>, vector<1x16xf32>,
      %swap3A_85 = arith.index_cast %add3A_55 : i32 to index
      %swap3A_86 = arith.constant 96 : index
      %swap3A_87 = tpu.vector_load %arg10[%swap3A_85, %swap3A_86] {strides = array<i32>} : memref<128x128xf32, #tpu.memory_space<vmem>>, vector<1x16xf32>,
      %swap3A_88 = vector.shape_cast %swap3A_87 : vector<1x16xf32> to vector<16xf32>
      %swap3A_89 = vector.shape_cast %broadcast_in_dim3A_3 : vector<16xf32> to vector<1x16xf32>
      tpu.vector_store %arg10[%swap3A_85, %swap3A_86], %swap3A_89 {strides = array<i32>} : memref<128x128xf32, #tpu.memory_space<vmem>>, vector<1x16xf32>,
      %swap3A_90 = arith.index_cast %add3A_55 : i32 to index
      %swap3A_91 = arith.constant 112 : index
      %swap3A_92 = tpu.vector_load %arg10[%swap3A_90, %swap3A_91] {strides = array<i32>} : memref<128x128xf32, #tpu.memory_space<vmem>>, vector<1x16xf32>,
      %swap3A_93 = vector.shape_cast %swap3A_92 : vector<1x16xf32> to vector<16xf32>
      %swap3A_94 = vector.shape_cast %broadcast_in_dim3A_3 : vector<16xf32> to vector<1x16xf32>
      tpu.vector_store %arg10[%swap3A_90, %swap3A_91], %swap3A_94 {strides = array<i32>} : memref<128x128xf32, #tpu.memory_space<vmem>>, vector<1x16xf32>,
    }
    %scan3A_7 = arith.constant 128 : i32
    %add3A_8 = arith.constant 0 : i32
    %add3A_9 = arith.addi %mul3A_2, %add3A_8 : i32
    "tpu.region"() ({
      %run_scoped3A = tpu.sem_alloc : memref<!tpu.dma_semaphore, #tpu.memory_space<semaphore_mem>>
      %dma_start3A = arith.constant 0 : i32
      %dma_start3A_51 = tpu.memref_slice %arg12[%add3A_9, %dma_start3A] : memref<10240x128xf32, #tpu.memory_space<vmem_shared>> -> memref<128x128xf32, #tpu.memory_space<vmem_shared>>
      %dma_start3A_52 = arith.constant 0 : i32
      %dma_start3A_53 = tpu.memref_slice %arg12[%add3A_9, %dma_start3A_52] : memref<10240x128xf32, #tpu.memory_space<vmem_shared>> -> memref<128x128xf32, #tpu.memory_space<vmem_shared>>
      tpu.enqueue_dma source(%arg10 : memref<128x128xf32, #tpu.memory_space<vmem>>) target(%dma_start3A_53 : memref<128x128xf32, #tpu.memory_space<vmem_shared>>) target_semaphore(%run_scoped3A : memref<!tpu.dma_semaphore, #tpu.memory_space<semaphore_mem>>)
      %dma_wait3A = arith.constant 0 : i32
      %dma_wait3A_54 = tpu.memref_slice %arg12[%add3A_9, %dma_wait3A] : memref<10240x128xf32, #tpu.memory_space<vmem_shared>> -> memref<128x128xf32, #tpu.memory_space<vmem_shared>>
      %dma_wait3A_55 = arith.constant 0 : i32
      %dma_wait3A_56 = tpu.memref_slice %arg12[%add3A_9, %dma_wait3A_55] : memref<10240x128xf32, #tpu.memory_space<vmem_shared>> -> memref<128x128xf32, #tpu.memory_space<vmem_shared>>
      tpu.wait_dma2 semaphore(%run_scoped3A : memref<!tpu.dma_semaphore, #tpu.memory_space<semaphore_mem>>) src(%arg10 : memref<128x128xf32, #tpu.memory_space<vmem>>) dst(%dma_wait3A_56 : memref<128x128xf32, #tpu.memory_space<vmem_shared>>)
      tpu.yield
    }) : () -> ()
    %add3A_10 = arith.constant 128 : i32
    %add3A_11 = arith.addi %mul3A_2, %add3A_10 : i32
    "tpu.region"() ({
      %run_scoped3A = tpu.sem_alloc : memref<!tpu.dma_semaphore, #tpu.memory_space<semaphore_mem>>
      %dma_start3A = arith.constant 0 : i32
      %dma_start3A_51 = tpu.memref_slice %arg12[%add3A_11, %dma_start3A] : memref<10240x128xf32, #tpu.memory_space<vmem_shared>> -> memref<128x128xf32, #tpu.memory_space<vmem_shared>>
      %dma_start3A_52 = arith.constant 0 : i32
      %dma_start3A_53 = tpu.memref_slice %arg12[%add3A_11, %dma_start3A_52] : memref<10240x128xf32, #tpu.memory_space<vmem_shared>> -> memref<128x128xf32, #tpu.memory_space<vmem_shared>>
      tpu.enqueue_dma source(%arg10 : memref<128x128xf32, #tpu.memory_space<vmem>>) target(%dma_start3A_53 : memref<128x128xf32, #tpu.memory_space<vmem_shared>>) target_semaphore(%run_scoped3A : memref<!tpu.dma_semaphore, #tpu.memory_space<semaphore_mem>>)
      %dma_wait3A = arith.constant 0 : i32
      %dma_wait3A_54 = tpu.memref_slice %arg12[%add3A_11, %dma_wait3A] : memref<10240x128xf32, #tpu.memory_space<vmem_shared>> -> memref<128x128xf32, #tpu.memory_space<vmem_shared>>
      %dma_wait3A_55 = arith.constant 0 : i32
      %dma_wait3A_56 = tpu.memref_slice %arg12[%add3A_11, %dma_wait3A_55] : memref<10240x128xf32, #tpu.memory_space<vmem_shared>> -> memref<128x128xf32, #tpu.memory_space<vmem_shared>>
      tpu.wait_dma2 semaphore(%run_scoped3A : memref<!tpu.dma_semaphore, #tpu.memory_space<semaphore_mem>>) src(%arg10 : memref<128x128xf32, #tpu.memory_space<vmem>>) dst(%dma_wait3A_56 : memref<128x128xf32, #tpu.memory_space<vmem_shared>>)
      tpu.yield
    }) : () -> ()
    %add3A_12 = arith.constant 256 : i32
    %add3A_13 = arith.addi %mul3A_2, %add3A_12 : i32
    "tpu.region"() ({
      %run_scoped3A = tpu.sem_alloc : memref<!tpu.dma_semaphore, #tpu.memory_space<semaphore_mem>>
      %dma_start3A = arith.constant 0 : i32
      %dma_start3A_51 = tpu.memref_slice %arg12[%add3A_13, %dma_start3A] : memref<10240x128xf32, #tpu.memory_space<vmem_shared>> -> memref<128x128xf32, #tpu.memory_space<vmem_shared>>
      %dma_start3A_52 = arith.constant 0 : i32
      %dma_start3A_53 = tpu.memref_slice %arg12[%add3A_13, %dma_start3A_52] : memref<10240x128xf32, #tpu.memory_space<vmem_shared>> -> memref<128x128xf32, #tpu.memory_space<vmem_shared>>
      tpu.enqueue_dma source(%arg10 : memref<128x128xf32, #tpu.memory_space<vmem>>) target(%dma_start3A_53 : memref<128x128xf32, #tpu.memory_space<vmem_shared>>) target_semaphore(%run_scoped3A : memref<!tpu.dma_semaphore, #tpu.memory_space<semaphore_mem>>)
      %dma_wait3A = arith.constant 0 : i32
      %dma_wait3A_54 = tpu.memref_slice %arg12[%add3A_13, %dma_wait3A] : memref<10240x128xf32, #tpu.memory_space<vmem_shared>> -> memref<128x128xf32, #tpu.memory_space<vmem_shared>>
      %dma_wait3A_55 = arith.constant 0 : i32
      %dma_wait3A_56 = tpu.memref_slice %arg12[%add3A_13, %dma_wait3A_55] : memref<10240x128xf32, #tpu.memory_space<vmem_shared>> -> memref<128x128xf32, #tpu.memory_space<vmem_shared>>
      tpu.wait_dma2 semaphore(%run_scoped3A : memref<!tpu.dma_semaphore, #tpu.memory_space<semaphore_mem>>) src(%arg10 : memref<128x128xf32, #tpu.memory_space<vmem>>) dst(%dma_wait3A_56 : memref<128x128xf32, #tpu.memory_space<vmem_shared>>)
      tpu.yield
    }) : () -> ()
    %add3A_14 = arith.constant 384 : i32
    %add3A_15 = arith.addi %mul3A_2, %add3A_14 : i32
    "tpu.region"() ({
      %run_scoped3A = tpu.sem_alloc : memref<!tpu.dma_semaphore, #tpu.memory_space<semaphore_mem>>
      %dma_start3A = arith.constant 0 : i32
      %dma_start3A_51 = tpu.memref_slice %arg12[%add3A_15, %dma_start3A] : memref<10240x128xf32, #tpu.memory_space<vmem_shared>> -> memref<128x128xf32, #tpu.memory_space<vmem_shared>>
      %dma_start3A_52 = arith.constant 0 : i32
      %dma_start3A_53 = tpu.memref_slice %arg12[%add3A_15, %dma_start3A_52] : memref<10240x128xf32, #tpu.memory_space<vmem_shared>> -> memref<128x128xf32, #tpu.memory_space<vmem_shared>>
      tpu.enqueue_dma source(%arg10 : memref<128x128xf32, #tpu.memory_space<vmem>>) target(%dma_start3A_53 : memref<128x128xf32, #tpu.memory_space<vmem_shared>>) target_semaphore(%run_scoped3A : memref<!tpu.dma_semaphore, #tpu.memory_space<semaphore_mem>>)
      %dma_wait3A = arith.constant 0 : i32
      %dma_wait3A_54 = tpu.memref_slice %arg12[%add3A_15, %dma_wait3A] : memref<10240x128xf32, #tpu.memory_space<vmem_shared>> -> memref<128x128xf32, #tpu.memory_space<vmem_shared>>
      %dma_wait3A_55 = arith.constant 0 : i32
      %dma_wait3A_56 = tpu.memref_slice %arg12[%add3A_15, %dma_wait3A_55] : memref<10240x128xf32, #tpu.memory_space<vmem_shared>> -> memref<128x128xf32, #tpu.memory_space<vmem_shared>>
      tpu.wait_dma2 semaphore(%run_scoped3A : memref<!tpu.dma_semaphore, #tpu.memory_space<semaphore_mem>>) src(%arg10 : memref<128x128xf32, #tpu.memory_space<vmem>>) dst(%dma_wait3A_56 : memref<128x128xf32, #tpu.memory_space<vmem_shared>>)
      tpu.yield
    }) : () -> ()
    %add3A_16 = arith.constant 512 : i32
    %add3A_17 = arith.addi %mul3A_2, %add3A_16 : i32
    "tpu.region"() ({
      %run_scoped3A = tpu.sem_alloc : memref<!tpu.dma_semaphore, #tpu.memory_space<semaphore_mem>>
      %dma_start3A = arith.constant 0 : i32
      %dma_start3A_51 = tpu.memref_slice %arg12[%add3A_17, %dma_start3A] : memref<10240x128xf32, #tpu.memory_space<vmem_shared>> -> memref<128x128xf32, #tpu.memory_space<vmem_shared>>
      %dma_start3A_52 = arith.constant 0 : i32
      %dma_start3A_53 = tpu.memref_slice %arg12[%add3A_17, %dma_start3A_52] : memref<10240x128xf32, #tpu.memory_space<vmem_shared>> -> memref<128x128xf32, #tpu.memory_space<vmem_shared>>
      tpu.enqueue_dma source(%arg10 : memref<128x128xf32, #tpu.memory_space<vmem>>) target(%dma_start3A_53 : memref<128x128xf32, #tpu.memory_space<vmem_shared>>) target_semaphore(%run_scoped3A : memref<!tpu.dma_semaphore, #tpu.memory_space<semaphore_mem>>)
      %dma_wait3A = arith.constant 0 : i32
      %dma_wait3A_54 = tpu.memref_slice %arg12[%add3A_17, %dma_wait3A] : memref<10240x128xf32, #tpu.memory_space<vmem_shared>> -> memref<128x128xf32, #tpu.memory_space<vmem_shared>>
      %dma_wait3A_55 = arith.constant 0 : i32
      %dma_wait3A_56 = tpu.memref_slice %arg12[%add3A_17, %dma_wait3A_55] : memref<10240x128xf32, #tpu.memory_space<vmem_shared>> -> memref<128x128xf32, #tpu.memory_space<vmem_shared>>
      tpu.wait_dma2 semaphore(%run_scoped3A : memref<!tpu.dma_semaphore, #tpu.memory_space<semaphore_mem>>) src(%arg10 : memref<128x128xf32, #tpu.memory_space<vmem>>) dst(%dma_wait3A_56 : memref<128x128xf32, #tpu.memory_space<vmem_shared>>)
      tpu.yield
    }) : () -> ()
    %barrier3A = arith.constant 0 : index
    tpu.barrier barrier_id(%barrier3A)
    %eq3A = arith.constant 0 : i32
    %eq3A_18 = arith.cmpi eq, %arg0, %eq3A : i32
    %jit3A = arith.constant 80 : i32
    %jit3A_19 = arith.constant 80 : i32
    %select_n3A = arith.select %eq3A_18, %jit3A, %jit3A_19 : i32
    %mul3A_20 = arith.constant 1280 : i32
    %mul3A_21 = arith.muli %arg0, %mul3A_20 : i32
    %mul3A_22 = arith.muli %arg1, %select_n3A : i32
    %add3A_23 = arith.addi %mul3A_21, %mul3A_22 : i32
    %gt3A = arith.constant 0 : i32
    %gt3A_24 = arith.cmpi sgt, %select_n3A, %gt3A : i32
    %convert_element_type3A = arith.extui %gt3A_24 : i1 to i32
    %cond3A = arith.constant 0 : i32
    %cond3A_25 = arith.cmpi ne, %convert_element_type3A, %cond3A : i32
    scf.if %cond3A_25 {
      %add3A_51 = arith.constant 0 : i32
      %add3A_52 = arith.addi %add3A_23, %add3A_51 : i32
      %mul3A_53 = arith.constant 128 : i32
      %mul3A_54 = arith.muli %add3A_52, %mul3A_53 : i32
      "tpu.region"() ({
        %run_scoped3A = tpu.sem_alloc : memref<!tpu.dma_semaphore, #tpu.memory_space<semaphore_mem>>
        %dma_start3A_57 = tpu.memref_slice %arg4[%mul3A_54] : memref<327680xi32, #tpu.memory_space<hbm>> -> memref<128xi32, #tpu.memory_space<hbm>>
        %dma_start3A_58 = tpu.memref_slice %arg4[%mul3A_54] : memref<327680xi32, #tpu.memory_space<hbm>> -> memref<128xi32, #tpu.memory_space<hbm>>
        tpu.enqueue_dma source(%dma_start3A_58 : memref<128xi32, #tpu.memory_space<hbm>>) target(%arg8 : memref<128xi32, #tpu.memory_space<vmem>>) target_semaphore(%run_scoped3A : memref<!tpu.dma_semaphore, #tpu.memory_space<semaphore_mem>>)
        %dma_wait3A = tpu.memref_slice %arg4[%mul3A_54] : memref<327680xi32, #tpu.memory_space<hbm>> -> memref<128xi32, #tpu.memory_space<hbm>>
        %dma_wait3A_59 = tpu.memref_slice %arg4[%mul3A_54] : memref<327680xi32, #tpu.memory_space<hbm>> -> memref<128xi32, #tpu.memory_space<hbm>>
        tpu.wait_dma2 semaphore(%run_scoped3A : memref<!tpu.dma_semaphore, #tpu.memory_space<semaphore_mem>>) src(%dma_wait3A_59 : memref<128xi32, #tpu.memory_space<hbm>>) dst(%arg8 : memref<128xi32, #tpu.memory_space<vmem>>)
        tpu.yield
      }) : () -> ()
      "tpu.region"() ({
        %run_scoped3A = tpu.sem_alloc : memref<!tpu.dma_semaphore, #tpu.memory_space<semaphore_mem>>
        %dma_start3A_57 = tpu.memref_slice %arg3[%mul3A_54] : memref<327680xi32, #tpu.memory_space<hbm>> -> memref<128xi32, #tpu.memory_space<hbm>>
        %dma_start3A_58 = tpu.memref_slice %arg3[%mul3A_54] : memref<327680xi32, #tpu.memory_space<hbm>> -> memref<128xi32, #tpu.memory_space<hbm>>
        tpu.enqueue_dma source(%dma_start3A_58 : memref<128xi32, #tpu.memory_space<hbm>>) target(%arg6 : memref<128xi32, #tpu.memory_space<vmem>>) target_semaphore(%run_scoped3A : memref<!tpu.dma_semaphore, #tpu.memory_space<semaphore_mem>>)
        %dma_wait3A = tpu.memref_slice %arg3[%mul3A_54] : memref<327680xi32, #tpu.memory_space<hbm>> -> memref<128xi32, #tpu.memory_space<hbm>>
        %dma_wait3A_59 = tpu.memref_slice %arg3[%mul3A_54] : memref<327680xi32, #tpu.memory_space<hbm>> -> memref<128xi32, #tpu.memory_space<hbm>>
        tpu.wait_dma2 semaphore(%run_scoped3A : memref<!tpu.dma_semaphore, #tpu.memory_space<semaphore_mem>>) src(%dma_wait3A_59 : memref<128xi32, #tpu.memory_space<hbm>>) dst(%arg6 : memref<128xi32, #tpu.memory_space<vmem>>)
        tpu.yield
      }) : () -> ()
      %dma_start3A = arith.constant 0 : i32
      %dma_start3A_55 = arith.constant 0 : i32
      %dma_start3A_56 = tpu.memref_slice %arg2[%dma_start3A, %dma_start3A_55] : memref<10240x128xf32, #tpu.memory_space<hbm>> -> memref<10240x128xf32, #tpu.memory_space<hbm>>
      tpu.enqueue_indirect_dma source(%dma_start3A_56 : memref<10240x128xf32, #tpu.memory_space<hbm>>) target(%arg10 : memref<128x128xf32, #tpu.memory_space<vmem>>) offsets(%arg6 : memref<128xi32, #tpu.memory_space<vmem>>) semaphore(%arg13 : memref<!tpu.dma_semaphore, #tpu.memory_space<semaphore_mem>>)
    } else {
    }
    %sub3A = arith.constant 0 : i32
    %sub3A_26 = arith.subi %select_n3A, %sub3A : i32
    %sub3A_27 = arith.constant 2 : i32
    %sub3A_28 = arith.constant 1 : i32
    %sub3A_29 = arith.subi %sub3A_27, %sub3A_28 : i32
    %add3A_30 = arith.addi %sub3A_26, %sub3A_29 : i32
    %div3A = arith.constant 2 : i32
    %div3A_31 = arith.divsi %add3A_30, %div3A : i32
    %while3A = arith.constant 2 : i32
    %while3A_32 = arith.constant 0 : i32
    %while3A_33 = arith.constant 0 : i32
    %while3A_34 = arith.subi %div3A_31, %while3A_33 : i32
    %while3A_35 = arith.addi %while3A_33, %while3A_34 : i32
    %while3A_36 = arith.constant 1 : i32
    %while3A_37 = arith.divsi %while3A_34, %while3A_36 : i32
    %while3A_38 = arith.muli %while3A_37, %while3A_36 : i32
    %while3A_39 = arith.addi %while3A_33, %while3A_38 : i32
    %while3A_40 = arith.constant 1 : i32
    scf.for %while3A_51 = %while3A_33 to %while3A_39 step %while3A_40  : i32 {
      %mul3A_52 = arith.muli %while3A_51, %while3A : i32
      %add3A_53 = arith.addi %while3A_32, %mul3A_52 : i32
      %add3A_54 = arith.constant 0 : i32
      %add3A_55 = arith.addi %add3A_53, %add3A_54 : i32
      %add3A_56 = arith.constant 1 : i32
      %add3A_57 = arith.addi %add3A_55, %add3A_56 : i32
      %lt3A = arith.cmpi slt, %add3A_57, %select_n3A : i32
      %gt3A_58 = arith.constant 0 : i32
      %gt3A_59 = arith.cmpi sgt, %add3A_55, %gt3A_58 : i32
      %and3A = arith.andi %lt3A, %gt3A_59 : i1
      %convert_element_type3A_60 = arith.extui %and3A : i1 to i32
      %cond3A_61 = arith.constant 0 : i32
      %cond3A_62 = arith.cmpi ne, %convert_element_type3A_60, %cond3A_61 : i32
      scf.if %cond3A_62 {
        %dma_wait3A_92 = arith.constant 0 : i32
        %dma_wait3A_93 = arith.constant 0 : i32
        %dma_wait3A_94 = tpu.memref_slice %arg12[%dma_wait3A_92, %dma_wait3A_93] : memref<10240x128xf32, #tpu.memory_space<vmem_shared>> -> memref<10240x128xf32, #tpu.memory_space<vmem_shared>>
        tpu.wait_indirect_dma semaphore(%arg16 : memref<!tpu.dma_semaphore, #tpu.memory_space<semaphore_mem>>) src(%arg11 : memref<128x128xf32, #tpu.memory_space<vmem>>) dst(%dma_wait3A_94 : memref<10240x128xf32, #tpu.memory_space<vmem_shared>>)
      } else {
      }
      %lt3A_63 = arith.cmpi slt, %add3A_57, %select_n3A : i32
      %convert_element_type3A_64 = arith.extui %lt3A_63 : i1 to i32
      %cond3A_65 = arith.constant 0 : i32
      %cond3A_66 = arith.cmpi ne, %convert_element_type3A_64, %cond3A_65 : i32
      scf.if %cond3A_66 {
        %add3A_92 = arith.addi %add3A_23, %add3A_57 : i32
        %mul3A_93 = arith.constant 128 : i32
        %mul3A_94 = arith.muli %add3A_92, %mul3A_93 : i32
        "tpu.region"() ({
          %run_scoped3A = tpu.sem_alloc : memref<!tpu.dma_semaphore, #tpu.memory_space<semaphore_mem>>
          %dma_start3A_98 = tpu.memref_slice %arg4[%mul3A_94] : memref<327680xi32, #tpu.memory_space<hbm>> -> memref<128xi32, #tpu.memory_space<hbm>>
          %dma_start3A_99 = tpu.memref_slice %arg4[%mul3A_94] : memref<327680xi32, #tpu.memory_space<hbm>> -> memref<128xi32, #tpu.memory_space<hbm>>
          tpu.enqueue_dma source(%dma_start3A_99 : memref<128xi32, #tpu.memory_space<hbm>>) target(%arg9 : memref<128xi32, #tpu.memory_space<vmem>>) target_semaphore(%run_scoped3A : memref<!tpu.dma_semaphore, #tpu.memory_space<semaphore_mem>>)
          %dma_wait3A_100 = tpu.memref_slice %arg4[%mul3A_94] : memref<327680xi32, #tpu.memory_space<hbm>> -> memref<128xi32, #tpu.memory_space<hbm>>
          %dma_wait3A_101 = tpu.memref_slice %arg4[%mul3A_94] : memref<327680xi32, #tpu.memory_space<hbm>> -> memref<128xi32, #tpu.memory_space<hbm>>
          tpu.wait_dma2 semaphore(%run_scoped3A : memref<!tpu.dma_semaphore, #tpu.memory_space<semaphore_mem>>) src(%dma_wait3A_101 : memref<128xi32, #tpu.memory_space<hbm>>) dst(%arg9 : memref<128xi32, #tpu.memory_space<vmem>>)
          tpu.yield
        }) : () -> ()
        "tpu.region"() ({
          %run_scoped3A = tpu.sem_alloc : memref<!tpu.dma_semaphore, #tpu.memory_space<semaphore_mem>>
          %dma_start3A_98 = tpu.memref_slice %arg3[%mul3A_94] : memref<327680xi32, #tpu.memory_space<hbm>> -> memref<128xi32, #tpu.memory_space<hbm>>
          %dma_start3A_99 = tpu.memref_slice %arg3[%mul3A_94] : memref<327680xi32, #tpu.memory_space<hbm>> -> memref<128xi32, #tpu.memory_space<hbm>>
          tpu.enqueue_dma source(%dma_start3A_99 : memref<128xi32, #tpu.memory_space<hbm>>) target(%arg7 : memref<128xi32, #tpu.memory_space<vmem>>) target_semaphore(%run_scoped3A : memref<!tpu.dma_semaphore, #tpu.memory_space<semaphore_mem>>)
          %dma_wait3A_100 = tpu.memref_slice %arg3[%mul3A_94] : memref<327680xi32, #tpu.memory_space<hbm>> -> memref<128xi32, #tpu.memory_space<hbm>>
          %dma_wait3A_101 = tpu.memref_slice %arg3[%mul3A_94] : memref<327680xi32, #tpu.memory_space<hbm>> -> memref<128xi32, #tpu.memory_space<hbm>>
          tpu.wait_dma2 semaphore(%run_scoped3A : memref<!tpu.dma_semaphore, #tpu.memory_space<semaphore_mem>>) src(%dma_wait3A_101 : memref<128xi32, #tpu.memory_space<hbm>>) dst(%arg7 : memref<128xi32, #tpu.memory_space<vmem>>)
          tpu.yield
        }) : () -> ()
        %dma_start3A_95 = arith.constant 0 : i32
        %dma_start3A_96 = arith.constant 0 : i32
        %dma_start3A_97 = tpu.memref_slice %arg2[%dma_start3A_95, %dma_start3A_96] : memref<10240x128xf32, #tpu.memory_space<hbm>> -> memref<10240x128xf32, #tpu.memory_space<hbm>>
        tpu.enqueue_indirect_dma source(%dma_start3A_97 : memref<10240x128xf32, #tpu.memory_space<hbm>>) target(%arg11 : memref<128x128xf32, #tpu.memory_space<vmem>>) offsets(%arg7 : memref<128xi32, #tpu.memory_space<vmem>>) semaphore(%arg14 : memref<!tpu.dma_semaphore, #tpu.memory_space<semaphore_mem>>)
      } else {
      }
      %dma_wait3A = arith.constant 0 : i32
      %dma_wait3A_67 = arith.constant 0 : i32
      %dma_wait3A_68 = tpu.memref_slice %arg2[%dma_wait3A, %dma_wait3A_67] : memref<10240x128xf32, #tpu.memory_space<hbm>> -> memref<10240x128xf32, #tpu.memory_space<hbm>>
      tpu.wait_indirect_dma semaphore(%arg13 : memref<!tpu.dma_semaphore, #tpu.memory_space<semaphore_mem>>) src(%dma_wait3A_68 : memref<10240x128xf32, #tpu.memory_space<hbm>>) dst(%arg10 : memref<128x128xf32, #tpu.memory_space<vmem>>)
      %dma_start3A = arith.constant 0 : i32
      %dma_start3A_69 = arith.constant 0 : i32
      %dma_start3A_70 = tpu.memref_slice %arg12[%dma_start3A, %dma_start3A_69] : memref<10240x128xf32, #tpu.memory_space<vmem_shared>> -> memref<10240x128xf32, #tpu.memory_space<vmem_shared>>
      tpu.enqueue_indirect_dma source(%arg10 : memref<128x128xf32, #tpu.memory_space<vmem>>) target(%dma_start3A_70 : memref<10240x128xf32, #tpu.memory_space<vmem_shared>>) offsets(%arg8 : memref<128xi32, #tpu.memory_space<vmem>>) semaphore(%arg15 : memref<!tpu.dma_semaphore, #tpu.memory_space<semaphore_mem>>) {add = true}
      %add3A_71 = arith.constant 1 : i32
      %add3A_72 = arith.addi %add3A_53, %add3A_71 : i32
      %add3A_73 = arith.constant 1 : i32
      %add3A_74 = arith.addi %add3A_72, %add3A_73 : i32
      %lt3A_75 = arith.cmpi slt, %add3A_74, %select_n3A : i32
      %gt3A_76 = arith.constant 0 : i32
      %gt3A_77 = arith.cmpi sgt, %add3A_72, %gt3A_76 : i32
      %and3A_78 = arith.andi %lt3A_75, %gt3A_77 : i1
      %convert_element_type3A_79 = arith.extui %and3A_78 : i1 to i32
      %cond3A_80 = arith.constant 0 : i32
      %cond3A_81 = arith.cmpi ne, %convert_element_type3A_79, %cond3A_80 : i32
      scf.if %cond3A_81 {
        %dma_wait3A_92 = arith.constant 0 : i32
        %dma_wait3A_93 = arith.constant 0 : i32
        %dma_wait3A_94 = tpu.memref_slice %arg12[%dma_wait3A_92, %dma_wait3A_93] : memref<10240x128xf32, #tpu.memory_space<vmem_shared>> -> memref<10240x128xf32, #tpu.memory_space<vmem_shared>>
        tpu.wait_indirect_dma semaphore(%arg15 : memref<!tpu.dma_semaphore, #tpu.memory_space<semaphore_mem>>) src(%arg10 : memref<128x128xf32, #tpu.memory_space<vmem>>) dst(%dma_wait3A_94 : memref<10240x128xf32, #tpu.memory_space<vmem_shared>>)
      } else {
      }
      %lt3A_82 = arith.cmpi slt, %add3A_74, %select_n3A : i32
      %convert_element_type3A_83 = arith.extui %lt3A_82 : i1 to i32
      %cond3A_84 = arith.constant 0 : i32
      %cond3A_85 = arith.cmpi ne, %convert_element_type3A_83, %cond3A_84 : i32
      scf.if %cond3A_85 {
        %add3A_92 = arith.addi %add3A_23, %add3A_74 : i32
        %mul3A_93 = arith.constant 128 : i32
        %mul3A_94 = arith.muli %add3A_92, %mul3A_93 : i32
        "tpu.region"() ({
          %run_scoped3A = tpu.sem_alloc : memref<!tpu.dma_semaphore, #tpu.memory_space<semaphore_mem>>
          %dma_start3A_98 = tpu.memref_slice %arg4[%mul3A_94] : memref<327680xi32, #tpu.memory_space<hbm>> -> memref<128xi32, #tpu.memory_space<hbm>>
          %dma_start3A_99 = tpu.memref_slice %arg4[%mul3A_94] : memref<327680xi32, #tpu.memory_space<hbm>> -> memref<128xi32, #tpu.memory_space<hbm>>
          tpu.enqueue_dma source(%dma_start3A_99 : memref<128xi32, #tpu.memory_space<hbm>>) target(%arg8 : memref<128xi32, #tpu.memory_space<vmem>>) target_semaphore(%run_scoped3A : memref<!tpu.dma_semaphore, #tpu.memory_space<semaphore_mem>>)
          %dma_wait3A_100 = tpu.memref_slice %arg4[%mul3A_94] : memref<327680xi32, #tpu.memory_space<hbm>> -> memref<128xi32, #tpu.memory_space<hbm>>
          %dma_wait3A_101 = tpu.memref_slice %arg4[%mul3A_94] : memref<327680xi32, #tpu.memory_space<hbm>> -> memref<128xi32, #tpu.memory_space<hbm>>
          tpu.wait_dma2 semaphore(%run_scoped3A : memref<!tpu.dma_semaphore, #tpu.memory_space<semaphore_mem>>) src(%dma_wait3A_101 : memref<128xi32, #tpu.memory_space<hbm>>) dst(%arg8 : memref<128xi32, #tpu.memory_space<vmem>>)
          tpu.yield
        }) : () -> ()
        "tpu.region"() ({
          %run_scoped3A = tpu.sem_alloc : memref<!tpu.dma_semaphore, #tpu.memory_space<semaphore_mem>>
          %dma_start3A_98 = tpu.memref_slice %arg3[%mul3A_94] : memref<327680xi32, #tpu.memory_space<hbm>> -> memref<128xi32, #tpu.memory_space<hbm>>
          %dma_start3A_99 = tpu.memref_slice %arg3[%mul3A_94] : memref<327680xi32, #tpu.memory_space<hbm>> -> memref<128xi32, #tpu.memory_space<hbm>>
          tpu.enqueue_dma source(%dma_start3A_99 : memref<128xi32, #tpu.memory_space<hbm>>) target(%arg6 : memref<128xi32, #tpu.memory_space<vmem>>) target_semaphore(%run_scoped3A : memref<!tpu.dma_semaphore, #tpu.memory_space<semaphore_mem>>)
          %dma_wait3A_100 = tpu.memref_slice %arg3[%mul3A_94] : memref<327680xi32, #tpu.memory_space<hbm>> -> memref<128xi32, #tpu.memory_space<hbm>>
          %dma_wait3A_101 = tpu.memref_slice %arg3[%mul3A_94] : memref<327680xi32, #tpu.memory_space<hbm>> -> memref<128xi32, #tpu.memory_space<hbm>>
          tpu.wait_dma2 semaphore(%run_scoped3A : memref<!tpu.dma_semaphore, #tpu.memory_space<semaphore_mem>>) src(%dma_wait3A_101 : memref<128xi32, #tpu.memory_space<hbm>>) dst(%arg6 : memref<128xi32, #tpu.memory_space<vmem>>)
          tpu.yield
        }) : () -> ()
        %dma_start3A_95 = arith.constant 0 : i32
        %dma_start3A_96 = arith.constant 0 : i32
        %dma_start3A_97 = tpu.memref_slice %arg2[%dma_start3A_95, %dma_start3A_96] : memref<10240x128xf32, #tpu.memory_space<hbm>> -> memref<10240x128xf32, #tpu.memory_space<hbm>>
        tpu.enqueue_indirect_dma source(%dma_start3A_97 : memref<10240x128xf32, #tpu.memory_space<hbm>>) target(%arg10 : memref<128x128xf32, #tpu.memory_space<vmem>>) offsets(%arg6 : memref<128xi32, #tpu.memory_space<vmem>>) semaphore(%arg13 : memref<!tpu.dma_semaphore, #tpu.memory_space<semaphore_mem>>)
      } else {
      }
      %dma_wait3A_86 = arith.constant 0 : i32
      %dma_wait3A_87 = arith.constant 0 : i32
      %dma_wait3A_88 = tpu.memref_slice %arg2[%dma_wait3A_86, %dma_wait3A_87] : memref<10240x128xf32, #tpu.memory_space<hbm>> -> memref<10240x128xf32, #tpu.memory_space<hbm>>
      tpu.wait_indirect_dma semaphore(%arg14 : memref<!tpu.dma_semaphore, #tpu.memory_space<semaphore_mem>>) src(%dma_wait3A_88 : memref<10240x128xf32, #tpu.memory_space<hbm>>) dst(%arg11 : memref<128x128xf32, #tpu.memory_space<vmem>>)
      %dma_start3A_89 = arith.constant 0 : i32
      %dma_start3A_90 = arith.constant 0 : i32
      %dma_start3A_91 = tpu.memref_slice %arg12[%dma_start3A_89, %dma_start3A_90] : memref<10240x128xf32, #tpu.memory_space<vmem_shared>> -> memref<10240x128xf32, #tpu.memory_space<vmem_shared>>
      tpu.enqueue_indirect_dma source(%arg11 : memref<128x128xf32, #tpu.memory_space<vmem>>) target(%dma_start3A_91 : memref<10240x128xf32, #tpu.memory_space<vmem_shared>>) offsets(%arg9 : memref<128xi32, #tpu.memory_space<vmem>>) semaphore(%arg16 : memref<!tpu.dma_semaphore, #tpu.memory_space<semaphore_mem>>) {add = true}
    }
    %while3A_41 = arith.constant 1 : i32
    scf.for %while3A_51 = %while3A_39 to %while3A_35 step %while3A_41  : i32 {
      %mul3A_52 = arith.muli %while3A_51, %while3A : i32
      %add3A_53 = arith.addi %while3A_32, %mul3A_52 : i32
      %add3A_54 = arith.constant 0 : i32
      %add3A_55 = arith.addi %add3A_53, %add3A_54 : i32
      %add3A_56 = arith.constant 1 : i32
      %add3A_57 = arith.addi %add3A_55, %add3A_56 : i32
      %lt3A = arith.cmpi slt, %add3A_57, %select_n3A : i32
      %gt3A_58 = arith.constant 0 : i32
      %gt3A_59 = arith.cmpi sgt, %add3A_55, %gt3A_58 : i32
      %and3A = arith.andi %lt3A, %gt3A_59 : i1
      %convert_element_type3A_60 = arith.extui %and3A : i1 to i32
      %cond3A_61 = arith.constant 0 : i32
      %cond3A_62 = arith.cmpi ne, %convert_element_type3A_60, %cond3A_61 : i32
      scf.if %cond3A_62 {
        %dma_wait3A_92 = arith.constant 0 : i32
        %dma_wait3A_93 = arith.constant 0 : i32
        %dma_wait3A_94 = tpu.memref_slice %arg12[%dma_wait3A_92, %dma_wait3A_93] : memref<10240x128xf32, #tpu.memory_space<vmem_shared>> -> memref<10240x128xf32, #tpu.memory_space<vmem_shared>>
        tpu.wait_indirect_dma semaphore(%arg16 : memref<!tpu.dma_semaphore, #tpu.memory_space<semaphore_mem>>) src(%arg11 : memref<128x128xf32, #tpu.memory_space<vmem>>) dst(%dma_wait3A_94 : memref<10240x128xf32, #tpu.memory_space<vmem_shared>>)
      } else {
      }
      %lt3A_63 = arith.cmpi slt, %add3A_57, %select_n3A : i32
      %convert_element_type3A_64 = arith.extui %lt3A_63 : i1 to i32
      %cond3A_65 = arith.constant 0 : i32
      %cond3A_66 = arith.cmpi ne, %convert_element_type3A_64, %cond3A_65 : i32
      scf.if %cond3A_66 {
        %add3A_92 = arith.addi %add3A_23, %add3A_57 : i32
        %mul3A_93 = arith.constant 128 : i32
        %mul3A_94 = arith.muli %add3A_92, %mul3A_93 : i32
        "tpu.region"() ({
          %run_scoped3A = tpu.sem_alloc : memref<!tpu.dma_semaphore, #tpu.memory_space<semaphore_mem>>
          %dma_start3A_98 = tpu.memref_slice %arg4[%mul3A_94] : memref<327680xi32, #tpu.memory_space<hbm>> -> memref<128xi32, #tpu.memory_space<hbm>>
          %dma_start3A_99 = tpu.memref_slice %arg4[%mul3A_94] : memref<327680xi32, #tpu.memory_space<hbm>> -> memref<128xi32, #tpu.memory_space<hbm>>
          tpu.enqueue_dma source(%dma_start3A_99 : memref<128xi32, #tpu.memory_space<hbm>>) target(%arg9 : memref<128xi32, #tpu.memory_space<vmem>>) target_semaphore(%run_scoped3A : memref<!tpu.dma_semaphore, #tpu.memory_space<semaphore_mem>>)
          %dma_wait3A_100 = tpu.memref_slice %arg4[%mul3A_94] : memref<327680xi32, #tpu.memory_space<hbm>> -> memref<128xi32, #tpu.memory_space<hbm>>
          %dma_wait3A_101 = tpu.memref_slice %arg4[%mul3A_94] : memref<327680xi32, #tpu.memory_space<hbm>> -> memref<128xi32, #tpu.memory_space<hbm>>
          tpu.wait_dma2 semaphore(%run_scoped3A : memref<!tpu.dma_semaphore, #tpu.memory_space<semaphore_mem>>) src(%dma_wait3A_101 : memref<128xi32, #tpu.memory_space<hbm>>) dst(%arg9 : memref<128xi32, #tpu.memory_space<vmem>>)
          tpu.yield
        }) : () -> ()
        "tpu.region"() ({
          %run_scoped3A = tpu.sem_alloc : memref<!tpu.dma_semaphore, #tpu.memory_space<semaphore_mem>>
          %dma_start3A_98 = tpu.memref_slice %arg3[%mul3A_94] : memref<327680xi32, #tpu.memory_space<hbm>> -> memref<128xi32, #tpu.memory_space<hbm>>
          %dma_start3A_99 = tpu.memref_slice %arg3[%mul3A_94] : memref<327680xi32, #tpu.memory_space<hbm>> -> memref<128xi32, #tpu.memory_space<hbm>>
          tpu.enqueue_dma source(%dma_start3A_99 : memref<128xi32, #tpu.memory_space<hbm>>) target(%arg7 : memref<128xi32, #tpu.memory_space<vmem>>) target_semaphore(%run_scoped3A : memref<!tpu.dma_semaphore, #tpu.memory_space<semaphore_mem>>)
          %dma_wait3A_100 = tpu.memref_slice %arg3[%mul3A_94] : memref<327680xi32, #tpu.memory_space<hbm>> -> memref<128xi32, #tpu.memory_space<hbm>>
          %dma_wait3A_101 = tpu.memref_slice %arg3[%mul3A_94] : memref<327680xi32, #tpu.memory_space<hbm>> -> memref<128xi32, #tpu.memory_space<hbm>>
          tpu.wait_dma2 semaphore(%run_scoped3A : memref<!tpu.dma_semaphore, #tpu.memory_space<semaphore_mem>>) src(%dma_wait3A_101 : memref<128xi32, #tpu.memory_space<hbm>>) dst(%arg7 : memref<128xi32, #tpu.memory_space<vmem>>)
          tpu.yield
        }) : () -> ()
        %dma_start3A_95 = arith.constant 0 : i32
        %dma_start3A_96 = arith.constant 0 : i32
        %dma_start3A_97 = tpu.memref_slice %arg2[%dma_start3A_95, %dma_start3A_96] : memref<10240x128xf32, #tpu.memory_space<hbm>> -> memref<10240x128xf32, #tpu.memory_space<hbm>>
        tpu.enqueue_indirect_dma source(%dma_start3A_97 : memref<10240x128xf32, #tpu.memory_space<hbm>>) target(%arg11 : memref<128x128xf32, #tpu.memory_space<vmem>>) offsets(%arg7 : memref<128xi32, #tpu.memory_space<vmem>>) semaphore(%arg14 : memref<!tpu.dma_semaphore, #tpu.memory_space<semaphore_mem>>)
      } else {
      }
      %dma_wait3A = arith.constant 0 : i32
      %dma_wait3A_67 = arith.constant 0 : i32
      %dma_wait3A_68 = tpu.memref_slice %arg2[%dma_wait3A, %dma_wait3A_67] : memref<10240x128xf32, #tpu.memory_space<hbm>> -> memref<10240x128xf32, #tpu.memory_space<hbm>>
      tpu.wait_indirect_dma semaphore(%arg13 : memref<!tpu.dma_semaphore, #tpu.memory_space<semaphore_mem>>) src(%dma_wait3A_68 : memref<10240x128xf32, #tpu.memory_space<hbm>>) dst(%arg10 : memref<128x128xf32, #tpu.memory_space<vmem>>)
      %dma_start3A = arith.constant 0 : i32
      %dma_start3A_69 = arith.constant 0 : i32
      %dma_start3A_70 = tpu.memref_slice %arg12[%dma_start3A, %dma_start3A_69] : memref<10240x128xf32, #tpu.memory_space<vmem_shared>> -> memref<10240x128xf32, #tpu.memory_space<vmem_shared>>
      tpu.enqueue_indirect_dma source(%arg10 : memref<128x128xf32, #tpu.memory_space<vmem>>) target(%dma_start3A_70 : memref<10240x128xf32, #tpu.memory_space<vmem_shared>>) offsets(%arg8 : memref<128xi32, #tpu.memory_space<vmem>>) semaphore(%arg15 : memref<!tpu.dma_semaphore, #tpu.memory_space<semaphore_mem>>) {add = true}
      %add3A_71 = arith.constant 1 : i32
      %add3A_72 = arith.addi %add3A_53, %add3A_71 : i32
      %add3A_73 = arith.constant 1 : i32
      %add3A_74 = arith.addi %add3A_72, %add3A_73 : i32
      %lt3A_75 = arith.cmpi slt, %add3A_74, %select_n3A : i32
      %gt3A_76 = arith.constant 0 : i32
      %gt3A_77 = arith.cmpi sgt, %add3A_72, %gt3A_76 : i32
      %and3A_78 = arith.andi %lt3A_75, %gt3A_77 : i1
      %convert_element_type3A_79 = arith.extui %and3A_78 : i1 to i32
      %cond3A_80 = arith.constant 0 : i32
      %cond3A_81 = arith.cmpi ne, %convert_element_type3A_79, %cond3A_80 : i32
      scf.if %cond3A_81 {
        %dma_wait3A_92 = arith.constant 0 : i32
        %dma_wait3A_93 = arith.constant 0 : i32
        %dma_wait3A_94 = tpu.memref_slice %arg12[%dma_wait3A_92, %dma_wait3A_93] : memref<10240x128xf32, #tpu.memory_space<vmem_shared>> -> memref<10240x128xf32, #tpu.memory_space<vmem_shared>>
        tpu.wait_indirect_dma semaphore(%arg15 : memref<!tpu.dma_semaphore, #tpu.memory_space<semaphore_mem>>) src(%arg10 : memref<128x128xf32, #tpu.memory_space<vmem>>) dst(%dma_wait3A_94 : memref<10240x128xf32, #tpu.memory_space<vmem_shared>>)
      } else {
      }
      %lt3A_82 = arith.cmpi slt, %add3A_74, %select_n3A : i32
      %convert_element_type3A_83 = arith.extui %lt3A_82 : i1 to i32
      %cond3A_84 = arith.constant 0 : i32
      %cond3A_85 = arith.cmpi ne, %convert_element_type3A_83, %cond3A_84 : i32
      scf.if %cond3A_85 {
        %add3A_92 = arith.addi %add3A_23, %add3A_74 : i32
        %mul3A_93 = arith.constant 128 : i32
        %mul3A_94 = arith.muli %add3A_92, %mul3A_93 : i32
        "tpu.region"() ({
          %run_scoped3A = tpu.sem_alloc : memref<!tpu.dma_semaphore, #tpu.memory_space<semaphore_mem>>
          %dma_start3A_98 = tpu.memref_slice %arg4[%mul3A_94] : memref<327680xi32, #tpu.memory_space<hbm>> -> memref<128xi32, #tpu.memory_space<hbm>>
          %dma_start3A_99 = tpu.memref_slice %arg4[%mul3A_94] : memref<327680xi32, #tpu.memory_space<hbm>> -> memref<128xi32, #tpu.memory_space<hbm>>
          tpu.enqueue_dma source(%dma_start3A_99 : memref<128xi32, #tpu.memory_space<hbm>>) target(%arg8 : memref<128xi32, #tpu.memory_space<vmem>>) target_semaphore(%run_scoped3A : memref<!tpu.dma_semaphore, #tpu.memory_space<semaphore_mem>>)
          %dma_wait3A_100 = tpu.memref_slice %arg4[%mul3A_94] : memref<327680xi32, #tpu.memory_space<hbm>> -> memref<128xi32, #tpu.memory_space<hbm>>
          %dma_wait3A_101 = tpu.memref_slice %arg4[%mul3A_94] : memref<327680xi32, #tpu.memory_space<hbm>> -> memref<128xi32, #tpu.memory_space<hbm>>
          tpu.wait_dma2 semaphore(%run_scoped3A : memref<!tpu.dma_semaphore, #tpu.memory_space<semaphore_mem>>) src(%dma_wait3A_101 : memref<128xi32, #tpu.memory_space<hbm>>) dst(%arg8 : memref<128xi32, #tpu.memory_space<vmem>>)
          tpu.yield
        }) : () -> ()
        "tpu.region"() ({
          %run_scoped3A = tpu.sem_alloc : memref<!tpu.dma_semaphore, #tpu.memory_space<semaphore_mem>>
          %dma_start3A_98 = tpu.memref_slice %arg3[%mul3A_94] : memref<327680xi32, #tpu.memory_space<hbm>> -> memref<128xi32, #tpu.memory_space<hbm>>
          %dma_start3A_99 = tpu.memref_slice %arg3[%mul3A_94] : memref<327680xi32, #tpu.memory_space<hbm>> -> memref<128xi32, #tpu.memory_space<hbm>>
          tpu.enqueue_dma source(%dma_start3A_99 : memref<128xi32, #tpu.memory_space<hbm>>) target(%arg6 : memref<128xi32, #tpu.memory_space<vmem>>) target_semaphore(%run_scoped3A : memref<!tpu.dma_semaphore, #tpu.memory_space<semaphore_mem>>)
          %dma_wait3A_100 = tpu.memref_slice %arg3[%mul3A_94] : memref<327680xi32, #tpu.memory_space<hbm>> -> memref<128xi32, #tpu.memory_space<hbm>>
          %dma_wait3A_101 = tpu.memref_slice %arg3[%mul3A_94] : memref<327680xi32, #tpu.memory_space<hbm>> -> memref<128xi32, #tpu.memory_space<hbm>>
          tpu.wait_dma2 semaphore(%run_scoped3A : memref<!tpu.dma_semaphore, #tpu.memory_space<semaphore_mem>>) src(%dma_wait3A_101 : memref<128xi32, #tpu.memory_space<hbm>>) dst(%arg6 : memref<128xi32, #tpu.memory_space<vmem>>)
          tpu.yield
        }) : () -> ()
        %dma_start3A_95 = arith.constant 0 : i32
        %dma_start3A_96 = arith.constant 0 : i32
        %dma_start3A_97 = tpu.memref_slice %arg2[%dma_start3A_95, %dma_start3A_96] : memref<10240x128xf32, #tpu.memory_space<hbm>> -> memref<10240x128xf32, #tpu.memory_space<hbm>>
        tpu.enqueue_indirect_dma source(%dma_start3A_97 : memref<10240x128xf32, #tpu.memory_space<hbm>>) target(%arg10 : memref<128x128xf32, #tpu.memory_space<vmem>>) offsets(%arg6 : memref<128xi32, #tpu.memory_space<vmem>>) semaphore(%arg13 : memref<!tpu.dma_semaphore, #tpu.memory_space<semaphore_mem>>)
      } else {
      }
      %dma_wait3A_86 = arith.constant 0 : i32
      %dma_wait3A_87 = arith.constant 0 : i32
      %dma_wait3A_88 = tpu.memref_slice %arg2[%dma_wait3A_86, %dma_wait3A_87] : memref<10240x128xf32, #tpu.memory_space<hbm>> -> memref<10240x128xf32, #tpu.memory_space<hbm>>
      tpu.wait_indirect_dma semaphore(%arg14 : memref<!tpu.dma_semaphore, #tpu.memory_space<semaphore_mem>>) src(%dma_wait3A_88 : memref<10240x128xf32, #tpu.memory_space<hbm>>) dst(%arg11 : memref<128x128xf32, #tpu.memory_space<vmem>>)
      %dma_start3A_89 = arith.constant 0 : i32
      %dma_start3A_90 = arith.constant 0 : i32
      %dma_start3A_91 = tpu.memref_slice %arg12[%dma_start3A_89, %dma_start3A_90] : memref<10240x128xf32, #tpu.memory_space<vmem_shared>> -> memref<10240x128xf32, #tpu.memory_space<vmem_shared>>
      tpu.enqueue_indirect_dma source(%arg11 : memref<128x128xf32, #tpu.memory_space<vmem>>) target(%dma_start3A_91 : memref<10240x128xf32, #tpu.memory_space<vmem_shared>>) offsets(%arg9 : memref<128xi32, #tpu.memory_space<vmem>>) semaphore(%arg16 : memref<!tpu.dma_semaphore, #tpu.memory_space<semaphore_mem>>) {add = true}
    }
    %gt3A_42 = arith.constant 0 : i32
    %gt3A_43 = arith.cmpi sgt, %select_n3A, %gt3A_42 : i32
    %convert_element_type3A_44 = arith.extui %gt3A_43 : i1 to i32
    %cond3A_45 = arith.constant 0 : i32
    %cond3A_46 = arith.cmpi ne, %convert_element_type3A_44, %cond3A_45 : i32
    scf.if %cond3A_46 {
      %dma_wait3A = arith.constant 0 : i32
      %dma_wait3A_51 = arith.constant 0 : i32
      %dma_wait3A_52 = tpu.memref_slice %arg12[%dma_wait3A, %dma_wait3A_51] : memref<10240x128xf32, #tpu.memory_space<vmem_shared>> -> memref<10240x128xf32, #tpu.memory_space<vmem_shared>>
      tpu.wait_indirect_dma semaphore(%arg15 : memref<!tpu.dma_semaphore, #tpu.memory_space<semaphore_mem>>) src(%arg10 : memref<128x128xf32, #tpu.memory_space<vmem>>) dst(%dma_wait3A_52 : memref<10240x128xf32, #tpu.memory_space<vmem_shared>>)
      %dma_wait3A_53 = arith.constant 0 : i32
      %dma_wait3A_54 = arith.constant 0 : i32
      %dma_wait3A_55 = tpu.memref_slice %arg12[%dma_wait3A_53, %dma_wait3A_54] : memref<10240x128xf32, #tpu.memory_space<vmem_shared>> -> memref<10240x128xf32, #tpu.memory_space<vmem_shared>>
      tpu.wait_indirect_dma semaphore(%arg16 : memref<!tpu.dma_semaphore, #tpu.memory_space<semaphore_mem>>) src(%arg11 : memref<128x128xf32, #tpu.memory_space<vmem>>) dst(%dma_wait3A_55 : memref<10240x128xf32, #tpu.memory_space<vmem_shared>>)
    } else {
    }
    %barrier3A_47 = arith.constant 0 : index
    tpu.barrier barrier_id(%barrier3A_47)
    %mul3A_48 = arith.constant 10240 : i32
    %mul3A_49 = arith.muli %arg0, %mul3A_48 : i32
    %add3A_50 = arith.addi %mul3A_49, %mul3A_2 : i32
    "tpu.region"() ({
      %run_scoped3A = tpu.sem_alloc : memref<!tpu.dma_semaphore, #tpu.memory_space<semaphore_mem>>
      %dma_start3A = arith.constant 0 : i32
      %dma_start3A_51 = tpu.memref_slice %arg5[%add3A_50, %dma_start3A] : memref<20480x128xf32, #tpu.memory_space<hbm>> -> memref<640x128xf32, #tpu.memory_space<hbm>>
      %dma_start3A_52 = arith.constant 0 : i32
      %dma_start3A_53 = tpu.memref_slice %arg12[%mul3A_2, %dma_start3A_52] : memref<10240x128xf32, #tpu.memory_space<vmem_shared>> -> memref<640x128xf32, #tpu.memory_space<vmem_shared>>
      tpu.enqueue_dma source(%dma_start3A_53 : memref<640x128xf32, #tpu.memory_space<vmem_shared>>) target(%dma_start3A_51 : memref<640x128xf32, #tpu.memory_space<hbm>>) target_semaphore(%run_scoped3A : memref<!tpu.dma_semaphore, #tpu.memory_space<semaphore_mem>>)
      %dma_wait3A = arith.constant 0 : i32
      %dma_wait3A_54 = tpu.memref_slice %arg5[%add3A_50, %dma_wait3A] : memref<20480x128xf32, #tpu.memory_space<hbm>> -> memref<640x128xf32, #tpu.memory_space<hbm>>
      %dma_wait3A_55 = arith.constant 0 : i32
      %dma_wait3A_56 = tpu.memref_slice %arg12[%mul3A_2, %dma_wait3A_55] : memref<10240x128xf32, #tpu.memory_space<vmem_shared>> -> memref<640x128xf32, #tpu.memory_space<vmem_shared>>
      tpu.wait_dma2 semaphore(%run_scoped3A : memref<!tpu.dma_semaphore, #tpu.memory_space<semaphore_mem>>) src(%dma_wait3A_56 : memref<640x128xf32, #tpu.memory_space<vmem_shared>>) dst(%dma_wait3A_54 : memref<640x128xf32, #tpu.memory_space<hbm>>)
      tpu.yield
    }) : () -> ()
    return
  }
}

#map = affine_map<(d0, d1) -> (0, 0)>
#map1 = affine_map<(d0, d1) -> (0)>
module attributes {stable_mosaic.version = 14 : i64} {
  func.func @body(%arg0: i32, %arg1: i32, %arg2: memref<10240x128xf32, #tpu.memory_space<hbm>>, %arg3: memref<327680xi32, #tpu.memory_space<hbm>>, %arg4: memref<327680xi32, #tpu.memory_space<hbm>>, %arg5: memref<20480x128xf32, #tpu.memory_space<hbm>>, %arg6: memref<128xi32, #tpu.memory_space<vmem>>, %arg7: memref<128xi32, #tpu.memory_space<vmem>>, %arg8: memref<128xi32, #tpu.memory_space<vmem>>, %arg9: memref<128xi32, #tpu.memory_space<vmem>>, %arg10: memref<128x128xf32, #tpu.memory_space<vmem>>, %arg11: memref<128x128xf32, #tpu.memory_space<vmem>>, %arg12: memref<10240x128xf32, #tpu.memory_space<vmem_shared>>, %arg13: memref<!tpu.dma_semaphore, #tpu.memory_space<semaphore_mem>>, %arg14: memref<!tpu.dma_semaphore, #tpu.memory_space<semaphore_mem>>, %arg15: memref<!tpu.dma_semaphore, #tpu.memory_space<semaphore_mem>>, %arg16: memref<!tpu.dma_semaphore, #tpu.memory_space<semaphore_mem>>) attributes {dimension_semantics = [#tpu.dimension_semantics<core_parallel>, #tpu.dimension_semantics<subcore_parallel>], iteration_bounds = array<i64: 2, 16>, scalar_prefetch = 0 : i64, scratch_operands = 11 : i64, tpu.core_type = #tpu.core_type<sc_vector_subcore>, window_params = [{transform_indices = #map}, {transform_indices = #map1}, {transform_indices = #map1}, {transform_indices = #map}]} {
    %mul3A = arith.constant 16 : i32
    %mul3A_0 = arith.muli %arg0, %mul3A : i32
    %add3A = arith.addi %mul3A_0, %arg1 : i32
    %mul3A_1 = arith.constant 640 : i32
    %mul3A_2 = arith.muli %arg1, %mul3A_1 : i32
    %broadcast_in_dim3A = arith.constant 0.000000e+00 : f32
    %broadcast_in_dim3A_3 = vector.broadcast %broadcast_in_dim3A : f32 to vector<16xf32>
    %scan3A = arith.constant 0 : i32
    %scan3A_4 = arith.constant 128 : i32
    %scan3A_5 = arith.addi %scan3A, %scan3A_4 : i32
    %scan3A_6 = arith.constant 1 : i32
    scf.for %scan3A_51 = %scan3A to %scan3A_5 step %scan3A_6  : i32 {
      %mul3A_52 = arith.constant 1 : i32
      %mul3A_53 = arith.muli %scan3A_51, %mul3A_52 : i32
      %add3A_54 = arith.constant 0 : i32
      %add3A_55 = arith.addi %add3A_54, %mul3A_53 : i32
      %swap3A = arith.index_cast %add3A_55 : i32 to index
      %swap3A_56 = arith.constant 0 : index
      %swap3A_57 = tpu.vector_load %arg10[%swap3A, %swap3A_56] {strides = array<i32>} : memref<128x128xf32, #tpu.memory_space<vmem>>, vector<1x16xf32>,
      %swap3A_58 = vector.shape_cast %swap3A_57 : vector<1x16xf32> to vector<16xf32>
      %swap3A_59 = vector.shape_cast %broadcast_in_dim3A_3 : vector<16xf32> to vector<1x16xf32>
      tpu.vector_store %arg10[%swap3A, %swap3A_56], %swap3A_59 {strides = array<i32>} : memref<128x128xf32, #tpu.memory_space<vmem>>, vector<1x16xf32>,
      %swap3A_60 = arith.index_cast %add3A_55 : i32 to index
      %swap3A_61 = arith.constant 16 : index
      %swap3A_62 = tpu.vector_load %arg10[%swap3A_60, %swap3A_61] {strides = array<i32>} : memref<128x128xf32, #tpu.memory_space<vmem>>, vector<1x16xf32>,
      %swap3A_63 = vector.shape_cast %swap3A_62 : vector<1x16xf32> to vector<16xf32>
      %swap3A_64 = vector.shape_cast %broadcast_in_dim3A_3 : vector<16xf32> to vector<1x16xf32>
      tpu.vector_store %arg10[%swap3A_60, %swap3A_61], %swap3A_64 {strides = array<i32>} : memref<128x128xf32, #tpu.memory_space<vmem>>, vector<1x16xf32>,
      %swap3A_65 = arith.index_cast %add3A_55 : i32 to index
      %swap3A_66 = arith.constant 32 : index
      %swap3A_67 = tpu.vector_load %arg10[%swap3A_65, %swap3A_66] {strides = array<i32>} : memref<128x128xf32, #tpu.memory_space<vmem>>, vector<1x16xf32>,
      %swap3A_68 = vector.shape_cast %swap3A_67 : vector<1x16xf32> to vector<16xf32>
      %swap3A_69 = vector.shape_cast %broadcast_in_dim3A_3 : vector<16xf32> to vector<1x16xf32>
      tpu.vector_store %arg10[%swap3A_65, %swap3A_66], %swap3A_69 {strides = array<i32>} : memref<128x128xf32, #tpu.memory_space<vmem>>, vector<1x16xf32>,
      %swap3A_70 = arith.index_cast %add3A_55 : i32 to index
      %swap3A_71 = arith.constant 48 : index
      %swap3A_72 = tpu.vector_load %arg10[%swap3A_70, %swap3A_71] {strides = array<i32>} : memref<128x128xf32, #tpu.memory_space<vmem>>, vector<1x16xf32>,
      %swap3A_73 = vector.shape_cast %swap3A_72 : vector<1x16xf32> to vector<16xf32>
      %swap3A_74 = vector.shape_cast %broadcast_in_dim3A_3 : vector<16xf32> to vector<1x16xf32>
      tpu.vector_store %arg10[%swap3A_70, %swap3A_71], %swap3A_74 {strides = array<i32>} : memref<128x128xf32, #tpu.memory_space<vmem>>, vector<1x16xf32>,
      %swap3A_75 = arith.index_cast %add3A_55 : i32 to index
      %swap3A_76 = arith.constant 64 : index
      %swap3A_77 = tpu.vector_load %arg10[%swap3A_75, %swap3A_76] {strides = array<i32>} : memref<128x128xf32, #tpu.memory_space<vmem>>, vector<1x16xf32>,
      %swap3A_78 = vector.shape_cast %swap3A_77 : vector<1x16xf32> to vector<16xf32>
      %swap3A_79 = vector.shape_cast %broadcast_in_dim3A_3 : vector<16xf32> to vector<1x16xf32>
      tpu.vector_store %arg10[%swap3A_75, %swap3A_76], %swap3A_79 {strides = array<i32>} : memref<128x128xf32, #tpu.memory_space<vmem>>, vector<1x16xf32>,
      %swap3A_80 = arith.index_cast %add3A_55 : i32 to index
      %swap3A_81 = arith.constant 80 : index
      %swap3A_82 = tpu.vector_load %arg10[%swap3A_80, %swap3A_81] {strides = array<i32>} : memref<128x128xf32, #tpu.memory_space<vmem>>, vector<1x16xf32>,
      %swap3A_83 = vector.shape_cast %swap3A_82 : vector<1x16xf32> to vector<16xf32>
      %swap3A_84 = vector.shape_cast %broadcast_in_dim3A_3 : vector<16xf32> to vector<1x16xf32>
      tpu.vector_store %arg10[%swap3A_80, %swap3A_81], %swap3A_84 {strides = array<i32>} : memref<128x128xf32, #tpu.memory_space<vmem>>, vector<1x16xf32>,
      %swap3A_85 = arith.index_cast %add3A_55 : i32 to index
      %swap3A_86 = arith.constant 96 : index
      %swap3A_87 = tpu.vector_load %arg10[%swap3A_85, %swap3A_86] {strides = array<i32>} : memref<128x128xf32, #tpu.memory_space<vmem>>, vector<1x16xf32>,
      %swap3A_88 = vector.shape_cast %swap3A_87 : vector<1x16xf32> to vector<16xf32>
      %swap3A_89 = vector.shape_cast %broadcast_in_dim3A_3 : vector<16xf32> to vector<1x16xf32>
      tpu.vector_store %arg10[%swap3A_85, %swap3A_86], %swap3A_89 {strides = array<i32>} : memref<128x128xf32, #tpu.memory_space<vmem>>, vector<1x16xf32>,
      %swap3A_90 = arith.index_cast %add3A_55 : i32 to index
      %swap3A_91 = arith.constant 112 : index
      %swap3A_92 = tpu.vector_load %arg10[%swap3A_90, %swap3A_91] {strides = array<i32>} : memref<128x128xf32, #tpu.memory_space<vmem>>, vector<1x16xf32>,
      %swap3A_93 = vector.shape_cast %swap3A_92 : vector<1x16xf32> to vector<16xf32>
      %swap3A_94 = vector.shape_cast %broadcast_in_dim3A_3 : vector<16xf32> to vector<1x16xf32>
      tpu.vector_store %arg10[%swap3A_90, %swap3A_91], %swap3A_94 {strides = array<i32>} : memref<128x128xf32, #tpu.memory_space<vmem>>, vector<1x16xf32>,
    }
    %scan3A_7 = arith.constant 128 : i32
    %add3A_8 = arith.constant 0 : i32
    %add3A_9 = arith.addi %mul3A_2, %add3A_8 : i32
    "tpu.region"() ({
      %run_scoped3A = tpu.sem_alloc : memref<!tpu.dma_semaphore, #tpu.memory_space<semaphore_mem>>
      %dma_start3A = arith.constant 0 : i32
      %dma_start3A_51 = tpu.memref_slice %arg12[%add3A_9, %dma_start3A] : memref<10240x128xf32, #tpu.memory_space<vmem_shared>> -> memref<128x128xf32, #tpu.memory_space<vmem_shared>>
      %dma_start3A_52 = arith.constant 0 : i32
      %dma_start3A_53 = tpu.memref_slice %arg12[%add3A_9, %dma_start3A_52] : memref<10240x128xf32, #tpu.memory_space<vmem_shared>> -> memref<128x128xf32, #tpu.memory_space<vmem_shared>>
      tpu.enqueue_dma source(%arg10 : memref<128x128xf32, #tpu.memory_space<vmem>>) target(%dma_start3A_53 : memref<128x128xf32, #tpu.memory_space<vmem_shared>>) target_semaphore(%run_scoped3A : memref<!tpu.dma_semaphore, #tpu.memory_space<semaphore_mem>>)
      %dma_wait3A = arith.constant 0 : i32
      %dma_wait3A_54 = tpu.memref_slice %arg12[%add3A_9, %dma_wait3A] : memref<10240x128xf32, #tpu.memory_space<vmem_shared>> -> memref<128x128xf32, #tpu.memory_space<vmem_shared>>
      %dma_wait3A_55 = arith.constant 0 : i32
      %dma_wait3A_56 = tpu.memref_slice %arg12[%add3A_9, %dma_wait3A_55] : memref<10240x128xf32, #tpu.memory_space<vmem_shared>> -> memref<128x128xf32, #tpu.memory_space<vmem_shared>>
      tpu.wait_dma2 semaphore(%run_scoped3A : memref<!tpu.dma_semaphore, #tpu.memory_space<semaphore_mem>>) src(%arg10 : memref<128x128xf32, #tpu.memory_space<vmem>>) dst(%dma_wait3A_56 : memref<128x128xf32, #tpu.memory_space<vmem_shared>>)
      tpu.yield
    }) : () -> ()
    %add3A_10 = arith.constant 128 : i32
    %add3A_11 = arith.addi %mul3A_2, %add3A_10 : i32
    "tpu.region"() ({
      %run_scoped3A = tpu.sem_alloc : memref<!tpu.dma_semaphore, #tpu.memory_space<semaphore_mem>>
      %dma_start3A = arith.constant 0 : i32
      %dma_start3A_51 = tpu.memref_slice %arg12[%add3A_11, %dma_start3A] : memref<10240x128xf32, #tpu.memory_space<vmem_shared>> -> memref<128x128xf32, #tpu.memory_space<vmem_shared>>
      %dma_start3A_52 = arith.constant 0 : i32
      %dma_start3A_53 = tpu.memref_slice %arg12[%add3A_11, %dma_start3A_52] : memref<10240x128xf32, #tpu.memory_space<vmem_shared>> -> memref<128x128xf32, #tpu.memory_space<vmem_shared>>
      tpu.enqueue_dma source(%arg10 : memref<128x128xf32, #tpu.memory_space<vmem>>) target(%dma_start3A_53 : memref<128x128xf32, #tpu.memory_space<vmem_shared>>) target_semaphore(%run_scoped3A : memref<!tpu.dma_semaphore, #tpu.memory_space<semaphore_mem>>)
      %dma_wait3A = arith.constant 0 : i32
      %dma_wait3A_54 = tpu.memref_slice %arg12[%add3A_11, %dma_wait3A] : memref<10240x128xf32, #tpu.memory_space<vmem_shared>> -> memref<128x128xf32, #tpu.memory_space<vmem_shared>>
      %dma_wait3A_55 = arith.constant 0 : i32
      %dma_wait3A_56 = tpu.memref_slice %arg12[%add3A_11, %dma_wait3A_55] : memref<10240x128xf32, #tpu.memory_space<vmem_shared>> -> memref<128x128xf32, #tpu.memory_space<vmem_shared>>
      tpu.wait_dma2 semaphore(%run_scoped3A : memref<!tpu.dma_semaphore, #tpu.memory_space<semaphore_mem>>) src(%arg10 : memref<128x128xf32, #tpu.memory_space<vmem>>) dst(%dma_wait3A_56 : memref<128x128xf32, #tpu.memory_space<vmem_shared>>)
      tpu.yield
    }) : () -> ()
    %add3A_12 = arith.constant 256 : i32
    %add3A_13 = arith.addi %mul3A_2, %add3A_12 : i32
    "tpu.region"() ({
      %run_scoped3A = tpu.sem_alloc : memref<!tpu.dma_semaphore, #tpu.memory_space<semaphore_mem>>
      %dma_start3A = arith.constant 0 : i32
      %dma_start3A_51 = tpu.memref_slice %arg12[%add3A_13, %dma_start3A] : memref<10240x128xf32, #tpu.memory_space<vmem_shared>> -> memref<128x128xf32, #tpu.memory_space<vmem_shared>>
      %dma_start3A_52 = arith.constant 0 : i32
      %dma_start3A_53 = tpu.memref_slice %arg12[%add3A_13, %dma_start3A_52] : memref<10240x128xf32, #tpu.memory_space<vmem_shared>> -> memref<128x128xf32, #tpu.memory_space<vmem_shared>>
      tpu.enqueue_dma source(%arg10 : memref<128x128xf32, #tpu.memory_space<vmem>>) target(%dma_start3A_53 : memref<128x128xf32, #tpu.memory_space<vmem_shared>>) target_semaphore(%run_scoped3A : memref<!tpu.dma_semaphore, #tpu.memory_space<semaphore_mem>>)
      %dma_wait3A = arith.constant 0 : i32
      %dma_wait3A_54 = tpu.memref_slice %arg12[%add3A_13, %dma_wait3A] : memref<10240x128xf32, #tpu.memory_space<vmem_shared>> -> memref<128x128xf32, #tpu.memory_space<vmem_shared>>
      %dma_wait3A_55 = arith.constant 0 : i32
      %dma_wait3A_56 = tpu.memref_slice %arg12[%add3A_13, %dma_wait3A_55] : memref<10240x128xf32, #tpu.memory_space<vmem_shared>> -> memref<128x128xf32, #tpu.memory_space<vmem_shared>>
      tpu.wait_dma2 semaphore(%run_scoped3A : memref<!tpu.dma_semaphore, #tpu.memory_space<semaphore_mem>>) src(%arg10 : memref<128x128xf32, #tpu.memory_space<vmem>>) dst(%dma_wait3A_56 : memref<128x128xf32, #tpu.memory_space<vmem_shared>>)
      tpu.yield
    }) : () -> ()
    %add3A_14 = arith.constant 384 : i32
    %add3A_15 = arith.addi %mul3A_2, %add3A_14 : i32
    "tpu.region"() ({
      %run_scoped3A = tpu.sem_alloc : memref<!tpu.dma_semaphore, #tpu.memory_space<semaphore_mem>>
      %dma_start3A = arith.constant 0 : i32
      %dma_start3A_51 = tpu.memref_slice %arg12[%add3A_15, %dma_start3A] : memref<10240x128xf32, #tpu.memory_space<vmem_shared>> -> memref<128x128xf32, #tpu.memory_space<vmem_shared>>
      %dma_start3A_52 = arith.constant 0 : i32
      %dma_start3A_53 = tpu.memref_slice %arg12[%add3A_15, %dma_start3A_52] : memref<10240x128xf32, #tpu.memory_space<vmem_shared>> -> memref<128x128xf32, #tpu.memory_space<vmem_shared>>
      tpu.enqueue_dma source(%arg10 : memref<128x128xf32, #tpu.memory_space<vmem>>) target(%dma_start3A_53 : memref<128x128xf32, #tpu.memory_space<vmem_shared>>) target_semaphore(%run_scoped3A : memref<!tpu.dma_semaphore, #tpu.memory_space<semaphore_mem>>)
      %dma_wait3A = arith.constant 0 : i32
      %dma_wait3A_54 = tpu.memref_slice %arg12[%add3A_15, %dma_wait3A] : memref<10240x128xf32, #tpu.memory_space<vmem_shared>> -> memref<128x128xf32, #tpu.memory_space<vmem_shared>>
      %dma_wait3A_55 = arith.constant 0 : i32
      %dma_wait3A_56 = tpu.memref_slice %arg12[%add3A_15, %dma_wait3A_55] : memref<10240x128xf32, #tpu.memory_space<vmem_shared>> -> memref<128x128xf32, #tpu.memory_space<vmem_shared>>
      tpu.wait_dma2 semaphore(%run_scoped3A : memref<!tpu.dma_semaphore, #tpu.memory_space<semaphore_mem>>) src(%arg10 : memref<128x128xf32, #tpu.memory_space<vmem>>) dst(%dma_wait3A_56 : memref<128x128xf32, #tpu.memory_space<vmem_shared>>)
      tpu.yield
    }) : () -> ()
    %add3A_16 = arith.constant 512 : i32
    %add3A_17 = arith.addi %mul3A_2, %add3A_16 : i32
    "tpu.region"() ({
      %run_scoped3A = tpu.sem_alloc : memref<!tpu.dma_semaphore, #tpu.memory_space<semaphore_mem>>
      %dma_start3A = arith.constant 0 : i32
      %dma_start3A_51 = tpu.memref_slice %arg12[%add3A_17, %dma_start3A] : memref<10240x128xf32, #tpu.memory_space<vmem_shared>> -> memref<128x128xf32, #tpu.memory_space<vmem_shared>>
      %dma_start3A_52 = arith.constant 0 : i32
      %dma_start3A_53 = tpu.memref_slice %arg12[%add3A_17, %dma_start3A_52] : memref<10240x128xf32, #tpu.memory_space<vmem_shared>> -> memref<128x128xf32, #tpu.memory_space<vmem_shared>>
      tpu.enqueue_dma source(%arg10 : memref<128x128xf32, #tpu.memory_space<vmem>>) target(%dma_start3A_53 : memref<128x128xf32, #tpu.memory_space<vmem_shared>>) target_semaphore(%run_scoped3A : memref<!tpu.dma_semaphore, #tpu.memory_space<semaphore_mem>>)
      %dma_wait3A = arith.constant 0 : i32
      %dma_wait3A_54 = tpu.memref_slice %arg12[%add3A_17, %dma_wait3A] : memref<10240x128xf32, #tpu.memory_space<vmem_shared>> -> memref<128x128xf32, #tpu.memory_space<vmem_shared>>
      %dma_wait3A_55 = arith.constant 0 : i32
      %dma_wait3A_56 = tpu.memref_slice %arg12[%add3A_17, %dma_wait3A_55] : memref<10240x128xf32, #tpu.memory_space<vmem_shared>> -> memref<128x128xf32, #tpu.memory_space<vmem_shared>>
      tpu.wait_dma2 semaphore(%run_scoped3A : memref<!tpu.dma_semaphore, #tpu.memory_space<semaphore_mem>>) src(%arg10 : memref<128x128xf32, #tpu.memory_space<vmem>>) dst(%dma_wait3A_56 : memref<128x128xf32, #tpu.memory_space<vmem_shared>>)
      tpu.yield
    }) : () -> ()
    %barrier3A = arith.constant 0 : index
    tpu.barrier barrier_id(%barrier3A)
    %eq3A = arith.constant 0 : i32
    %eq3A_18 = arith.cmpi eq, %arg0, %eq3A : i32
    %jit3A = arith.constant 80 : i32
    %jit3A_19 = arith.constant 80 : i32
    %select_n3A = arith.select %eq3A_18, %jit3A, %jit3A_19 : i32
    %mul3A_20 = arith.constant 1280 : i32
    %mul3A_21 = arith.muli %arg0, %mul3A_20 : i32
    %mul3A_22 = arith.muli %arg1, %select_n3A : i32
    %add3A_23 = arith.addi %mul3A_21, %mul3A_22 : i32
    %gt3A = arith.constant 0 : i32
    %gt3A_24 = arith.cmpi sgt, %select_n3A, %gt3A : i32
    %convert_element_type3A = arith.extui %gt3A_24 : i1 to i32
    %cond3A = arith.constant 0 : i32
    %cond3A_25 = arith.cmpi ne, %convert_element_type3A, %cond3A : i32
    scf.if %cond3A_25 {
      %add3A_51 = arith.constant 0 : i32
      %add3A_52 = arith.addi %add3A_23, %add3A_51 : i32
      %mul3A_53 = arith.constant 128 : i32
      %mul3A_54 = arith.muli %add3A_52, %mul3A_53 : i32
      "tpu.region"() ({
        %run_scoped3A = tpu.sem_alloc : memref<!tpu.dma_semaphore, #tpu.memory_space<semaphore_mem>>
        %dma_start3A_57 = tpu.memref_slice %arg4[%mul3A_54] : memref<327680xi32, #tpu.memory_space<hbm>> -> memref<128xi32, #tpu.memory_space<hbm>>
        %dma_start3A_58 = tpu.memref_slice %arg4[%mul3A_54] : memref<327680xi32, #tpu.memory_space<hbm>> -> memref<128xi32, #tpu.memory_space<hbm>>
        tpu.enqueue_dma source(%dma_start3A_58 : memref<128xi32, #tpu.memory_space<hbm>>) target(%arg8 : memref<128xi32, #tpu.memory_space<vmem>>) target_semaphore(%run_scoped3A : memref<!tpu.dma_semaphore, #tpu.memory_space<semaphore_mem>>)
        %dma_wait3A = tpu.memref_slice %arg4[%mul3A_54] : memref<327680xi32, #tpu.memory_space<hbm>> -> memref<128xi32, #tpu.memory_space<hbm>>
        %dma_wait3A_59 = tpu.memref_slice %arg4[%mul3A_54] : memref<327680xi32, #tpu.memory_space<hbm>> -> memref<128xi32, #tpu.memory_space<hbm>>
        tpu.wait_dma2 semaphore(%run_scoped3A : memref<!tpu.dma_semaphore, #tpu.memory_space<semaphore_mem>>) src(%dma_wait3A_59 : memref<128xi32, #tpu.memory_space<hbm>>) dst(%arg8 : memref<128xi32, #tpu.memory_space<vmem>>)
        tpu.yield
      }) : () -> ()
      "tpu.region"() ({
        %run_scoped3A = tpu.sem_alloc : memref<!tpu.dma_semaphore, #tpu.memory_space<semaphore_mem>>
        %dma_start3A_57 = tpu.memref_slice %arg3[%mul3A_54] : memref<327680xi32, #tpu.memory_space<hbm>> -> memref<128xi32, #tpu.memory_space<hbm>>
        %dma_start3A_58 = tpu.memref_slice %arg3[%mul3A_54] : memref<327680xi32, #tpu.memory_space<hbm>> -> memref<128xi32, #tpu.memory_space<hbm>>
        tpu.enqueue_dma source(%dma_start3A_58 : memref<128xi32, #tpu.memory_space<hbm>>) target(%arg6 : memref<128xi32, #tpu.memory_space<vmem>>) target_semaphore(%run_scoped3A : memref<!tpu.dma_semaphore, #tpu.memory_space<semaphore_mem>>)
        %dma_wait3A = tpu.memref_slice %arg3[%mul3A_54] : memref<327680xi32, #tpu.memory_space<hbm>> -> memref<128xi32, #tpu.memory_space<hbm>>
        %dma_wait3A_59 = tpu.memref_slice %arg3[%mul3A_54] : memref<327680xi32, #tpu.memory_space<hbm>> -> memref<128xi32, #tpu.memory_space<hbm>>
        tpu.wait_dma2 semaphore(%run_scoped3A : memref<!tpu.dma_semaphore, #tpu.memory_space<semaphore_mem>>) src(%dma_wait3A_59 : memref<128xi32, #tpu.memory_space<hbm>>) dst(%arg6 : memref<128xi32, #tpu.memory_space<vmem>>)
        tpu.yield
      }) : () -> ()
      %dma_start3A = arith.constant 0 : i32
      %dma_start3A_55 = arith.constant 0 : i32
      %dma_start3A_56 = tpu.memref_slice %arg2[%dma_start3A, %dma_start3A_55] : memref<10240x128xf32, #tpu.memory_space<hbm>> -> memref<10240x128xf32, #tpu.memory_space<hbm>>
      tpu.enqueue_indirect_dma source(%dma_start3A_56 : memref<10240x128xf32, #tpu.memory_space<hbm>>) target(%arg10 : memref<128x128xf32, #tpu.memory_space<vmem>>) offsets(%arg6 : memref<128xi32, #tpu.memory_space<vmem>>) semaphore(%arg13 : memref<!tpu.dma_semaphore, #tpu.memory_space<semaphore_mem>>)
    } else {
    }
    %sub3A = arith.constant 0 : i32
    %sub3A_26 = arith.subi %select_n3A, %sub3A : i32
    %sub3A_27 = arith.constant 2 : i32
    %sub3A_28 = arith.constant 1 : i32
    %sub3A_29 = arith.subi %sub3A_27, %sub3A_28 : i32
    %add3A_30 = arith.addi %sub3A_26, %sub3A_29 : i32
    %div3A = arith.constant 2 : i32
    %div3A_31 = arith.divsi %add3A_30, %div3A : i32
    %while3A = arith.constant 2 : i32
    %while3A_32 = arith.constant 0 : i32
    %while3A_33 = arith.constant 0 : i32
    %while3A_34 = arith.subi %div3A_31, %while3A_33 : i32
    %while3A_35 = arith.addi %while3A_33, %while3A_34 : i32
    %while3A_36 = arith.constant 1 : i32
    %while3A_37 = arith.divsi %while3A_34, %while3A_36 : i32
    %while3A_38 = arith.muli %while3A_37, %while3A_36 : i32
    %while3A_39 = arith.addi %while3A_33, %while3A_38 : i32
    %while3A_40 = arith.constant 1 : i32
    scf.for %while3A_51 = %while3A_33 to %while3A_39 step %while3A_40  : i32 {
      %mul3A_52 = arith.muli %while3A_51, %while3A : i32
      %add3A_53 = arith.addi %while3A_32, %mul3A_52 : i32
      %add3A_54 = arith.constant 0 : i32
      %add3A_55 = arith.addi %add3A_53, %add3A_54 : i32
      %add3A_56 = arith.constant 1 : i32
      %add3A_57 = arith.addi %add3A_55, %add3A_56 : i32
      %lt3A = arith.cmpi slt, %add3A_57, %select_n3A : i32
      %gt3A_58 = arith.constant 0 : i32
      %gt3A_59 = arith.cmpi sgt, %add3A_55, %gt3A_58 : i32
      %and3A = arith.andi %lt3A, %gt3A_59 : i1
      %convert_element_type3A_60 = arith.extui %and3A : i1 to i32
      %cond3A_61 = arith.constant 0 : i32
      %cond3A_62 = arith.cmpi ne, %convert_element_type3A_60, %cond3A_61 : i32
      scf.if %cond3A_62 {
        %dma_wait3A_92 = arith.constant 0 : i32
        %dma_wait3A_93 = arith.constant 0 : i32
        %dma_wait3A_94 = tpu.memref_slice %arg12[%dma_wait3A_92, %dma_wait3A_93] : memref<10240x128xf32, #tpu.memory_space<vmem_shared>> -> memref<10240x128xf32, #tpu.memory_space<vmem_shared>>
        tpu.wait_indirect_dma semaphore(%arg16 : memref<!tpu.dma_semaphore, #tpu.memory_space<semaphore_mem>>) src(%arg11 : memref<128x128xf32, #tpu.memory_space<vmem>>) dst(%dma_wait3A_94 : memref<10240x128xf32, #tpu.memory_space<vmem_shared>>)
      } else {
      }
      %lt3A_63 = arith.cmpi slt, %add3A_57, %select_n3A : i32
      %convert_element_type3A_64 = arith.extui %lt3A_63 : i1 to i32
      %cond3A_65 = arith.constant 0 : i32
      %cond3A_66 = arith.cmpi ne, %convert_element_type3A_64, %cond3A_65 : i32
      scf.if %cond3A_66 {
        %add3A_92 = arith.addi %add3A_23, %add3A_57 : i32
        %mul3A_93 = arith.constant 128 : i32
        %mul3A_94 = arith.muli %add3A_92, %mul3A_93 : i32
        "tpu.region"() ({
          %run_scoped3A = tpu.sem_alloc : memref<!tpu.dma_semaphore, #tpu.memory_space<semaphore_mem>>
          %dma_start3A_98 = tpu.memref_slice %arg4[%mul3A_94] : memref<327680xi32, #tpu.memory_space<hbm>> -> memref<128xi32, #tpu.memory_space<hbm>>
          %dma_start3A_99 = tpu.memref_slice %arg4[%mul3A_94] : memref<327680xi32, #tpu.memory_space<hbm>> -> memref<128xi32, #tpu.memory_space<hbm>>
          tpu.enqueue_dma source(%dma_start3A_99 : memref<128xi32, #tpu.memory_space<hbm>>) target(%arg9 : memref<128xi32, #tpu.memory_space<vmem>>) target_semaphore(%run_scoped3A : memref<!tpu.dma_semaphore, #tpu.memory_space<semaphore_mem>>)
          %dma_wait3A_100 = tpu.memref_slice %arg4[%mul3A_94] : memref<327680xi32, #tpu.memory_space<hbm>> -> memref<128xi32, #tpu.memory_space<hbm>>
          %dma_wait3A_101 = tpu.memref_slice %arg4[%mul3A_94] : memref<327680xi32, #tpu.memory_space<hbm>> -> memref<128xi32, #tpu.memory_space<hbm>>
          tpu.wait_dma2 semaphore(%run_scoped3A : memref<!tpu.dma_semaphore, #tpu.memory_space<semaphore_mem>>) src(%dma_wait3A_101 : memref<128xi32, #tpu.memory_space<hbm>>) dst(%arg9 : memref<128xi32, #tpu.memory_space<vmem>>)
          tpu.yield
        }) : () -> ()
        "tpu.region"() ({
          %run_scoped3A = tpu.sem_alloc : memref<!tpu.dma_semaphore, #tpu.memory_space<semaphore_mem>>
          %dma_start3A_98 = tpu.memref_slice %arg3[%mul3A_94] : memref<327680xi32, #tpu.memory_space<hbm>> -> memref<128xi32, #tpu.memory_space<hbm>>
          %dma_start3A_99 = tpu.memref_slice %arg3[%mul3A_94] : memref<327680xi32, #tpu.memory_space<hbm>> -> memref<128xi32, #tpu.memory_space<hbm>>
          tpu.enqueue_dma source(%dma_start3A_99 : memref<128xi32, #tpu.memory_space<hbm>>) target(%arg7 : memref<128xi32, #tpu.memory_space<vmem>>) target_semaphore(%run_scoped3A : memref<!tpu.dma_semaphore, #tpu.memory_space<semaphore_mem>>)
          %dma_wait3A_100 = tpu.memref_slice %arg3[%mul3A_94] : memref<327680xi32, #tpu.memory_space<hbm>> -> memref<128xi32, #tpu.memory_space<hbm>>
          %dma_wait3A_101 = tpu.memref_slice %arg3[%mul3A_94] : memref<327680xi32, #tpu.memory_space<hbm>> -> memref<128xi32, #tpu.memory_space<hbm>>
          tpu.wait_dma2 semaphore(%run_scoped3A : memref<!tpu.dma_semaphore, #tpu.memory_space<semaphore_mem>>) src(%dma_wait3A_101 : memref<128xi32, #tpu.memory_space<hbm>>) dst(%arg7 : memref<128xi32, #tpu.memory_space<vmem>>)
          tpu.yield
        }) : () -> ()
        %dma_start3A_95 = arith.constant 0 : i32
        %dma_start3A_96 = arith.constant 0 : i32
        %dma_start3A_97 = tpu.memref_slice %arg2[%dma_start3A_95, %dma_start3A_96] : memref<10240x128xf32, #tpu.memory_space<hbm>> -> memref<10240x128xf32, #tpu.memory_space<hbm>>
        tpu.enqueue_indirect_dma source(%dma_start3A_97 : memref<10240x128xf32, #tpu.memory_space<hbm>>) target(%arg11 : memref<128x128xf32, #tpu.memory_space<vmem>>) offsets(%arg7 : memref<128xi32, #tpu.memory_space<vmem>>) semaphore(%arg14 : memref<!tpu.dma_semaphore, #tpu.memory_space<semaphore_mem>>)
      } else {
      }
      %dma_wait3A = arith.constant 0 : i32
      %dma_wait3A_67 = arith.constant 0 : i32
      %dma_wait3A_68 = tpu.memref_slice %arg2[%dma_wait3A, %dma_wait3A_67] : memref<10240x128xf32, #tpu.memory_space<hbm>> -> memref<10240x128xf32, #tpu.memory_space<hbm>>
      tpu.wait_indirect_dma semaphore(%arg13 : memref<!tpu.dma_semaphore, #tpu.memory_space<semaphore_mem>>) src(%dma_wait3A_68 : memref<10240x128xf32, #tpu.memory_space<hbm>>) dst(%arg10 : memref<128x128xf32, #tpu.memory_space<vmem>>)
      %dma_start3A = arith.constant 0 : i32
      %dma_start3A_69 = arith.constant 0 : i32
      %dma_start3A_70 = tpu.memref_slice %arg12[%dma_start3A, %dma_start3A_69] : memref<10240x128xf32, #tpu.memory_space<vmem_shared>> -> memref<10240x128xf32, #tpu.memory_space<vmem_shared>>
      tpu.enqueue_indirect_dma source(%arg10 : memref<128x128xf32, #tpu.memory_space<vmem>>) target(%dma_start3A_70 : memref<10240x128xf32, #tpu.memory_space<vmem_shared>>) offsets(%arg8 : memref<128xi32, #tpu.memory_space<vmem>>) semaphore(%arg15 : memref<!tpu.dma_semaphore, #tpu.memory_space<semaphore_mem>>) {add = true}
      %add3A_71 = arith.constant 1 : i32
      %add3A_72 = arith.addi %add3A_53, %add3A_71 : i32
      %add3A_73 = arith.constant 1 : i32
      %add3A_74 = arith.addi %add3A_72, %add3A_73 : i32
      %lt3A_75 = arith.cmpi slt, %add3A_74, %select_n3A : i32
      %gt3A_76 = arith.constant 0 : i32
      %gt3A_77 = arith.cmpi sgt, %add3A_72, %gt3A_76 : i32
      %and3A_78 = arith.andi %lt3A_75, %gt3A_77 : i1
      %convert_element_type3A_79 = arith.extui %and3A_78 : i1 to i32
      %cond3A_80 = arith.constant 0 : i32
      %cond3A_81 = arith.cmpi ne, %convert_element_type3A_79, %cond3A_80 : i32
      scf.if %cond3A_81 {
        %dma_wait3A_92 = arith.constant 0 : i32
        %dma_wait3A_93 = arith.constant 0 : i32
        %dma_wait3A_94 = tpu.memref_slice %arg12[%dma_wait3A_92, %dma_wait3A_93] : memref<10240x128xf32, #tpu.memory_space<vmem_shared>> -> memref<10240x128xf32, #tpu.memory_space<vmem_shared>>
        tpu.wait_indirect_dma semaphore(%arg15 : memref<!tpu.dma_semaphore, #tpu.memory_space<semaphore_mem>>) src(%arg10 : memref<128x128xf32, #tpu.memory_space<vmem>>) dst(%dma_wait3A_94 : memref<10240x128xf32, #tpu.memory_space<vmem_shared>>)
      } else {
      }
      %lt3A_82 = arith.cmpi slt, %add3A_74, %select_n3A : i32
      %convert_element_type3A_83 = arith.extui %lt3A_82 : i1 to i32
      %cond3A_84 = arith.constant 0 : i32
      %cond3A_85 = arith.cmpi ne, %convert_element_type3A_83, %cond3A_84 : i32
      scf.if %cond3A_85 {
        %add3A_92 = arith.addi %add3A_23, %add3A_74 : i32
        %mul3A_93 = arith.constant 128 : i32
        %mul3A_94 = arith.muli %add3A_92, %mul3A_93 : i32
        "tpu.region"() ({
          %run_scoped3A = tpu.sem_alloc : memref<!tpu.dma_semaphore, #tpu.memory_space<semaphore_mem>>
          %dma_start3A_98 = tpu.memref_slice %arg4[%mul3A_94] : memref<327680xi32, #tpu.memory_space<hbm>> -> memref<128xi32, #tpu.memory_space<hbm>>
          %dma_start3A_99 = tpu.memref_slice %arg4[%mul3A_94] : memref<327680xi32, #tpu.memory_space<hbm>> -> memref<128xi32, #tpu.memory_space<hbm>>
          tpu.enqueue_dma source(%dma_start3A_99 : memref<128xi32, #tpu.memory_space<hbm>>) target(%arg8 : memref<128xi32, #tpu.memory_space<vmem>>) target_semaphore(%run_scoped3A : memref<!tpu.dma_semaphore, #tpu.memory_space<semaphore_mem>>)
          %dma_wait3A_100 = tpu.memref_slice %arg4[%mul3A_94] : memref<327680xi32, #tpu.memory_space<hbm>> -> memref<128xi32, #tpu.memory_space<hbm>>
          %dma_wait3A_101 = tpu.memref_slice %arg4[%mul3A_94] : memref<327680xi32, #tpu.memory_space<hbm>> -> memref<128xi32, #tpu.memory_space<hbm>>
          tpu.wait_dma2 semaphore(%run_scoped3A : memref<!tpu.dma_semaphore, #tpu.memory_space<semaphore_mem>>) src(%dma_wait3A_101 : memref<128xi32, #tpu.memory_space<hbm>>) dst(%arg8 : memref<128xi32, #tpu.memory_space<vmem>>)
          tpu.yield
        }) : () -> ()
        "tpu.region"() ({
          %run_scoped3A = tpu.sem_alloc : memref<!tpu.dma_semaphore, #tpu.memory_space<semaphore_mem>>
          %dma_start3A_98 = tpu.memref_slice %arg3[%mul3A_94] : memref<327680xi32, #tpu.memory_space<hbm>> -> memref<128xi32, #tpu.memory_space<hbm>>
          %dma_start3A_99 = tpu.memref_slice %arg3[%mul3A_94] : memref<327680xi32, #tpu.memory_space<hbm>> -> memref<128xi32, #tpu.memory_space<hbm>>
          tpu.enqueue_dma source(%dma_start3A_99 : memref<128xi32, #tpu.memory_space<hbm>>) target(%arg6 : memref<128xi32, #tpu.memory_space<vmem>>) target_semaphore(%run_scoped3A : memref<!tpu.dma_semaphore, #tpu.memory_space<semaphore_mem>>)
          %dma_wait3A_100 = tpu.memref_slice %arg3[%mul3A_94] : memref<327680xi32, #tpu.memory_space<hbm>> -> memref<128xi32, #tpu.memory_space<hbm>>
          %dma_wait3A_101 = tpu.memref_slice %arg3[%mul3A_94] : memref<327680xi32, #tpu.memory_space<hbm>> -> memref<128xi32, #tpu.memory_space<hbm>>
          tpu.wait_dma2 semaphore(%run_scoped3A : memref<!tpu.dma_semaphore, #tpu.memory_space<semaphore_mem>>) src(%dma_wait3A_101 : memref<128xi32, #tpu.memory_space<hbm>>) dst(%arg6 : memref<128xi32, #tpu.memory_space<vmem>>)
          tpu.yield
        }) : () -> ()
        %dma_start3A_95 = arith.constant 0 : i32
        %dma_start3A_96 = arith.constant 0 : i32
        %dma_start3A_97 = tpu.memref_slice %arg2[%dma_start3A_95, %dma_start3A_96] : memref<10240x128xf32, #tpu.memory_space<hbm>> -> memref<10240x128xf32, #tpu.memory_space<hbm>>
        tpu.enqueue_indirect_dma source(%dma_start3A_97 : memref<10240x128xf32, #tpu.memory_space<hbm>>) target(%arg10 : memref<128x128xf32, #tpu.memory_space<vmem>>) offsets(%arg6 : memref<128xi32, #tpu.memory_space<vmem>>) semaphore(%arg13 : memref<!tpu.dma_semaphore, #tpu.memory_space<semaphore_mem>>)
      } else {
      }
      %dma_wait3A_86 = arith.constant 0 : i32
      %dma_wait3A_87 = arith.constant 0 : i32
      %dma_wait3A_88 = tpu.memref_slice %arg2[%dma_wait3A_86, %dma_wait3A_87] : memref<10240x128xf32, #tpu.memory_space<hbm>> -> memref<10240x128xf32, #tpu.memory_space<hbm>>
      tpu.wait_indirect_dma semaphore(%arg14 : memref<!tpu.dma_semaphore, #tpu.memory_space<semaphore_mem>>) src(%dma_wait3A_88 : memref<10240x128xf32, #tpu.memory_space<hbm>>) dst(%arg11 : memref<128x128xf32, #tpu.memory_space<vmem>>)
      %dma_start3A_89 = arith.constant 0 : i32
      %dma_start3A_90 = arith.constant 0 : i32
      %dma_start3A_91 = tpu.memref_slice %arg12[%dma_start3A_89, %dma_start3A_90] : memref<10240x128xf32, #tpu.memory_space<vmem_shared>> -> memref<10240x128xf32, #tpu.memory_space<vmem_shared>>
      tpu.enqueue_indirect_dma source(%arg11 : memref<128x128xf32, #tpu.memory_space<vmem>>) target(%dma_start3A_91 : memref<10240x128xf32, #tpu.memory_space<vmem_shared>>) offsets(%arg9 : memref<128xi32, #tpu.memory_space<vmem>>) semaphore(%arg16 : memref<!tpu.dma_semaphore, #tpu.memory_space<semaphore_mem>>) {add = true}
    }
    %while3A_41 = arith.constant 1 : i32
    scf.for %while3A_51 = %while3A_39 to %while3A_35 step %while3A_41  : i32 {
      %mul3A_52 = arith.muli %while3A_51, %while3A : i32
      %add3A_53 = arith.addi %while3A_32, %mul3A_52 : i32
      %add3A_54 = arith.constant 0 : i32
      %add3A_55 = arith.addi %add3A_53, %add3A_54 : i32
      %add3A_56 = arith.constant 1 : i32
      %add3A_57 = arith.addi %add3A_55, %add3A_56 : i32
      %lt3A = arith.cmpi slt, %add3A_57, %select_n3A : i32
      %gt3A_58 = arith.constant 0 : i32
      %gt3A_59 = arith.cmpi sgt, %add3A_55, %gt3A_58 : i32
      %and3A = arith.andi %lt3A, %gt3A_59 : i1
      %convert_element_type3A_60 = arith.extui %and3A : i1 to i32
      %cond3A_61 = arith.constant 0 : i32
      %cond3A_62 = arith.cmpi ne, %convert_element_type3A_60, %cond3A_61 : i32
      scf.if %cond3A_62 {
        %dma_wait3A_92 = arith.constant 0 : i32
        %dma_wait3A_93 = arith.constant 0 : i32
        %dma_wait3A_94 = tpu.memref_slice %arg12[%dma_wait3A_92, %dma_wait3A_93] : memref<10240x128xf32, #tpu.memory_space<vmem_shared>> -> memref<10240x128xf32, #tpu.memory_space<vmem_shared>>
        tpu.wait_indirect_dma semaphore(%arg16 : memref<!tpu.dma_semaphore, #tpu.memory_space<semaphore_mem>>) src(%arg11 : memref<128x128xf32, #tpu.memory_space<vmem>>) dst(%dma_wait3A_94 : memref<10240x128xf32, #tpu.memory_space<vmem_shared>>)
      } else {
      }
      %lt3A_63 = arith.cmpi slt, %add3A_57, %select_n3A : i32
      %convert_element_type3A_64 = arith.extui %lt3A_63 : i1 to i32
      %cond3A_65 = arith.constant 0 : i32
      %cond3A_66 = arith.cmpi ne, %convert_element_type3A_64, %cond3A_65 : i32
      scf.if %cond3A_66 {
        %add3A_92 = arith.addi %add3A_23, %add3A_57 : i32
        %mul3A_93 = arith.constant 128 : i32
        %mul3A_94 = arith.muli %add3A_92, %mul3A_93 : i32
        "tpu.region"() ({
          %run_scoped3A = tpu.sem_alloc : memref<!tpu.dma_semaphore, #tpu.memory_space<semaphore_mem>>
          %dma_start3A_98 = tpu.memref_slice %arg4[%mul3A_94] : memref<327680xi32, #tpu.memory_space<hbm>> -> memref<128xi32, #tpu.memory_space<hbm>>
          %dma_start3A_99 = tpu.memref_slice %arg4[%mul3A_94] : memref<327680xi32, #tpu.memory_space<hbm>> -> memref<128xi32, #tpu.memory_space<hbm>>
          tpu.enqueue_dma source(%dma_start3A_99 : memref<128xi32, #tpu.memory_space<hbm>>) target(%arg9 : memref<128xi32, #tpu.memory_space<vmem>>) target_semaphore(%run_scoped3A : memref<!tpu.dma_semaphore, #tpu.memory_space<semaphore_mem>>)
          %dma_wait3A_100 = tpu.memref_slice %arg4[%mul3A_94] : memref<327680xi32, #tpu.memory_space<hbm>> -> memref<128xi32, #tpu.memory_space<hbm>>
          %dma_wait3A_101 = tpu.memref_slice %arg4[%mul3A_94] : memref<327680xi32, #tpu.memory_space<hbm>> -> memref<128xi32, #tpu.memory_space<hbm>>
          tpu.wait_dma2 semaphore(%run_scoped3A : memref<!tpu.dma_semaphore, #tpu.memory_space<semaphore_mem>>) src(%dma_wait3A_101 : memref<128xi32, #tpu.memory_space<hbm>>) dst(%arg9 : memref<128xi32, #tpu.memory_space<vmem>>)
          tpu.yield
        }) : () -> ()
        "tpu.region"() ({
          %run_scoped3A = tpu.sem_alloc : memref<!tpu.dma_semaphore, #tpu.memory_space<semaphore_mem>>
          %dma_start3A_98 = tpu.memref_slice %arg3[%mul3A_94] : memref<327680xi32, #tpu.memory_space<hbm>> -> memref<128xi32, #tpu.memory_space<hbm>>
          %dma_start3A_99 = tpu.memref_slice %arg3[%mul3A_94] : memref<327680xi32, #tpu.memory_space<hbm>> -> memref<128xi32, #tpu.memory_space<hbm>>
          tpu.enqueue_dma source(%dma_start3A_99 : memref<128xi32, #tpu.memory_space<hbm>>) target(%arg7 : memref<128xi32, #tpu.memory_space<vmem>>) target_semaphore(%run_scoped3A : memref<!tpu.dma_semaphore, #tpu.memory_space<semaphore_mem>>)
          %dma_wait3A_100 = tpu.memref_slice %arg3[%mul3A_94] : memref<327680xi32, #tpu.memory_space<hbm>> -> memref<128xi32, #tpu.memory_space<hbm>>
          %dma_wait3A_101 = tpu.memref_slice %arg3[%mul3A_94] : memref<327680xi32, #tpu.memory_space<hbm>> -> memref<128xi32, #tpu.memory_space<hbm>>
          tpu.wait_dma2 semaphore(%run_scoped3A : memref<!tpu.dma_semaphore, #tpu.memory_space<semaphore_mem>>) src(%dma_wait3A_101 : memref<128xi32, #tpu.memory_space<hbm>>) dst(%arg7 : memref<128xi32, #tpu.memory_space<vmem>>)
          tpu.yield
        }) : () -> ()
        %dma_start3A_95 = arith.constant 0 : i32
        %dma_start3A_96 = arith.constant 0 : i32
        %dma_start3A_97 = tpu.memref_slice %arg2[%dma_start3A_95, %dma_start3A_96] : memref<10240x128xf32, #tpu.memory_space<hbm>> -> memref<10240x128xf32, #tpu.memory_space<hbm>>
        tpu.enqueue_indirect_dma source(%dma_start3A_97 : memref<10240x128xf32, #tpu.memory_space<hbm>>) target(%arg11 : memref<128x128xf32, #tpu.memory_space<vmem>>) offsets(%arg7 : memref<128xi32, #tpu.memory_space<vmem>>) semaphore(%arg14 : memref<!tpu.dma_semaphore, #tpu.memory_space<semaphore_mem>>)
      } else {
      }
      %dma_wait3A = arith.constant 0 : i32
      %dma_wait3A_67 = arith.constant 0 : i32
      %dma_wait3A_68 = tpu.memref_slice %arg2[%dma_wait3A, %dma_wait3A_67] : memref<10240x128xf32, #tpu.memory_space<hbm>> -> memref<10240x128xf32, #tpu.memory_space<hbm>>
      tpu.wait_indirect_dma semaphore(%arg13 : memref<!tpu.dma_semaphore, #tpu.memory_space<semaphore_mem>>) src(%dma_wait3A_68 : memref<10240x128xf32, #tpu.memory_space<hbm>>) dst(%arg10 : memref<128x128xf32, #tpu.memory_space<vmem>>)
      %dma_start3A = arith.constant 0 : i32
      %dma_start3A_69 = arith.constant 0 : i32
      %dma_start3A_70 = tpu.memref_slice %arg12[%dma_start3A, %dma_start3A_69] : memref<10240x128xf32, #tpu.memory_space<vmem_shared>> -> memref<10240x128xf32, #tpu.memory_space<vmem_shared>>
      tpu.enqueue_indirect_dma source(%arg10 : memref<128x128xf32, #tpu.memory_space<vmem>>) target(%dma_start3A_70 : memref<10240x128xf32, #tpu.memory_space<vmem_shared>>) offsets(%arg8 : memref<128xi32, #tpu.memory_space<vmem>>) semaphore(%arg15 : memref<!tpu.dma_semaphore, #tpu.memory_space<semaphore_mem>>) {add = true}
      %add3A_71 = arith.constant 1 : i32
      %add3A_72 = arith.addi %add3A_53, %add3A_71 : i32
      %add3A_73 = arith.constant 1 : i32
      %add3A_74 = arith.addi %add3A_72, %add3A_73 : i32
      %lt3A_75 = arith.cmpi slt, %add3A_74, %select_n3A : i32
      %gt3A_76 = arith.constant 0 : i32
      %gt3A_77 = arith.cmpi sgt, %add3A_72, %gt3A_76 : i32
      %and3A_78 = arith.andi %lt3A_75, %gt3A_77 : i1
      %convert_element_type3A_79 = arith.extui %and3A_78 : i1 to i32
      %cond3A_80 = arith.constant 0 : i32
      %cond3A_81 = arith.cmpi ne, %convert_element_type3A_79, %cond3A_80 : i32
      scf.if %cond3A_81 {
        %dma_wait3A_92 = arith.constant 0 : i32
        %dma_wait3A_93 = arith.constant 0 : i32
        %dma_wait3A_94 = tpu.memref_slice %arg12[%dma_wait3A_92, %dma_wait3A_93] : memref<10240x128xf32, #tpu.memory_space<vmem_shared>> -> memref<10240x128xf32, #tpu.memory_space<vmem_shared>>
        tpu.wait_indirect_dma semaphore(%arg15 : memref<!tpu.dma_semaphore, #tpu.memory_space<semaphore_mem>>) src(%arg10 : memref<128x128xf32, #tpu.memory_space<vmem>>) dst(%dma_wait3A_94 : memref<10240x128xf32, #tpu.memory_space<vmem_shared>>)
      } else {
      }
      %lt3A_82 = arith.cmpi slt, %add3A_74, %select_n3A : i32
      %convert_element_type3A_83 = arith.extui %lt3A_82 : i1 to i32
      %cond3A_84 = arith.constant 0 : i32
      %cond3A_85 = arith.cmpi ne, %convert_element_type3A_83, %cond3A_84 : i32
      scf.if %cond3A_85 {
        %add3A_92 = arith.addi %add3A_23, %add3A_74 : i32
        %mul3A_93 = arith.constant 128 : i32
        %mul3A_94 = arith.muli %add3A_92, %mul3A_93 : i32
        "tpu.region"() ({
          %run_scoped3A = tpu.sem_alloc : memref<!tpu.dma_semaphore, #tpu.memory_space<semaphore_mem>>
          %dma_start3A_98 = tpu.memref_slice %arg4[%mul3A_94] : memref<327680xi32, #tpu.memory_space<hbm>> -> memref<128xi32, #tpu.memory_space<hbm>>
          %dma_start3A_99 = tpu.memref_slice %arg4[%mul3A_94] : memref<327680xi32, #tpu.memory_space<hbm>> -> memref<128xi32, #tpu.memory_space<hbm>>
          tpu.enqueue_dma source(%dma_start3A_99 : memref<128xi32, #tpu.memory_space<hbm>>) target(%arg8 : memref<128xi32, #tpu.memory_space<vmem>>) target_semaphore(%run_scoped3A : memref<!tpu.dma_semaphore, #tpu.memory_space<semaphore_mem>>)
          %dma_wait3A_100 = tpu.memref_slice %arg4[%mul3A_94] : memref<327680xi32, #tpu.memory_space<hbm>> -> memref<128xi32, #tpu.memory_space<hbm>>
          %dma_wait3A_101 = tpu.memref_slice %arg4[%mul3A_94] : memref<327680xi32, #tpu.memory_space<hbm>> -> memref<128xi32, #tpu.memory_space<hbm>>
          tpu.wait_dma2 semaphore(%run_scoped3A : memref<!tpu.dma_semaphore, #tpu.memory_space<semaphore_mem>>) src(%dma_wait3A_101 : memref<128xi32, #tpu.memory_space<hbm>>) dst(%arg8 : memref<128xi32, #tpu.memory_space<vmem>>)
          tpu.yield
        }) : () -> ()
        "tpu.region"() ({
          %run_scoped3A = tpu.sem_alloc : memref<!tpu.dma_semaphore, #tpu.memory_space<semaphore_mem>>
          %dma_start3A_98 = tpu.memref_slice %arg3[%mul3A_94] : memref<327680xi32, #tpu.memory_space<hbm>> -> memref<128xi32, #tpu.memory_space<hbm>>
          %dma_start3A_99 = tpu.memref_slice %arg3[%mul3A_94] : memref<327680xi32, #tpu.memory_space<hbm>> -> memref<128xi32, #tpu.memory_space<hbm>>
          tpu.enqueue_dma source(%dma_start3A_99 : memref<128xi32, #tpu.memory_space<hbm>>) target(%arg6 : memref<128xi32, #tpu.memory_space<vmem>>) target_semaphore(%run_scoped3A : memref<!tpu.dma_semaphore, #tpu.memory_space<semaphore_mem>>)
          %dma_wait3A_100 = tpu.memref_slice %arg3[%mul3A_94] : memref<327680xi32, #tpu.memory_space<hbm>> -> memref<128xi32, #tpu.memory_space<hbm>>
          %dma_wait3A_101 = tpu.memref_slice %arg3[%mul3A_94] : memref<327680xi32, #tpu.memory_space<hbm>> -> memref<128xi32, #tpu.memory_space<hbm>>
          tpu.wait_dma2 semaphore(%run_scoped3A : memref<!tpu.dma_semaphore, #tpu.memory_space<semaphore_mem>>) src(%dma_wait3A_101 : memref<128xi32, #tpu.memory_space<hbm>>) dst(%arg6 : memref<128xi32, #tpu.memory_space<vmem>>)
          tpu.yield
        }) : () -> ()
        %dma_start3A_95 = arith.constant 0 : i32
        %dma_start3A_96 = arith.constant 0 : i32
        %dma_start3A_97 = tpu.memref_slice %arg2[%dma_start3A_95, %dma_start3A_96] : memref<10240x128xf32, #tpu.memory_space<hbm>> -> memref<10240x128xf32, #tpu.memory_space<hbm>>
        tpu.enqueue_indirect_dma source(%dma_start3A_97 : memref<10240x128xf32, #tpu.memory_space<hbm>>) target(%arg10 : memref<128x128xf32, #tpu.memory_space<vmem>>) offsets(%arg6 : memref<128xi32, #tpu.memory_space<vmem>>) semaphore(%arg13 : memref<!tpu.dma_semaphore, #tpu.memory_space<semaphore_mem>>)
      } else {
      }
      %dma_wait3A_86 = arith.constant 0 : i32
      %dma_wait3A_87 = arith.constant 0 : i32
      %dma_wait3A_88 = tpu.memref_slice %arg2[%dma_wait3A_86, %dma_wait3A_87] : memref<10240x128xf32, #tpu.memory_space<hbm>> -> memref<10240x128xf32, #tpu.memory_space<hbm>>
      tpu.wait_indirect_dma semaphore(%arg14 : memref<!tpu.dma_semaphore, #tpu.memory_space<semaphore_mem>>) src(%dma_wait3A_88 : memref<10240x128xf32, #tpu.memory_space<hbm>>) dst(%arg11 : memref<128x128xf32, #tpu.memory_space<vmem>>)
      %dma_start3A_89 = arith.constant 0 : i32
      %dma_start3A_90 = arith.constant 0 : i32
      %dma_start3A_91 = tpu.memref_slice %arg12[%dma_start3A_89, %dma_start3A_90] : memref<10240x128xf32, #tpu.memory_space<vmem_shared>> -> memref<10240x128xf32, #tpu.memory_space<vmem_shared>>
      tpu.enqueue_indirect_dma source(%arg11 : memref<128x128xf32, #tpu.memory_space<vmem>>) target(%dma_start3A_91 : memref<10240x128xf32, #tpu.memory_space<vmem_shared>>) offsets(%arg9 : memref<128xi32, #tpu.memory_space<vmem>>) semaphore(%arg16 : memref<!tpu.dma_semaphore, #tpu.memory_space<semaphore_mem>>) {add = true}
    }
    %gt3A_42 = arith.constant 0 : i32
    %gt3A_43 = arith.cmpi sgt, %select_n3A, %gt3A_42 : i32
    %convert_element_type3A_44 = arith.extui %gt3A_43 : i1 to i32
    %cond3A_45 = arith.constant 0 : i32
    %cond3A_46 = arith.cmpi ne, %convert_element_type3A_44, %cond3A_45 : i32
    scf.if %cond3A_46 {
      %dma_wait3A = arith.constant 0 : i32
      %dma_wait3A_51 = arith.constant 0 : i32
      %dma_wait3A_52 = tpu.memref_slice %arg12[%dma_wait3A, %dma_wait3A_51] : memref<10240x128xf32, #tpu.memory_space<vmem_shared>> -> memref<10240x128xf32, #tpu.memory_space<vmem_shared>>
      tpu.wait_indirect_dma semaphore(%arg15 : memref<!tpu.dma_semaphore, #tpu.memory_space<semaphore_mem>>) src(%arg10 : memref<128x128xf32, #tpu.memory_space<vmem>>) dst(%dma_wait3A_52 : memref<10240x128xf32, #tpu.memory_space<vmem_shared>>)
      %dma_wait3A_53 = arith.constant 0 : i32
      %dma_wait3A_54 = arith.constant 0 : i32
      %dma_wait3A_55 = tpu.memref_slice %arg12[%dma_wait3A_53, %dma_wait3A_54] : memref<10240x128xf32, #tpu.memory_space<vmem_shared>> -> memref<10240x128xf32, #tpu.memory_space<vmem_shared>>
      tpu.wait_indirect_dma semaphore(%arg16 : memref<!tpu.dma_semaphore, #tpu.memory_space<semaphore_mem>>) src(%arg11 : memref<128x128xf32, #tpu.memory_space<vmem>>) dst(%dma_wait3A_55 : memref<10240x128xf32, #tpu.memory_space<vmem_shared>>)
    } else {
    }
    %barrier3A_47 = arith.constant 0 : index
    tpu.barrier barrier_id(%barrier3A_47)
    %mul3A_48 = arith.constant 10240 : i32
    %mul3A_49 = arith.muli %arg0, %mul3A_48 : i32
    %add3A_50 = arith.addi %mul3A_49, %mul3A_2 : i32
    "tpu.region"() ({
      %run_scoped3A = tpu.sem_alloc : memref<!tpu.dma_semaphore, #tpu.memory_space<semaphore_mem>>
      %dma_start3A = arith.constant 0 : i32
      %dma_start3A_51 = tpu.memref_slice %arg5[%add3A_50, %dma_start3A] : memref<20480x128xf32, #tpu.memory_space<hbm>> -> memref<640x128xf32, #tpu.memory_space<hbm>>
      %dma_start3A_52 = arith.constant 0 : i32
      %dma_start3A_53 = tpu.memref_slice %arg12[%mul3A_2, %dma_start3A_52] : memref<10240x128xf32, #tpu.memory_space<vmem_shared>> -> memref<640x128xf32, #tpu.memory_space<vmem_shared>>
      tpu.enqueue_dma source(%dma_start3A_53 : memref<640x128xf32, #tpu.memory_space<vmem_shared>>) target(%dma_start3A_51 : memref<640x128xf32, #tpu.memory_space<hbm>>) target_semaphore(%run_scoped3A : memref<!tpu.dma_semaphore, #tpu.memory_space<semaphore_mem>>)
      %dma_wait3A = arith.constant 0 : i32
      %dma_wait3A_54 = tpu.memref_slice %arg5[%add3A_50, %dma_wait3A] : memref<20480x128xf32, #tpu.memory_space<hbm>> -> memref<640x128xf32, #tpu.memory_space<hbm>>
      %dma_wait3A_55 = arith.constant 0 : i32
      %dma_wait3A_56 = tpu.memref_slice %arg12[%mul3A_2, %dma_wait3A_55] : memref<10240x128xf32, #tpu.memory_space<vmem_shared>> -> memref<640x128xf32, #tpu.memory_space<vmem_shared>>
      tpu.wait_dma2 semaphore(%run_scoped3A : memref<!tpu.dma_semaphore, #tpu.memory_space<semaphore_mem>>) src(%dma_wait3A_56 : memref<640x128xf32, #tpu.memory_space<vmem_shared>>) dst(%dma_wait3A_54 : memref<640x128xf32, #tpu.memory_space<hbm>>)
      tpu.yield
    }) : () -> ()
    return
  }
}

#map = affine_map<(d0, d1) -> (0)>
#map1 = affine_map<(d0, d1) -> (0, 0)>
module attributes {stable_mosaic.version = 14 : i64} {
  func.func @body(%arg0: i32, %arg1: i32, %arg2: memref<327680xi32, #tpu.memory_space<hbm>>, %arg3: memref<20480x128xf32, #tpu.memory_space<hbm>>, %arg4: memref<128xi32, #tpu.memory_space<vmem>>, %arg5: memref<128xi32, #tpu.memory_space<vmem>>, %arg6: memref<128xi32, #tpu.memory_space<vmem>>, %arg7: memref<128xi32, #tpu.memory_space<vmem>>, %arg8: memref<128x128xf32, #tpu.memory_space<vmem>>, %arg9: memref<128x128xf32, #tpu.memory_space<vmem>>, %arg10: memref<10240x128xf32, #tpu.memory_space<vmem_shared>>, %arg11: memref<!tpu.dma_semaphore, #tpu.memory_space<semaphore_mem>>, %arg12: memref<!tpu.dma_semaphore, #tpu.memory_space<semaphore_mem>>, %arg13: memref<!tpu.dma_semaphore, #tpu.memory_space<semaphore_mem>>, %arg14: memref<!tpu.dma_semaphore, #tpu.memory_space<semaphore_mem>>) attributes {dimension_semantics = [#tpu.dimension_semantics<core_parallel>, #tpu.dimension_semantics<subcore_parallel>], iteration_bounds = array<i64: 2, 16>, scalar_prefetch = 0 : i64, scratch_operands = 11 : i64, tpu.core_type = #tpu.core_type<sc_vector_subcore>, window_params = [{transform_indices = #map}, {transform_indices = #map1}]} {
    %mul3A = arith.constant 16 : i32
    %mul3A_0 = arith.muli %arg0, %mul3A : i32
    %add3A = arith.addi %mul3A_0, %arg1 : i32
    %mul3A_1 = arith.constant 640 : i32
    %mul3A_2 = arith.muli %arg1, %mul3A_1 : i32
    %broadcast_in_dim3A = arith.constant 0.000000e+00 : f32
    %broadcast_in_dim3A_3 = vector.broadcast %broadcast_in_dim3A : f32 to vector<16xf32>
    %scan3A = arith.constant 0 : i32
    %scan3A_4 = arith.constant 128 : i32
    %scan3A_5 = arith.addi %scan3A, %scan3A_4 : i32
    %scan3A_6 = arith.constant 1 : i32
    scf.for %scan3A_45 = %scan3A to %scan3A_5 step %scan3A_6  : i32 {
      %mul3A_46 = arith.constant 1 : i32
      %mul3A_47 = arith.muli %scan3A_45, %mul3A_46 : i32
      %add3A_48 = arith.constant 0 : i32
      %add3A_49 = arith.addi %add3A_48, %mul3A_47 : i32
      %swap3A = arith.index_cast %add3A_49 : i32 to index
      %swap3A_50 = arith.constant 0 : index
      %swap3A_51 = tpu.vector_load %arg8[%swap3A, %swap3A_50] {strides = array<i32>} : memref<128x128xf32, #tpu.memory_space<vmem>>, vector<1x16xf32>,
      %swap3A_52 = vector.shape_cast %swap3A_51 : vector<1x16xf32> to vector<16xf32>
      %swap3A_53 = vector.shape_cast %broadcast_in_dim3A_3 : vector<16xf32> to vector<1x16xf32>
      tpu.vector_store %arg8[%swap3A, %swap3A_50], %swap3A_53 {strides = array<i32>} : memref<128x128xf32, #tpu.memory_space<vmem>>, vector<1x16xf32>,
      %swap3A_54 = arith.index_cast %add3A_49 : i32 to index
      %swap3A_55 = arith.constant 16 : index
      %swap3A_56 = tpu.vector_load %arg8[%swap3A_54, %swap3A_55] {strides = array<i32>} : memref<128x128xf32, #tpu.memory_space<vmem>>, vector<1x16xf32>,
      %swap3A_57 = vector.shape_cast %swap3A_56 : vector<1x16xf32> to vector<16xf32>
      %swap3A_58 = vector.shape_cast %broadcast_in_dim3A_3 : vector<16xf32> to vector<1x16xf32>
      tpu.vector_store %arg8[%swap3A_54, %swap3A_55], %swap3A_58 {strides = array<i32>} : memref<128x128xf32, #tpu.memory_space<vmem>>, vector<1x16xf32>,
      %swap3A_59 = arith.index_cast %add3A_49 : i32 to index
      %swap3A_60 = arith.constant 32 : index
      %swap3A_61 = tpu.vector_load %arg8[%swap3A_59, %swap3A_60] {strides = array<i32>} : memref<128x128xf32, #tpu.memory_space<vmem>>, vector<1x16xf32>,
      %swap3A_62 = vector.shape_cast %swap3A_61 : vector<1x16xf32> to vector<16xf32>
      %swap3A_63 = vector.shape_cast %broadcast_in_dim3A_3 : vector<16xf32> to vector<1x16xf32>
      tpu.vector_store %arg8[%swap3A_59, %swap3A_60], %swap3A_63 {strides = array<i32>} : memref<128x128xf32, #tpu.memory_space<vmem>>, vector<1x16xf32>,
      %swap3A_64 = arith.index_cast %add3A_49 : i32 to index
      %swap3A_65 = arith.constant 48 : index
      %swap3A_66 = tpu.vector_load %arg8[%swap3A_64, %swap3A_65] {strides = array<i32>} : memref<128x128xf32, #tpu.memory_space<vmem>>, vector<1x16xf32>,
      %swap3A_67 = vector.shape_cast %swap3A_66 : vector<1x16xf32> to vector<16xf32>
      %swap3A_68 = vector.shape_cast %broadcast_in_dim3A_3 : vector<16xf32> to vector<1x16xf32>
      tpu.vector_store %arg8[%swap3A_64, %swap3A_65], %swap3A_68 {strides = array<i32>} : memref<128x128xf32, #tpu.memory_space<vmem>>, vector<1x16xf32>,
      %swap3A_69 = arith.index_cast %add3A_49 : i32 to index
      %swap3A_70 = arith.constant 64 : index
      %swap3A_71 = tpu.vector_load %arg8[%swap3A_69, %swap3A_70] {strides = array<i32>} : memref<128x128xf32, #tpu.memory_space<vmem>>, vector<1x16xf32>,
      %swap3A_72 = vector.shape_cast %swap3A_71 : vector<1x16xf32> to vector<16xf32>
      %swap3A_73 = vector.shape_cast %broadcast_in_dim3A_3 : vector<16xf32> to vector<1x16xf32>
      tpu.vector_store %arg8[%swap3A_69, %swap3A_70], %swap3A_73 {strides = array<i32>} : memref<128x128xf32, #tpu.memory_space<vmem>>, vector<1x16xf32>,
      %swap3A_74 = arith.index_cast %add3A_49 : i32 to index
      %swap3A_75 = arith.constant 80 : index
      %swap3A_76 = tpu.vector_load %arg8[%swap3A_74, %swap3A_75] {strides = array<i32>} : memref<128x128xf32, #tpu.memory_space<vmem>>, vector<1x16xf32>,
      %swap3A_77 = vector.shape_cast %swap3A_76 : vector<1x16xf32> to vector<16xf32>
      %swap3A_78 = vector.shape_cast %broadcast_in_dim3A_3 : vector<16xf32> to vector<1x16xf32>
      tpu.vector_store %arg8[%swap3A_74, %swap3A_75], %swap3A_78 {strides = array<i32>} : memref<128x128xf32, #tpu.memory_space<vmem>>, vector<1x16xf32>,
      %swap3A_79 = arith.index_cast %add3A_49 : i32 to index
      %swap3A_80 = arith.constant 96 : index
      %swap3A_81 = tpu.vector_load %arg8[%swap3A_79, %swap3A_80] {strides = array<i32>} : memref<128x128xf32, #tpu.memory_space<vmem>>, vector<1x16xf32>,
      %swap3A_82 = vector.shape_cast %swap3A_81 : vector<1x16xf32> to vector<16xf32>
      %swap3A_83 = vector.shape_cast %broadcast_in_dim3A_3 : vector<16xf32> to vector<1x16xf32>
      tpu.vector_store %arg8[%swap3A_79, %swap3A_80], %swap3A_83 {strides = array<i32>} : memref<128x128xf32, #tpu.memory_space<vmem>>, vector<1x16xf32>,
      %swap3A_84 = arith.index_cast %add3A_49 : i32 to index
      %swap3A_85 = arith.constant 112 : index
      %swap3A_86 = tpu.vector_load %arg8[%swap3A_84, %swap3A_85] {strides = array<i32>} : memref<128x128xf32, #tpu.memory_space<vmem>>, vector<1x16xf32>,
      %swap3A_87 = vector.shape_cast %swap3A_86 : vector<1x16xf32> to vector<16xf32>
      %swap3A_88 = vector.shape_cast %broadcast_in_dim3A_3 : vector<16xf32> to vector<1x16xf32>
      tpu.vector_store %arg8[%swap3A_84, %swap3A_85], %swap3A_88 {strides = array<i32>} : memref<128x128xf32, #tpu.memory_space<vmem>>, vector<1x16xf32>,
    }
    %scan3A_7 = arith.constant 128 : i32
    %add3A_8 = arith.constant 0 : i32
    %add3A_9 = arith.addi %mul3A_2, %add3A_8 : i32
    "tpu.region"() ({
      %run_scoped3A = tpu.sem_alloc : memref<!tpu.dma_semaphore, #tpu.memory_space<semaphore_mem>>
      %dma_start3A = arith.constant 0 : i32
      %dma_start3A_45 = tpu.memref_slice %arg10[%add3A_9, %dma_start3A] : memref<10240x128xf32, #tpu.memory_space<vmem_shared>> -> memref<128x128xf32, #tpu.memory_space<vmem_shared>>
      %dma_start3A_46 = arith.constant 0 : i32
      %dma_start3A_47 = tpu.memref_slice %arg10[%add3A_9, %dma_start3A_46] : memref<10240x128xf32, #tpu.memory_space<vmem_shared>> -> memref<128x128xf32, #tpu.memory_space<vmem_shared>>
      tpu.enqueue_dma source(%arg8 : memref<128x128xf32, #tpu.memory_space<vmem>>) target(%dma_start3A_47 : memref<128x128xf32, #tpu.memory_space<vmem_shared>>) target_semaphore(%run_scoped3A : memref<!tpu.dma_semaphore, #tpu.memory_space<semaphore_mem>>)
      %dma_wait3A_48 = arith.constant 0 : i32
      %dma_wait3A_49 = tpu.memref_slice %arg10[%add3A_9, %dma_wait3A_48] : memref<10240x128xf32, #tpu.memory_space<vmem_shared>> -> memref<128x128xf32, #tpu.memory_space<vmem_shared>>
      %dma_wait3A_50 = arith.constant 0 : i32
      %dma_wait3A_51 = tpu.memref_slice %arg10[%add3A_9, %dma_wait3A_50] : memref<10240x128xf32, #tpu.memory_space<vmem_shared>> -> memref<128x128xf32, #tpu.memory_space<vmem_shared>>
      tpu.wait_dma2 semaphore(%run_scoped3A : memref<!tpu.dma_semaphore, #tpu.memory_space<semaphore_mem>>) src(%arg8 : memref<128x128xf32, #tpu.memory_space<vmem>>) dst(%dma_wait3A_51 : memref<128x128xf32, #tpu.memory_space<vmem_shared>>)
      tpu.yield
    }) : () -> ()
    %add3A_10 = arith.constant 128 : i32
    %add3A_11 = arith.addi %mul3A_2, %add3A_10 : i32
    "tpu.region"() ({
      %run_scoped3A = tpu.sem_alloc : memref<!tpu.dma_semaphore, #tpu.memory_space<semaphore_mem>>
      %dma_start3A = arith.constant 0 : i32
      %dma_start3A_45 = tpu.memref_slice %arg10[%add3A_11, %dma_start3A] : memref<10240x128xf32, #tpu.memory_space<vmem_shared>> -> memref<128x128xf32, #tpu.memory_space<vmem_shared>>
      %dma_start3A_46 = arith.constant 0 : i32
      %dma_start3A_47 = tpu.memref_slice %arg10[%add3A_11, %dma_start3A_46] : memref<10240x128xf32, #tpu.memory_space<vmem_shared>> -> memref<128x128xf32, #tpu.memory_space<vmem_shared>>
      tpu.enqueue_dma source(%arg8 : memref<128x128xf32, #tpu.memory_space<vmem>>) target(%dma_start3A_47 : memref<128x128xf32, #tpu.memory_space<vmem_shared>>) target_semaphore(%run_scoped3A : memref<!tpu.dma_semaphore, #tpu.memory_space<semaphore_mem>>)
      %dma_wait3A_48 = arith.constant 0 : i32
      %dma_wait3A_49 = tpu.memref_slice %arg10[%add3A_11, %dma_wait3A_48] : memref<10240x128xf32, #tpu.memory_space<vmem_shared>> -> memref<128x128xf32, #tpu.memory_space<vmem_shared>>
      %dma_wait3A_50 = arith.constant 0 : i32
      %dma_wait3A_51 = tpu.memref_slice %arg10[%add3A_11, %dma_wait3A_50] : memref<10240x128xf32, #tpu.memory_space<vmem_shared>> -> memref<128x128xf32, #tpu.memory_space<vmem_shared>>
      tpu.wait_dma2 semaphore(%run_scoped3A : memref<!tpu.dma_semaphore, #tpu.memory_space<semaphore_mem>>) src(%arg8 : memref<128x128xf32, #tpu.memory_space<vmem>>) dst(%dma_wait3A_51 : memref<128x128xf32, #tpu.memory_space<vmem_shared>>)
      tpu.yield
    }) : () -> ()
    %add3A_12 = arith.constant 256 : i32
    %add3A_13 = arith.addi %mul3A_2, %add3A_12 : i32
    "tpu.region"() ({
      %run_scoped3A = tpu.sem_alloc : memref<!tpu.dma_semaphore, #tpu.memory_space<semaphore_mem>>
      %dma_start3A = arith.constant 0 : i32
      %dma_start3A_45 = tpu.memref_slice %arg10[%add3A_13, %dma_start3A] : memref<10240x128xf32, #tpu.memory_space<vmem_shared>> -> memref<128x128xf32, #tpu.memory_space<vmem_shared>>
      %dma_start3A_46 = arith.constant 0 : i32
      %dma_start3A_47 = tpu.memref_slice %arg10[%add3A_13, %dma_start3A_46] : memref<10240x128xf32, #tpu.memory_space<vmem_shared>> -> memref<128x128xf32, #tpu.memory_space<vmem_shared>>
      tpu.enqueue_dma source(%arg8 : memref<128x128xf32, #tpu.memory_space<vmem>>) target(%dma_start3A_47 : memref<128x128xf32, #tpu.memory_space<vmem_shared>>) target_semaphore(%run_scoped3A : memref<!tpu.dma_semaphore, #tpu.memory_space<semaphore_mem>>)
      %dma_wait3A_48 = arith.constant 0 : i32
      %dma_wait3A_49 = tpu.memref_slice %arg10[%add3A_13, %dma_wait3A_48] : memref<10240x128xf32, #tpu.memory_space<vmem_shared>> -> memref<128x128xf32, #tpu.memory_space<vmem_shared>>
      %dma_wait3A_50 = arith.constant 0 : i32
      %dma_wait3A_51 = tpu.memref_slice %arg10[%add3A_13, %dma_wait3A_50] : memref<10240x128xf32, #tpu.memory_space<vmem_shared>> -> memref<128x128xf32, #tpu.memory_space<vmem_shared>>
      tpu.wait_dma2 semaphore(%run_scoped3A : memref<!tpu.dma_semaphore, #tpu.memory_space<semaphore_mem>>) src(%arg8 : memref<128x128xf32, #tpu.memory_space<vmem>>) dst(%dma_wait3A_51 : memref<128x128xf32, #tpu.memory_space<vmem_shared>>)
      tpu.yield
    }) : () -> ()
    %add3A_14 = arith.constant 384 : i32
    %add3A_15 = arith.addi %mul3A_2, %add3A_14 : i32
    "tpu.region"() ({
      %run_scoped3A = tpu.sem_alloc : memref<!tpu.dma_semaphore, #tpu.memory_space<semaphore_mem>>
      %dma_start3A = arith.constant 0 : i32
      %dma_start3A_45 = tpu.memref_slice %arg10[%add3A_15, %dma_start3A] : memref<10240x128xf32, #tpu.memory_space<vmem_shared>> -> memref<128x128xf32, #tpu.memory_space<vmem_shared>>
      %dma_start3A_46 = arith.constant 0 : i32
      %dma_start3A_47 = tpu.memref_slice %arg10[%add3A_15, %dma_start3A_46] : memref<10240x128xf32, #tpu.memory_space<vmem_shared>> -> memref<128x128xf32, #tpu.memory_space<vmem_shared>>
      tpu.enqueue_dma source(%arg8 : memref<128x128xf32, #tpu.memory_space<vmem>>) target(%dma_start3A_47 : memref<128x128xf32, #tpu.memory_space<vmem_shared>>) target_semaphore(%run_scoped3A : memref<!tpu.dma_semaphore, #tpu.memory_space<semaphore_mem>>)
      %dma_wait3A_48 = arith.constant 0 : i32
      %dma_wait3A_49 = tpu.memref_slice %arg10[%add3A_15, %dma_wait3A_48] : memref<10240x128xf32, #tpu.memory_space<vmem_shared>> -> memref<128x128xf32, #tpu.memory_space<vmem_shared>>
      %dma_wait3A_50 = arith.constant 0 : i32
      %dma_wait3A_51 = tpu.memref_slice %arg10[%add3A_15, %dma_wait3A_50] : memref<10240x128xf32, #tpu.memory_space<vmem_shared>> -> memref<128x128xf32, #tpu.memory_space<vmem_shared>>
      tpu.wait_dma2 semaphore(%run_scoped3A : memref<!tpu.dma_semaphore, #tpu.memory_space<semaphore_mem>>) src(%arg8 : memref<128x128xf32, #tpu.memory_space<vmem>>) dst(%dma_wait3A_51 : memref<128x128xf32, #tpu.memory_space<vmem_shared>>)
      tpu.yield
    }) : () -> ()
    %add3A_16 = arith.constant 512 : i32
    %add3A_17 = arith.addi %mul3A_2, %add3A_16 : i32
    "tpu.region"() ({
      %run_scoped3A = tpu.sem_alloc : memref<!tpu.dma_semaphore, #tpu.memory_space<semaphore_mem>>
      %dma_start3A = arith.constant 0 : i32
      %dma_start3A_45 = tpu.memref_slice %arg10[%add3A_17, %dma_start3A] : memref<10240x128xf32, #tpu.memory_space<vmem_shared>> -> memref<128x128xf32, #tpu.memory_space<vmem_shared>>
      %dma_start3A_46 = arith.constant 0 : i32
      %dma_start3A_47 = tpu.memref_slice %arg10[%add3A_17, %dma_start3A_46] : memref<10240x128xf32, #tpu.memory_space<vmem_shared>> -> memref<128x128xf32, #tpu.memory_space<vmem_shared>>
      tpu.enqueue_dma source(%arg8 : memref<128x128xf32, #tpu.memory_space<vmem>>) target(%dma_start3A_47 : memref<128x128xf32, #tpu.memory_space<vmem_shared>>) target_semaphore(%run_scoped3A : memref<!tpu.dma_semaphore, #tpu.memory_space<semaphore_mem>>)
      %dma_wait3A_48 = arith.constant 0 : i32
      %dma_wait3A_49 = tpu.memref_slice %arg10[%add3A_17, %dma_wait3A_48] : memref<10240x128xf32, #tpu.memory_space<vmem_shared>> -> memref<128x128xf32, #tpu.memory_space<vmem_shared>>
      %dma_wait3A_50 = arith.constant 0 : i32
      %dma_wait3A_51 = tpu.memref_slice %arg10[%add3A_17, %dma_wait3A_50] : memref<10240x128xf32, #tpu.memory_space<vmem_shared>> -> memref<128x128xf32, #tpu.memory_space<vmem_shared>>
      tpu.wait_dma2 semaphore(%run_scoped3A : memref<!tpu.dma_semaphore, #tpu.memory_space<semaphore_mem>>) src(%arg8 : memref<128x128xf32, #tpu.memory_space<vmem>>) dst(%dma_wait3A_51 : memref<128x128xf32, #tpu.memory_space<vmem_shared>>)
      tpu.yield
    }) : () -> ()
    %broadcast_in_dim3A_18 = arith.constant 1.000000e+00 : f32
    %broadcast_in_dim3A_19 = vector.broadcast %broadcast_in_dim3A_18 : f32 to vector<16xf32>
    %scan3A_20 = arith.constant 0 : i32
    %scan3A_21 = arith.constant 128 : i32
    %scan3A_22 = arith.addi %scan3A_20, %scan3A_21 : i32
    %scan3A_23 = arith.constant 1 : i32
    scf.for %scan3A_45 = %scan3A_20 to %scan3A_22 step %scan3A_23  : i32 {
      %mul3A_46 = arith.constant 1 : i32
      %mul3A_47 = arith.muli %scan3A_45, %mul3A_46 : i32
      %add3A_48 = arith.constant 0 : i32
      %add3A_49 = arith.addi %add3A_48, %mul3A_47 : i32
      %swap3A = arith.index_cast %add3A_49 : i32 to index
      %swap3A_50 = arith.constant 0 : index
      %swap3A_51 = tpu.vector_load %arg8[%swap3A, %swap3A_50] {strides = array<i32>} : memref<128x128xf32, #tpu.memory_space<vmem>>, vector<1x16xf32>,
      %swap3A_52 = vector.shape_cast %swap3A_51 : vector<1x16xf32> to vector<16xf32>
      %swap3A_53 = vector.shape_cast %broadcast_in_dim3A_19 : vector<16xf32> to vector<1x16xf32>
      tpu.vector_store %arg8[%swap3A, %swap3A_50], %swap3A_53 {strides = array<i32>} : memref<128x128xf32, #tpu.memory_space<vmem>>, vector<1x16xf32>,
      %swap3A_54 = arith.index_cast %add3A_49 : i32 to index
      %swap3A_55 = arith.constant 0 : index
      %swap3A_56 = tpu.vector_load %arg9[%swap3A_54, %swap3A_55] {strides = array<i32>} : memref<128x128xf32, #tpu.memory_space<vmem>>, vector<1x16xf32>,
      %swap3A_57 = vector.shape_cast %swap3A_56 : vector<1x16xf32> to vector<16xf32>
      %swap3A_58 = vector.shape_cast %broadcast_in_dim3A_19 : vector<16xf32> to vector<1x16xf32>
      tpu.vector_store %arg9[%swap3A_54, %swap3A_55], %swap3A_58 {strides = array<i32>} : memref<128x128xf32, #tpu.memory_space<vmem>>, vector<1x16xf32>,
      %swap3A_59 = arith.index_cast %add3A_49 : i32 to index
      %swap3A_60 = arith.constant 16 : index
      %swap3A_61 = tpu.vector_load %arg8[%swap3A_59, %swap3A_60] {strides = array<i32>} : memref<128x128xf32, #tpu.memory_space<vmem>>, vector<1x16xf32>,
      %swap3A_62 = vector.shape_cast %swap3A_61 : vector<1x16xf32> to vector<16xf32>
      %swap3A_63 = vector.shape_cast %broadcast_in_dim3A_19 : vector<16xf32> to vector<1x16xf32>
      tpu.vector_store %arg8[%swap3A_59, %swap3A_60], %swap3A_63 {strides = array<i32>} : memref<128x128xf32, #tpu.memory_space<vmem>>, vector<1x16xf32>,
      %swap3A_64 = arith.index_cast %add3A_49 : i32 to index
      %swap3A_65 = arith.constant 16 : index
      %swap3A_66 = tpu.vector_load %arg9[%swap3A_64, %swap3A_65] {strides = array<i32>} : memref<128x128xf32, #tpu.memory_space<vmem>>, vector<1x16xf32>,
      %swap3A_67 = vector.shape_cast %swap3A_66 : vector<1x16xf32> to vector<16xf32>
      %swap3A_68 = vector.shape_cast %broadcast_in_dim3A_19 : vector<16xf32> to vector<1x16xf32>
      tpu.vector_store %arg9[%swap3A_64, %swap3A_65], %swap3A_68 {strides = array<i32>} : memref<128x128xf32, #tpu.memory_space<vmem>>, vector<1x16xf32>,
      %swap3A_69 = arith.index_cast %add3A_49 : i32 to index
      %swap3A_70 = arith.constant 32 : index
      %swap3A_71 = tpu.vector_load %arg8[%swap3A_69, %swap3A_70] {strides = array<i32>} : memref<128x128xf32, #tpu.memory_space<vmem>>, vector<1x16xf32>,
      %swap3A_72 = vector.shape_cast %swap3A_71 : vector<1x16xf32> to vector<16xf32>
      %swap3A_73 = vector.shape_cast %broadcast_in_dim3A_19 : vector<16xf32> to vector<1x16xf32>
      tpu.vector_store %arg8[%swap3A_69, %swap3A_70], %swap3A_73 {strides = array<i32>} : memref<128x128xf32, #tpu.memory_space<vmem>>, vector<1x16xf32>,
      %swap3A_74 = arith.index_cast %add3A_49 : i32 to index
      %swap3A_75 = arith.constant 32 : index
      %swap3A_76 = tpu.vector_load %arg9[%swap3A_74, %swap3A_75] {strides = array<i32>} : memref<128x128xf32, #tpu.memory_space<vmem>>, vector<1x16xf32>,
      %swap3A_77 = vector.shape_cast %swap3A_76 : vector<1x16xf32> to vector<16xf32>
      %swap3A_78 = vector.shape_cast %broadcast_in_dim3A_19 : vector<16xf32> to vector<1x16xf32>
      tpu.vector_store %arg9[%swap3A_74, %swap3A_75], %swap3A_78 {strides = array<i32>} : memref<128x128xf32, #tpu.memory_space<vmem>>, vector<1x16xf32>,
      %swap3A_79 = arith.index_cast %add3A_49 : i32 to index
      %swap3A_80 = arith.constant 48 : index
      %swap3A_81 = tpu.vector_load %arg8[%swap3A_79, %swap3A_80] {strides = array<i32>} : memref<128x128xf32, #tpu.memory_space<vmem>>, vector<1x16xf32>,
      %swap3A_82 = vector.shape_cast %swap3A_81 : vector<1x16xf32> to vector<16xf32>
      %swap3A_83 = vector.shape_cast %broadcast_in_dim3A_19 : vector<16xf32> to vector<1x16xf32>
      tpu.vector_store %arg8[%swap3A_79, %swap3A_80], %swap3A_83 {strides = array<i32>} : memref<128x128xf32, #tpu.memory_space<vmem>>, vector<1x16xf32>,
      %swap3A_84 = arith.index_cast %add3A_49 : i32 to index
      %swap3A_85 = arith.constant 48 : index
      %swap3A_86 = tpu.vector_load %arg9[%swap3A_84, %swap3A_85] {strides = array<i32>} : memref<128x128xf32, #tpu.memory_space<vmem>>, vector<1x16xf32>,
      %swap3A_87 = vector.shape_cast %swap3A_86 : vector<1x16xf32> to vector<16xf32>
      %swap3A_88 = vector.shape_cast %broadcast_in_dim3A_19 : vector<16xf32> to vector<1x16xf32>
      tpu.vector_store %arg9[%swap3A_84, %swap3A_85], %swap3A_88 {strides = array<i32>} : memref<128x128xf32, #tpu.memory_space<vmem>>, vector<1x16xf32>,
      %swap3A_89 = arith.index_cast %add3A_49 : i32 to index
      %swap3A_90 = arith.constant 64 : index
      %swap3A_91 = tpu.vector_load %arg8[%swap3A_89, %swap3A_90] {strides = array<i32>} : memref<128x128xf32, #tpu.memory_space<vmem>>, vector<1x16xf32>,
      %swap3A_92 = vector.shape_cast %swap3A_91 : vector<1x16xf32> to vector<16xf32>
      %swap3A_93 = vector.shape_cast %broadcast_in_dim3A_19 : vector<16xf32> to vector<1x16xf32>
      tpu.vector_store %arg8[%swap3A_89, %swap3A_90], %swap3A_93 {strides = array<i32>} : memref<128x128xf32, #tpu.memory_space<vmem>>, vector<1x16xf32>,
      %swap3A_94 = arith.index_cast %add3A_49 : i32 to index
      %swap3A_95 = arith.constant 64 : index
      %swap3A_96 = tpu.vector_load %arg9[%swap3A_94, %swap3A_95] {strides = array<i32>} : memref<128x128xf32, #tpu.memory_space<vmem>>, vector<1x16xf32>,
      %swap3A_97 = vector.shape_cast %swap3A_96 : vector<1x16xf32> to vector<16xf32>
      %swap3A_98 = vector.shape_cast %broadcast_in_dim3A_19 : vector<16xf32> to vector<1x16xf32>
      tpu.vector_store %arg9[%swap3A_94, %swap3A_95], %swap3A_98 {strides = array<i32>} : memref<128x128xf32, #tpu.memory_space<vmem>>, vector<1x16xf32>,
      %swap3A_99 = arith.index_cast %add3A_49 : i32 to index
      %swap3A_100 = arith.constant 80 : index
      %swap3A_101 = tpu.vector_load %arg8[%swap3A_99, %swap3A_100] {strides = array<i32>} : memref<128x128xf32, #tpu.memory_space<vmem>>, vector<1x16xf32>,
      %swap3A_102 = vector.shape_cast %swap3A_101 : vector<1x16xf32> to vector<16xf32>
      %swap3A_103 = vector.shape_cast %broadcast_in_dim3A_19 : vector<16xf32> to vector<1x16xf32>
      tpu.vector_store %arg8[%swap3A_99, %swap3A_100], %swap3A_103 {strides = array<i32>} : memref<128x128xf32, #tpu.memory_space<vmem>>, vector<1x16xf32>,
      %swap3A_104 = arith.index_cast %add3A_49 : i32 to index
      %swap3A_105 = arith.constant 80 : index
      %swap3A_106 = tpu.vector_load %arg9[%swap3A_104, %swap3A_105] {strides = array<i32>} : memref<128x128xf32, #tpu.memory_space<vmem>>, vector<1x16xf32>,
      %swap3A_107 = vector.shape_cast %swap3A_106 : vector<1x16xf32> to vector<16xf32>
      %swap3A_108 = vector.shape_cast %broadcast_in_dim3A_19 : vector<16xf32> to vector<1x16xf32>
      tpu.vector_store %arg9[%swap3A_104, %swap3A_105], %swap3A_108 {strides = array<i32>} : memref<128x128xf32, #tpu.memory_space<vmem>>, vector<1x16xf32>,
      %swap3A_109 = arith.index_cast %add3A_49 : i32 to index
      %swap3A_110 = arith.constant 96 : index
      %swap3A_111 = tpu.vector_load %arg8[%swap3A_109, %swap3A_110] {strides = array<i32>} : memref<128x128xf32, #tpu.memory_space<vmem>>, vector<1x16xf32>,
      %swap3A_112 = vector.shape_cast %swap3A_111 : vector<1x16xf32> to vector<16xf32>
      %swap3A_113 = vector.shape_cast %broadcast_in_dim3A_19 : vector<16xf32> to vector<1x16xf32>
      tpu.vector_store %arg8[%swap3A_109, %swap3A_110], %swap3A_113 {strides = array<i32>} : memref<128x128xf32, #tpu.memory_space<vmem>>, vector<1x16xf32>,
      %swap3A_114 = arith.index_cast %add3A_49 : i32 to index
      %swap3A_115 = arith.constant 96 : index
      %swap3A_116 = tpu.vector_load %arg9[%swap3A_114, %swap3A_115] {strides = array<i32>} : memref<128x128xf32, #tpu.memory_space<vmem>>, vector<1x16xf32>,
      %swap3A_117 = vector.shape_cast %swap3A_116 : vector<1x16xf32> to vector<16xf32>
      %swap3A_118 = vector.shape_cast %broadcast_in_dim3A_19 : vector<16xf32> to vector<1x16xf32>
      tpu.vector_store %arg9[%swap3A_114, %swap3A_115], %swap3A_118 {strides = array<i32>} : memref<128x128xf32, #tpu.memory_space<vmem>>, vector<1x16xf32>,
      %swap3A_119 = arith.index_cast %add3A_49 : i32 to index
      %swap3A_120 = arith.constant 112 : index
      %swap3A_121 = tpu.vector_load %arg8[%swap3A_119, %swap3A_120] {strides = array<i32>} : memref<128x128xf32, #tpu.memory_space<vmem>>, vector<1x16xf32>,
      %swap3A_122 = vector.shape_cast %swap3A_121 : vector<1x16xf32> to vector<16xf32>
      %swap3A_123 = vector.shape_cast %broadcast_in_dim3A_19 : vector<16xf32> to vector<1x16xf32>
      tpu.vector_store %arg8[%swap3A_119, %swap3A_120], %swap3A_123 {strides = array<i32>} : memref<128x128xf32, #tpu.memory_space<vmem>>, vector<1x16xf32>,
      %swap3A_124 = arith.index_cast %add3A_49 : i32 to index
      %swap3A_125 = arith.constant 112 : index
      %swap3A_126 = tpu.vector_load %arg9[%swap3A_124, %swap3A_125] {strides = array<i32>} : memref<128x128xf32, #tpu.memory_space<vmem>>, vector<1x16xf32>,
      %swap3A_127 = vector.shape_cast %swap3A_126 : vector<1x16xf32> to vector<16xf32>
      %swap3A_128 = vector.shape_cast %broadcast_in_dim3A_19 : vector<16xf32> to vector<1x16xf32>
      tpu.vector_store %arg9[%swap3A_124, %swap3A_125], %swap3A_128 {strides = array<i32>} : memref<128x128xf32, #tpu.memory_space<vmem>>, vector<1x16xf32>,
    }
    %scan3A_24 = arith.constant 128 : i32
    %barrier3A = arith.constant 0 : index
    tpu.barrier barrier_id(%barrier3A)
    %mul3A_25 = arith.constant 80 : i32
    %mul3A_26 = arith.muli %add3A, %mul3A_25 : i32
    %add3A_27 = arith.constant 0 : i32
    %add3A_28 = arith.addi %mul3A_26, %add3A_27 : i32
    %mul3A_29 = arith.constant 128 : i32
    %mul3A_30 = arith.muli %add3A_28, %mul3A_29 : i32
    "tpu.region"() ({
      %run_scoped3A = tpu.sem_alloc : memref<!tpu.dma_semaphore, #tpu.memory_space<semaphore_mem>>
      %dma_start3A = tpu.memref_slice %arg2[%mul3A_30] : memref<327680xi32, #tpu.memory_space<hbm>> -> memref<128xi32, #tpu.memory_space<hbm>>
      %dma_start3A_45 = tpu.memref_slice %arg2[%mul3A_30] : memref<327680xi32, #tpu.memory_space<hbm>> -> memref<128xi32, #tpu.memory_space<hbm>>
      tpu.enqueue_dma source(%dma_start3A_45 : memref<128xi32, #tpu.memory_space<hbm>>) target(%arg6 : memref<128xi32, #tpu.memory_space<vmem>>) target_semaphore(%run_scoped3A : memref<!tpu.dma_semaphore, #tpu.memory_space<semaphore_mem>>)
      %dma_wait3A_46 = tpu.memref_slice %arg2[%mul3A_30] : memref<327680xi32, #tpu.memory_space<hbm>> -> memref<128xi32, #tpu.memory_space<hbm>>
      %dma_wait3A_47 = tpu.memref_slice %arg2[%mul3A_30] : memref<327680xi32, #tpu.memory_space<hbm>> -> memref<128xi32, #tpu.memory_space<hbm>>
      tpu.wait_dma2 semaphore(%run_scoped3A : memref<!tpu.dma_semaphore, #tpu.memory_space<semaphore_mem>>) src(%dma_wait3A_47 : memref<128xi32, #tpu.memory_space<hbm>>) dst(%arg6 : memref<128xi32, #tpu.memory_space<vmem>>)
      tpu.yield
    }) : () -> ()
    %scan3A_31 = arith.constant 0 : i32
    %scan3A_32 = arith.constant 40 : i32
    %scan3A_33 = arith.addi %scan3A_31, %scan3A_32 : i32
    %scan3A_34 = arith.constant 1 : i32
    scf.for %scan3A_45 = %scan3A_31 to %scan3A_33 step %scan3A_34  : i32 {
      %mul3A_46 = arith.constant 2 : i32
      %mul3A_47 = arith.muli %scan3A_45, %mul3A_46 : i32
      %add3A_48 = arith.constant 0 : i32
      %add3A_49 = arith.addi %add3A_48, %mul3A_47 : i32
      %add3A_50 = arith.constant 0 : i32
      %add3A_51 = arith.addi %add3A_49, %add3A_50 : i32
      %add3A_52 = arith.constant 1 : i32
      %add3A_53 = arith.addi %add3A_51, %add3A_52 : i32
      %lt3A = arith.constant 80 : i32
      %lt3A_54 = arith.cmpi slt, %add3A_53, %lt3A : i32
      %gt3A = arith.constant 0 : i32
      %gt3A_55 = arith.cmpi sgt, %add3A_51, %gt3A : i32
      %and3A = arith.andi %lt3A_54, %gt3A_55 : i1
      %convert_element_type3A = arith.extui %and3A : i1 to i32
      %cond3A = arith.constant 0 : i32
      %cond3A_56 = arith.cmpi ne, %convert_element_type3A, %cond3A : i32
      scf.if %cond3A_56 {
        %dma_wait3A_84 = arith.constant 0 : i32
        %dma_wait3A_85 = arith.constant 0 : i32
        %dma_wait3A_86 = tpu.memref_slice %arg10[%dma_wait3A_84, %dma_wait3A_85] : memref<10240x128xf32, #tpu.memory_space<vmem_shared>> -> memref<10240x128xf32, #tpu.memory_space<vmem_shared>>
        tpu.wait_indirect_dma semaphore(%arg14 : memref<!tpu.dma_semaphore, #tpu.memory_space<semaphore_mem>>) src(%arg9 : memref<128x128xf32, #tpu.memory_space<vmem>>) dst(%dma_wait3A_86 : memref<10240x128xf32, #tpu.memory_space<vmem_shared>>)
      } else {
      }
      %lt3A_57 = arith.constant 80 : i32
      %lt3A_58 = arith.cmpi slt, %add3A_53, %lt3A_57 : i32
      %convert_element_type3A_59 = arith.extui %lt3A_58 : i1 to i32
      %cond3A_60 = arith.constant 0 : i32
      %cond3A_61 = arith.cmpi ne, %convert_element_type3A_59, %cond3A_60 : i32
      scf.if %cond3A_61 {
        %add3A_84 = arith.addi %mul3A_26, %add3A_53 : i32
        %mul3A_85 = arith.constant 128 : i32
        %mul3A_86 = arith.muli %add3A_84, %mul3A_85 : i32
        "tpu.region"() ({
          %run_scoped3A = tpu.sem_alloc : memref<!tpu.dma_semaphore, #tpu.memory_space<semaphore_mem>>
          %dma_start3A_87 = tpu.memref_slice %arg2[%mul3A_86] : memref<327680xi32, #tpu.memory_space<hbm>> -> memref<128xi32, #tpu.memory_space<hbm>>
          %dma_start3A_88 = tpu.memref_slice %arg2[%mul3A_86] : memref<327680xi32, #tpu.memory_space<hbm>> -> memref<128xi32, #tpu.memory_space<hbm>>
          tpu.enqueue_dma source(%dma_start3A_88 : memref<128xi32, #tpu.memory_space<hbm>>) target(%arg7 : memref<128xi32, #tpu.memory_space<vmem>>) target_semaphore(%run_scoped3A : memref<!tpu.dma_semaphore, #tpu.memory_space<semaphore_mem>>)
          %dma_wait3A_89 = tpu.memref_slice %arg2[%mul3A_86] : memref<327680xi32, #tpu.memory_space<hbm>> -> memref<128xi32, #tpu.memory_space<hbm>>
          %dma_wait3A_90 = tpu.memref_slice %arg2[%mul3A_86] : memref<327680xi32, #tpu.memory_space<hbm>> -> memref<128xi32, #tpu.memory_space<hbm>>
          tpu.wait_dma2 semaphore(%run_scoped3A : memref<!tpu.dma_semaphore, #tpu.memory_space<semaphore_mem>>) src(%dma_wait3A_90 : memref<128xi32, #tpu.memory_space<hbm>>) dst(%arg7 : memref<128xi32, #tpu.memory_space<vmem>>)
          tpu.yield
        }) : () -> ()
      } else {
      }
      %dma_start3A = arith.constant 0 : i32
      %dma_start3A_62 = arith.constant 0 : i32
      %dma_start3A_63 = tpu.memref_slice %arg10[%dma_start3A, %dma_start3A_62] : memref<10240x128xf32, #tpu.memory_space<vmem_shared>> -> memref<10240x128xf32, #tpu.memory_space<vmem_shared>>
      tpu.enqueue_indirect_dma source(%arg8 : memref<128x128xf32, #tpu.memory_space<vmem>>) target(%dma_start3A_63 : memref<10240x128xf32, #tpu.memory_space<vmem_shared>>) offsets(%arg6 : memref<128xi32, #tpu.memory_space<vmem>>) semaphore(%arg13 : memref<!tpu.dma_semaphore, #tpu.memory_space<semaphore_mem>>) {add = true}
      %add3A_64 = arith.constant 1 : i32
      %add3A_65 = arith.addi %add3A_49, %add3A_64 : i32
      %add3A_66 = arith.constant 1 : i32
      %add3A_67 = arith.addi %add3A_65, %add3A_66 : i32
      %lt3A_68 = arith.constant 80 : i32
      %lt3A_69 = arith.cmpi slt, %add3A_67, %lt3A_68 : i32
      %gt3A_70 = arith.constant 0 : i32
      %gt3A_71 = arith.cmpi sgt, %add3A_65, %gt3A_70 : i32
      %and3A_72 = arith.andi %lt3A_69, %gt3A_71 : i1
      %convert_element_type3A_73 = arith.extui %and3A_72 : i1 to i32
      %cond3A_74 = arith.constant 0 : i32
      %cond3A_75 = arith.cmpi ne, %convert_element_type3A_73, %cond3A_74 : i32
      scf.if %cond3A_75 {
        %dma_wait3A_84 = arith.constant 0 : i32
        %dma_wait3A_85 = arith.constant 0 : i32
        %dma_wait3A_86 = tpu.memref_slice %arg10[%dma_wait3A_84, %dma_wait3A_85] : memref<10240x128xf32, #tpu.memory_space<vmem_shared>> -> memref<10240x128xf32, #tpu.memory_space<vmem_shared>>
        tpu.wait_indirect_dma semaphore(%arg13 : memref<!tpu.dma_semaphore, #tpu.memory_space<semaphore_mem>>) src(%arg8 : memref<128x128xf32, #tpu.memory_space<vmem>>) dst(%dma_wait3A_86 : memref<10240x128xf32, #tpu.memory_space<vmem_shared>>)
      } else {
      }
      %lt3A_76 = arith.constant 80 : i32
      %lt3A_77 = arith.cmpi slt, %add3A_67, %lt3A_76 : i32
      %convert_element_type3A_78 = arith.extui %lt3A_77 : i1 to i32
      %cond3A_79 = arith.constant 0 : i32
      %cond3A_80 = arith.cmpi ne, %convert_element_type3A_78, %cond3A_79 : i32
      scf.if %cond3A_80 {
        %add3A_84 = arith.addi %mul3A_26, %add3A_67 : i32
        %mul3A_85 = arith.constant 128 : i32
        %mul3A_86 = arith.muli %add3A_84, %mul3A_85 : i32
        "tpu.region"() ({
          %run_scoped3A = tpu.sem_alloc : memref<!tpu.dma_semaphore, #tpu.memory_space<semaphore_mem>>
          %dma_start3A_87 = tpu.memref_slice %arg2[%mul3A_86] : memref<327680xi32, #tpu.memory_space<hbm>> -> memref<128xi32, #tpu.memory_space<hbm>>
          %dma_start3A_88 = tpu.memref_slice %arg2[%mul3A_86] : memref<327680xi32, #tpu.memory_space<hbm>> -> memref<128xi32, #tpu.memory_space<hbm>>
          tpu.enqueue_dma source(%dma_start3A_88 : memref<128xi32, #tpu.memory_space<hbm>>) target(%arg6 : memref<128xi32, #tpu.memory_space<vmem>>) target_semaphore(%run_scoped3A : memref<!tpu.dma_semaphore, #tpu.memory_space<semaphore_mem>>)
          %dma_wait3A_89 = tpu.memref_slice %arg2[%mul3A_86] : memref<327680xi32, #tpu.memory_space<hbm>> -> memref<128xi32, #tpu.memory_space<hbm>>
          %dma_wait3A_90 = tpu.memref_slice %arg2[%mul3A_86] : memref<327680xi32, #tpu.memory_space<hbm>> -> memref<128xi32, #tpu.memory_space<hbm>>
          tpu.wait_dma2 semaphore(%run_scoped3A : memref<!tpu.dma_semaphore, #tpu.memory_space<semaphore_mem>>) src(%dma_wait3A_90 : memref<128xi32, #tpu.memory_space<hbm>>) dst(%arg6 : memref<128xi32, #tpu.memory_space<vmem>>)
          tpu.yield
        }) : () -> ()
      } else {
      }
      %dma_start3A_81 = arith.constant 0 : i32
      %dma_start3A_82 = arith.constant 0 : i32
      %dma_start3A_83 = tpu.memref_slice %arg10[%dma_start3A_81, %dma_start3A_82] : memref<10240x128xf32, #tpu.memory_space<vmem_shared>> -> memref<10240x128xf32, #tpu.memory_space<vmem_shared>>
      tpu.enqueue_indirect_dma source(%arg9 : memref<128x128xf32, #tpu.memory_space<vmem>>) target(%dma_start3A_83 : memref<10240x128xf32, #tpu.memory_space<vmem_shared>>) offsets(%arg7 : memref<128xi32, #tpu.memory_space<vmem>>) semaphore(%arg14 : memref<!tpu.dma_semaphore, #tpu.memory_space<semaphore_mem>>) {add = true}
    }
    %scan3A_35 = arith.constant 40 : i32
    %dma_wait3A = arith.constant 0 : i32
    %dma_wait3A_36 = arith.constant 0 : i32
    %dma_wait3A_37 = tpu.memref_slice %arg10[%dma_wait3A, %dma_wait3A_36] : memref<10240x128xf32, #tpu.memory_space<vmem_shared>> -> memref<10240x128xf32, #tpu.memory_space<vmem_shared>>
    tpu.wait_indirect_dma semaphore(%arg13 : memref<!tpu.dma_semaphore, #tpu.memory_space<semaphore_mem>>) src(%arg8 : memref<128x128xf32, #tpu.memory_space<vmem>>) dst(%dma_wait3A_37 : memref<10240x128xf32, #tpu.memory_space<vmem_shared>>)
    %dma_wait3A_38 = arith.constant 0 : i32
    %dma_wait3A_39 = arith.constant 0 : i32
    %dma_wait3A_40 = tpu.memref_slice %arg10[%dma_wait3A_38, %dma_wait3A_39] : memref<10240x128xf32, #tpu.memory_space<vmem_shared>> -> memref<10240x128xf32, #tpu.memory_space<vmem_shared>>
    tpu.wait_indirect_dma semaphore(%arg14 : memref<!tpu.dma_semaphore, #tpu.memory_space<semaphore_mem>>) src(%arg9 : memref<128x128xf32, #tpu.memory_space<vmem>>) dst(%dma_wait3A_40 : memref<10240x128xf32, #tpu.memory_space<vmem_shared>>)
    %barrier3A_41 = arith.constant 0 : index
    tpu.barrier barrier_id(%barrier3A_41)
    %mul3A_42 = arith.constant 10240 : i32
    %mul3A_43 = arith.muli %arg0, %mul3A_42 : i32
    %add3A_44 = arith.addi %mul3A_43, %mul3A_2 : i32
    "tpu.region"() ({
      %run_scoped3A = tpu.sem_alloc : memref<!tpu.dma_semaphore, #tpu.memory_space<semaphore_mem>>
      %dma_start3A = arith.constant 0 : i32
      %dma_start3A_45 = tpu.memref_slice %arg3[%add3A_44, %dma_start3A] : memref<20480x128xf32, #tpu.memory_space<hbm>> -> memref<640x128xf32, #tpu.memory_space<hbm>>
      %dma_start3A_46 = arith.constant 0 : i32
      %dma_start3A_47 = tpu.memref_slice %arg10[%mul3A_2, %dma_start3A_46] : memref<10240x128xf32, #tpu.memory_space<vmem_shared>> -> memref<640x128xf32, #tpu.memory_space<vmem_shared>>
      tpu.enqueue_dma source(%dma_start3A_47 : memref<640x128xf32, #tpu.memory_space<vmem_shared>>) target(%dma_start3A_45 : memref<640x128xf32, #tpu.memory_space<hbm>>) target_semaphore(%run_scoped3A : memref<!tpu.dma_semaphore, #tpu.memory_space<semaphore_mem>>)
      %dma_wait3A_48 = arith.constant 0 : i32
      %dma_wait3A_49 = tpu.memref_slice %arg3[%add3A_44, %dma_wait3A_48] : memref<20480x128xf32, #tpu.memory_space<hbm>> -> memref<640x128xf32, #tpu.memory_space<hbm>>
      %dma_wait3A_50 = arith.constant 0 : i32
      %dma_wait3A_51 = tpu.memref_slice %arg10[%mul3A_2, %dma_wait3A_50] : memref<10240x128xf32, #tpu.memory_space<vmem_shared>> -> memref<640x128xf32, #tpu.memory_space<vmem_shared>>
      tpu.wait_dma2 semaphore(%run_scoped3A : memref<!tpu.dma_semaphore, #tpu.memory_space<semaphore_mem>>) src(%dma_wait3A_51 : memref<640x128xf32, #tpu.memory_space<vmem_shared>>) dst(%dma_wait3A_49 : memref<640x128xf32, #tpu.memory_space<hbm>>)
      tpu.yield
    }) : () -> ()
    return
  }
}

module attributes {stable_mosaic.version = 14 : i64} {
  func.func @_combine_body(%arg0: i32, %arg1: memref<1024x128xf32, #tpu.memory_space<vmem>>, %arg2: memref<1024x128xf32, #tpu.memory_space<vmem>>, %arg3: memref<1024x16xf32, #tpu.memory_space<vmem>>, %arg4: memref<1024x16xf32, #tpu.memory_space<vmem>>, %arg5: memref<1024x128xf32, #tpu.memory_space<vmem>>, %arg6: memref<128x128xf32, #tpu.memory_space<vmem>>, %arg7: memref<128x128xf32, #tpu.memory_space<vmem>>, %arg8: memref<1x128xf32, #tpu.memory_space<vmem>>, %arg9: memref<1024x128xf32, #tpu.memory_space<vmem>>) attributes {dimension_semantics = [#tpu.dimension_semantics<arbitrary>], iteration_bounds = array<i64: 10>, scalar_prefetch = 0 : i64, scratch_operands = 0 : i64, tpu.core_type = #tpu.core_type<tc>, window_params = [{transform_indices = @transform_0, window_bounds = array<i64: 1024, 128>}, {transform_indices = @transform_1, window_bounds = array<i64: 1024, 128>}, {transform_indices = @transform_2, window_bounds = array<i64: 1024, 16>}, {transform_indices = @transform_3, window_bounds = array<i64: 1024, 16>}, {transform_indices = @transform_4, window_bounds = array<i64: 1024, 128>}, {pipeline_mode = #tpu.pipeline_mode<synchronous>, transform_indices = @transform_5, window_bounds = array<i64: 128, 128>}, {pipeline_mode = #tpu.pipeline_mode<synchronous>, transform_indices = @transform_6, window_bounds = array<i64: 128, 128>}, {pipeline_mode = #tpu.pipeline_mode<synchronous>, transform_indices = @transform_7, window_bounds = array<i64: 1, 128>}, {transform_indices = @transform_8, window_bounds = array<i64: 1024, 128>}]} {
    %get3A = arith.constant 0 : index
    %get3A_0 = arith.constant 0 : index
    %get3A_1 = vector.load %arg3[%get3A, %get3A_0] : memref<1024x16xf32, #tpu.memory_space<vmem>>, vector<1024x1xf32>
    %get3A_2 = arith.constant 0 : index
    %get3A_3 = arith.constant 0 : index
    %get3A_4 = vector.load %arg4[%get3A_2, %get3A_3] : memref<1024x16xf32, #tpu.memory_space<vmem>>, vector<1024x1xf32>
    %add3A = arith.addf %get3A_1, %get3A_4 : vector<1024x1xf32>
    %max3A = arith.constant 1.000000e+00 : f32
    %max3A_5 = vector.broadcast %max3A : f32 to vector<1024x1xf32>
    %max3A_6 = arith.maximumf %add3A, %max3A_5 : vector<1024x1xf32>
    %div3A = arith.constant 1.000000e+00 : f32
    %div3A_7 = vector.broadcast %div3A : f32 to vector<1024x1xf32>
    %div3A_8 = arith.divf %div3A_7, %max3A_6 : vector<1024x1xf32>
    %get3A_9 = arith.constant 0 : index
    %get3A_10 = arith.constant 0 : index
    %get3A_11 = vector.load %arg1[%get3A_9, %get3A_10] : memref<1024x128xf32, #tpu.memory_space<vmem>>, vector<1024x128xf32>
    %get3A_12 = arith.constant 0 : index
    %get3A_13 = arith.constant 0 : index
    %get3A_14 = vector.load %arg2[%get3A_12, %get3A_13] : memref<1024x128xf32, #tpu.memory_space<vmem>>, vector<1024x128xf32>
    %add3A_15 = arith.addf %get3A_11, %get3A_14 : vector<1024x128xf32>
    %mul3A = vector.broadcast %div3A_8 : vector<1024x1xf32> to vector<1024x128xf32>
    %mul3A_16 = arith.mulf %add3A_15, %mul3A : vector<1024x128xf32>
    %get3A_17 = arith.constant 0 : index
    %get3A_18 = arith.constant 0 : index
    %get3A_19 = vector.load %arg6[%get3A_17, %get3A_18] : memref<128x128xf32, #tpu.memory_space<vmem>>, vector<128x128xf32>
    %dot_general3A = arith.constant dense<0.000000e+00> : vector<1024x128xf32>
    %dot_general3A_20 = tpu.matmul %mul3A_16, %get3A_19, %dot_general3A {dimension_numbers = #tpu.dot_dimension_numbers<[1], [0], [0], [1], [0, 0, 1, 1], [], []>, transpose_lhs_hint = false} : vector<1024x128xf32>, vector<128x128xf32>, vector<1024x128xf32> -> vector<1024x128xf32>
    %get3A_21 = arith.constant 0 : index
    %get3A_22 = arith.constant 0 : index
    %get3A_23 = vector.load %arg5[%get3A_21, %get3A_22] : memref<1024x128xf32, #tpu.memory_space<vmem>>, vector<1024x128xf32>
    %get3A_24 = arith.constant 0 : index
    %get3A_25 = arith.constant 0 : index
    %get3A_26 = vector.load %arg7[%get3A_24, %get3A_25] : memref<128x128xf32, #tpu.memory_space<vmem>>, vector<128x128xf32>
    %dot_general3A_27 = arith.constant dense<0.000000e+00> : vector<1024x128xf32>
    %dot_general3A_28 = tpu.matmul %get3A_23, %get3A_26, %dot_general3A_27 {dimension_numbers = #tpu.dot_dimension_numbers<[1], [0], [0], [1], [0, 0, 1, 1], [], []>, transpose_lhs_hint = false} : vector<1024x128xf32>, vector<128x128xf32>, vector<1024x128xf32> -> vector<1024x128xf32>
    %add3A_29 = arith.addf %dot_general3A_20, %dot_general3A_28 : vector<1024x128xf32>
    %get3A_30 = arith.constant 0 : index
    %get3A_31 = arith.constant 0 : index
    %get3A_32 = vector.load %arg8[%get3A_30, %get3A_31] : memref<1x128xf32, #tpu.memory_space<vmem>>, vector<1x128xf32>
    %add3A_33 = vector.broadcast %get3A_32 : vector<1x128xf32> to vector<1024x128xf32>
    %add3A_34 = arith.addf %add3A_29, %add3A_33 : vector<1024x128xf32>
    %max3A_35 = arith.constant 0.000000e+00 : f32
    %max3A_36 = vector.broadcast %max3A_35 : f32 to vector<1024x128xf32>
    %max3A_37 = arith.maximumf %add3A_34, %max3A_36 : vector<1024x128xf32>
    %swap3A = arith.constant 0 : index
    %swap3A_38 = arith.constant 0 : index
    %swap3A_39 = vector.load %arg9[%swap3A, %swap3A_38] : memref<1024x128xf32, #tpu.memory_space<vmem>>, vector<1024x128xf32>
    tpu.vector_store %arg9[%swap3A, %swap3A_38], %max3A_37 {strides = array<i32>} : memref<1024x128xf32, #tpu.memory_space<vmem>>, vector<1024x128xf32>,
    return
  }
  func.func @transform_0(%arg0: i32) -> (i32, i32) {
    %c0_i32 = arith.constant 0 : i32
    %c0_i32_0 = arith.constant 0 : i32
    return %arg0, %c0_i32 : i32, i32
  }
  func.func @transform_1(%arg0: i32) -> (i32, i32) {
    %c0_i32 = arith.constant 0 : i32
    %c0_i32_0 = arith.constant 0 : i32
    return %arg0, %c0_i32 : i32, i32
  }
  func.func @transform_2(%arg0: i32) -> (i32, i32) {
    %c0_i32 = arith.constant 0 : i32
    %c0_i32_0 = arith.constant 0 : i32
    return %arg0, %c0_i32 : i32, i32
  }
  func.func @transform_3(%arg0: i32) -> (i32, i32) {
    %c0_i32 = arith.constant 0 : i32
    %c0_i32_0 = arith.constant 0 : i32
    return %arg0, %c0_i32 : i32, i32
  }
  func.func @transform_4(%arg0: i32) -> (i32, i32) {
    %c0_i32 = arith.constant 0 : i32
    %c0_i32_0 = arith.constant 0 : i32
    return %arg0, %c0_i32 : i32, i32
  }
  func.func @transform_5(%arg0: i32) -> (i32, i32) {
    %c0_i32 = arith.constant 0 : i32
    %c0_i32_0 = arith.constant 0 : i32
    %c0_i32_1 = arith.constant 0 : i32
    return %c0_i32, %c0_i32_0 : i32, i32
  }
  func.func @transform_6(%arg0: i32) -> (i32, i32) {
    %c0_i32 = arith.constant 0 : i32
    %c0_i32_0 = arith.constant 0 : i32
    %c0_i32_1 = arith.constant 0 : i32
    return %c0_i32, %c0_i32_0 : i32, i32
  }
  func.func @transform_7(%arg0: i32) -> (i32, i32) {
    %c0_i32 = arith.constant 0 : i32
    %c0_i32_0 = arith.constant 0 : i32
    %c0_i32_1 = arith.constant 0 : i32
    return %c0_i32, %c0_i32_0 : i32, i32
  }
  func.func @transform_8(%arg0: i32) -> (i32, i32) {
    %c0_i32 = arith.constant 0 : i32
    %c0_i32_0 = arith.constant 0 : i32
    return %arg0, %c0_i32 : i32, i32
  }
}

module attributes {stable_mosaic.version = 14 : i64} {
  func.func @_final_body(%arg0: i32, %arg1: memref<1024x128xf32, #tpu.memory_space<vmem>>, %arg2: memref<1x1x1024xi32, #tpu.memory_space<vmem>>, %arg3: memref<128x64xf32, #tpu.memory_space<vmem>>, %arg4: memref<1x64xf32, #tpu.memory_space<vmem>>, %arg5: memref<64x10xf32, #tpu.memory_space<vmem>>, %arg6: memref<1x10xf32, #tpu.memory_space<vmem>>, %arg7: memref<64x10xf32, #tpu.memory_space<vmem>>, %arg8: memref<64x128xf32, #tpu.memory_space<vmem>>, %arg9: memref<64x1xf32, #tpu.memory_space<vmem>>) attributes {dimension_semantics = [#tpu.dimension_semantics<arbitrary>], iteration_bounds = array<i64: 10>, scalar_prefetch = 0 : i64, scratch_operands = 2 : i64, tpu.core_type = #tpu.core_type<tc>, window_params = [{transform_indices = @transform_0, window_bounds = array<i64: 1024, 128>}, {transform_indices = @transform_1, window_bounds = array<i64: 1, 1, 1024>}, {pipeline_mode = #tpu.pipeline_mode<synchronous>, transform_indices = @transform_2, window_bounds = array<i64: 128, 64>}, {pipeline_mode = #tpu.pipeline_mode<synchronous>, transform_indices = @transform_3, window_bounds = array<i64: 1, 64>}, {pipeline_mode = #tpu.pipeline_mode<synchronous>, transform_indices = @transform_4, window_bounds = array<i64: 64, 10>}, {pipeline_mode = #tpu.pipeline_mode<synchronous>, transform_indices = @transform_5, window_bounds = array<i64: 1, 10>}, {pipeline_mode = #tpu.pipeline_mode<synchronous>, transform_indices = @transform_6, window_bounds = array<i64: 64, 10>}]} {
    %eq3A = arith.constant 0 : i32
    %eq3A_0 = arith.cmpi eq, %arg0, %eq3A : i32
    %convert_element_type3A = arith.extui %eq3A_0 : i1 to i32
    %cond3A = arith.constant 0 : i32
    %cond3A_1 = arith.cmpi ne, %convert_element_type3A, %cond3A : i32
    scf.if %cond3A_1 {
      %broadcast_in_dim3A_31 = arith.constant 0.000000e+00 : f32
      %broadcast_in_dim3A_32 = vector.broadcast %broadcast_in_dim3A_31 : f32 to vector<64x128xf32>
      %swap3A_33 = arith.constant 0 : index
      %swap3A_34 = arith.constant 0 : index
      %swap3A_35 = vector.load %arg8[%swap3A_33, %swap3A_34] : memref<64x128xf32, #tpu.memory_space<vmem>>, vector<64x128xf32>
      tpu.vector_store %arg8[%swap3A_33, %swap3A_34], %broadcast_in_dim3A_32 {strides = array<i32>} : memref<64x128xf32, #tpu.memory_space<vmem>>, vector<64x128xf32>,
      %broadcast_in_dim3A_36 = arith.constant 0.000000e+00 : f32
      %broadcast_in_dim3A_37 = vector.broadcast %broadcast_in_dim3A_36 : f32 to vector<64x1xf32>
      %swap3A_38 = arith.constant 0 : index
      %swap3A_39 = arith.constant 0 : index
      %swap3A_40 = vector.load %arg9[%swap3A_38, %swap3A_39] : memref<64x1xf32, #tpu.memory_space<vmem>>, vector<64x1xf32>
      tpu.vector_store %arg9[%swap3A_38, %swap3A_39], %broadcast_in_dim3A_37 {strides = array<i32>} : memref<64x1xf32, #tpu.memory_space<vmem>>, vector<64x1xf32>,
    } else {
    }
    %get3A = arith.constant 0 : index
    %get3A_2 = arith.constant 0 : index
    %get3A_3 = arith.constant 0 : index
    %get3A_4 = vector.load %arg2[%get3A, %get3A_2, %get3A_3] : memref<1x1x1024xi32, #tpu.memory_space<vmem>>, vector<1x1x1024xi32>
    %reshape3A = vector.shape_cast %get3A_4 : vector<1x1x1024xi32> to vector<1x1024xi32>
    %iota3A = tpu.iota {dimensions = array<i32: 0>} : vector<64x1024xi32>
    %eq3A_5 = vector.broadcast %reshape3A : vector<1x1024xi32> to vector<64x1024xi32>
    %eq3A_6 = arith.cmpi eq, %eq3A_5, %iota3A : vector<64x1024xi32>
    %convert_element_type3A_7 = arith.extui %eq3A_6 : vector<64x1024xi1> to vector<64x1024xi32>
    %convert_element_type3A_8 = arith.sitofp %convert_element_type3A_7 : vector<64x1024xi32> to vector<64x1024xf32>
    %get3A_9 = arith.constant 0 : index
    %get3A_10 = arith.constant 0 : index
    %get3A_11 = vector.load %arg8[%get3A_9, %get3A_10] : memref<64x128xf32, #tpu.memory_space<vmem>>, vector<64x128xf32>
    %get3A_12 = arith.constant 0 : index
    %get3A_13 = arith.constant 0 : index
    %get3A_14 = vector.load %arg1[%get3A_12, %get3A_13] : memref<1024x128xf32, #tpu.memory_space<vmem>>, vector<1024x128xf32>
    %dot_general3A = arith.constant dense<0.000000e+00> : vector<64x128xf32>
    %dot_general3A_15 = tpu.matmul %convert_element_type3A_8, %get3A_14, %dot_general3A {dimension_numbers = #tpu.dot_dimension_numbers<[1], [0], [0], [1], [0, 0, 1, 1], [], []>, transpose_lhs_hint = false} : vector<64x1024xf32>, vector<1024x128xf32>, vector<64x128xf32> -> vector<64x128xf32>
    %add3A = arith.addf %get3A_11, %dot_general3A_15 : vector<64x128xf32>
    %swap3A = arith.constant 0 : index
    %swap3A_16 = arith.constant 0 : index
    %swap3A_17 = vector.load %arg8[%swap3A, %swap3A_16] : memref<64x128xf32, #tpu.memory_space<vmem>>, vector<64x128xf32>
    tpu.vector_store %arg8[%swap3A, %swap3A_16], %add3A {strides = array<i32>} : memref<64x128xf32, #tpu.memory_space<vmem>>, vector<64x128xf32>,
    %get3A_18 = arith.constant 0 : index
    %get3A_19 = arith.constant 0 : index
    %get3A_20 = vector.load %arg9[%get3A_18, %get3A_19] : memref<64x1xf32, #tpu.memory_space<vmem>>, vector<64x1xf32>
    %reduce_sum3A = arith.constant dense<0.000000e+00> : vector<64xf32>
    %reduce_sum3A_21 = vector.multi_reduction <add>, %convert_element_type3A_8, %reduce_sum3A [1] : vector<64x1024xf32> to vector<64xf32>
    %broadcast_in_dim3A = vector.shape_cast %reduce_sum3A_21 : vector<64xf32> to vector<64x1xf32>
    %add3A_22 = arith.addf %get3A_20, %broadcast_in_dim3A : vector<64x1xf32>
    %swap3A_23 = arith.constant 0 : index
    %swap3A_24 = arith.constant 0 : index
    %swap3A_25 = vector.load %arg9[%swap3A_23, %swap3A_24] : memref<64x1xf32, #tpu.memory_space<vmem>>, vector<64x1xf32>
    tpu.vector_store %arg9[%swap3A_23, %swap3A_24], %add3A_22 {strides = array<i32>} : memref<64x1xf32, #tpu.memory_space<vmem>>, vector<64x1xf32>,
    %eq3A_26 = arith.constant 9 : i32
    %eq3A_27 = arith.cmpi eq, %arg0, %eq3A_26 : i32
    %convert_element_type3A_28 = arith.extui %eq3A_27 : i1 to i32
    %cond3A_29 = arith.constant 0 : i32
    %cond3A_30 = arith.cmpi ne, %convert_element_type3A_28, %cond3A_29 : i32
    scf.if %cond3A_30 {
      %get3A_31 = arith.constant 0 : index
      %get3A_32 = arith.constant 0 : index
      %get3A_33 = vector.load %arg8[%get3A_31, %get3A_32] : memref<64x128xf32, #tpu.memory_space<vmem>>, vector<64x128xf32>
      %get3A_34 = arith.constant 0 : index
      %get3A_35 = arith.constant 0 : index
      %get3A_36 = vector.load %arg9[%get3A_34, %get3A_35] : memref<64x1xf32, #tpu.memory_space<vmem>>, vector<64x1xf32>
      %max3A = arith.constant 1.000000e+00 : f32
      %max3A_37 = vector.broadcast %max3A : f32 to vector<64x1xf32>
      %max3A_38 = arith.maximumf %get3A_36, %max3A_37 : vector<64x1xf32>
      %div3A = vector.broadcast %max3A_38 : vector<64x1xf32> to vector<64x128xf32>
      %div3A_39 = arith.divf %get3A_33, %div3A : vector<64x128xf32>
      %get3A_40 = arith.constant 0 : index
      %get3A_41 = arith.constant 0 : index
      %get3A_42 = vector.load %arg3[%get3A_40, %get3A_41] : memref<128x64xf32, #tpu.memory_space<vmem>>, vector<128x64xf32>
      %dot_general3A_43 = arith.constant dense<0.000000e+00> : vector<64x64xf32>
      %dot_general3A_44 = tpu.matmul %div3A_39, %get3A_42, %dot_general3A_43 {dimension_numbers = #tpu.dot_dimension_numbers<[1], [0], [0], [1], [0, 0, 1, 1], [], []>, transpose_lhs_hint = false} : vector<64x128xf32>, vector<128x64xf32>, vector<64x64xf32> -> vector<64x64xf32>
      %get3A_45 = arith.constant 0 : index
      %get3A_46 = arith.constant 0 : index
      %get3A_47 = vector.load %arg4[%get3A_45, %get3A_46] : memref<1x64xf32, #tpu.memory_space<vmem>>, vector<1x64xf32>
      %add3A_48 = vector.broadcast %get3A_47 : vector<1x64xf32> to vector<64x64xf32>
      %add3A_49 = arith.addf %dot_general3A_44, %add3A_48 : vector<64x64xf32>
      %max3A_50 = arith.constant 0.000000e+00 : f32
      %max3A_51 = vector.broadcast %max3A_50 : f32 to vector<64x64xf32>
      %max3A_52 = arith.maximumf %add3A_49, %max3A_51 : vector<64x64xf32>
      %get3A_53 = arith.constant 0 : index
      %get3A_54 = arith.constant 0 : index
      %get3A_55 = vector.load %arg5[%get3A_53, %get3A_54] : memref<64x10xf32, #tpu.memory_space<vmem>>, vector<64x10xf32>
      %dot_general3A_56 = arith.constant dense<0.000000e+00> : vector<64x10xf32>
      %dot_general3A_57 = tpu.matmul %max3A_52, %get3A_55, %dot_general3A_56 {dimension_numbers = #tpu.dot_dimension_numbers<[1], [0], [0], [1], [0, 0, 1, 1], [], []>, transpose_lhs_hint = false} : vector<64x64xf32>, vector<64x10xf32>, vector<64x10xf32> -> vector<64x10xf32>
      %get3A_58 = arith.constant 0 : index
      %get3A_59 = arith.constant 0 : index
      %get3A_60 = vector.load %arg6[%get3A_58, %get3A_59] : memref<1x10xf32, #tpu.memory_space<vmem>>, vector<1x10xf32>
      %add3A_61 = vector.broadcast %get3A_60 : vector<1x10xf32> to vector<64x10xf32>
      %add3A_62 = arith.addf %dot_general3A_57, %add3A_61 : vector<64x10xf32>
      %reduce_max3A = arith.constant dense<0xFF800000> : vector<64xf32>
      %reduce_max3A_63 = vector.multi_reduction <maximumf>, %add3A_62, %reduce_max3A [1] : vector<64x10xf32> to vector<64xf32>
      %broadcast_in_dim3A_64 = vector.shape_cast %reduce_max3A_63 : vector<64xf32> to vector<64x1xf32>
      %sub3A = vector.broadcast %broadcast_in_dim3A_64 : vector<64x1xf32> to vector<64x10xf32>
      %sub3A_65 = arith.subf %add3A_62, %sub3A : vector<64x10xf32>
      %exp3A = math.exp %sub3A_65 : vector<64x10xf32>
      %reduce_sum3A_66 = arith.constant dense<0.000000e+00> : vector<64xf32>
      %reduce_sum3A_67 = vector.multi_reduction <add>, %exp3A, %reduce_sum3A_66 [1] : vector<64x10xf32> to vector<64xf32>
      %broadcast_in_dim3A_68 = vector.shape_cast %reduce_sum3A_67 : vector<64xf32> to vector<64x1xf32>
      %log3A = math.log %broadcast_in_dim3A_68 : vector<64x1xf32>
      %add3A_69 = arith.addf %log3A, %broadcast_in_dim3A_64 : vector<64x1xf32>
      %sub3A_70 = vector.broadcast %add3A_69 : vector<64x1xf32> to vector<64x10xf32>
      %sub3A_71 = arith.subf %add3A_62, %sub3A_70 : vector<64x10xf32>
      %swap3A_72 = arith.constant 0 : index
      %swap3A_73 = arith.constant 0 : index
      %swap3A_74 = vector.load %arg7[%swap3A_72, %swap3A_73] : memref<64x10xf32, #tpu.memory_space<vmem>>, vector<64x10xf32>
      tpu.vector_store %arg7[%swap3A_72, %swap3A_73], %sub3A_71 {strides = array<i32>} : memref<64x10xf32, #tpu.memory_space<vmem>>, vector<64x10xf32>,
    } else {
    }
    return
  }
  func.func @transform_0(%arg0: i32) -> (i32, i32) {
    %c0_i32 = arith.constant 0 : i32
    %c0_i32_0 = arith.constant 0 : i32
    return %arg0, %c0_i32 : i32, i32
  }
  func.func @transform_1(%arg0: i32) -> (i32, i32, i32) {
    %c0_i32 = arith.constant 0 : i32
    %c0_i32_0 = arith.constant 0 : i32
    %c0_i32_1 = arith.constant 0 : i32
    return %arg0, %c0_i32, %c0_i32_0 : i32, i32, i32
  }
  func.func @transform_2(%arg0: i32) -> (i32, i32) {
    %c0_i32 = arith.constant 0 : i32
    %c0_i32_0 = arith.constant 0 : i32
    %c0_i32_1 = arith.constant 0 : i32
    return %c0_i32, %c0_i32_0 : i32, i32
  }
  func.func @transform_3(%arg0: i32) -> (i32, i32) {
    %c0_i32 = arith.constant 0 : i32
    %c0_i32_0 = arith.constant 0 : i32
    %c0_i32_1 = arith.constant 0 : i32
    return %c0_i32, %c0_i32_0 : i32, i32
  }
  func.func @transform_4(%arg0: i32) -> (i32, i32) {
    %c0_i32 = arith.constant 0 : i32
    %c0_i32_0 = arith.constant 0 : i32
    %c0_i32_1 = arith.constant 0 : i32
    return %c0_i32, %c0_i32_0 : i32, i32
  }
  func.func @transform_5(%arg0: i32) -> (i32, i32) {
    %c0_i32 = arith.constant 0 : i32
    %c0_i32_0 = arith.constant 0 : i32
    %c0_i32_1 = arith.constant 0 : i32
    return %c0_i32, %c0_i32_0 : i32, i32
  }
  func.func @transform_6(%arg0: i32) -> (i32, i32) {
    %c0_i32 = arith.constant 0 : i32
    %c0_i32_0 = arith.constant 0 : i32
    %c0_i32_1 = arith.constant 0 : i32
    return %c0_i32, %c0_i32_0 : i32, i32
  }
}

</mosaic_0001>

<sc_bundles>
// kernel: kernel.10.cloned.1.call-start
scs
__scs_entry_jumppad:
0x0: {  	(pc) =	sbr.rel $0x88, $3  }
0x1: {  	(tag) =	ssettag $0x0;
	lr =	simm.s32 $0x1  }
0x2: {  	[smem:$0x3F91] =	sst lr;
	_ =	strace $0xD0000000  }
0x3: {  	_ = 	snop  }
0x4: {  	_ = 	snop  }
0x5: {  	_ = 	snop  }
0x6: {  	_ = 	snop  }
0x7: {  	_ = 	snop  }
__scs_overlays_trampoline_lowered:
0x8: {  	[smem:$0x3FA0] =	sst s0  }
0x9: {  	[smem:$0x3FA1] =	sst s1  }
0xa: {  	[smem:$0x3FA2] =	sst s2  }
0xb: {  	[smem:$0x3FA3] =	sst s3  }
0xc: {  	[smem:$0x3FA4] =	sst s4  }
0xd: {  	[smem:$0x3FA5] =	sst s5  }
0xe: {  	[smem:$0x3FA6] =	sst s6  }
0xf: {  	[smem:$0x3FA7] =	sst s7  }
0x10: {  	[smem:$0x3FA8] =	sst s8  }
0x11: {  	[smem:$0x3FA9] =	sst s9;
	s0 =	simm.s32 @!p0 $0x0  }
0x12: {  	s1 =	sld [smem:$0x3F8F];
	s0 =	simm.s32 @p0 $0x1  }
0x13: {  	[smem:$0x3FAA] =	sst s0;
	s0 =	simm.s32 @!p1 $0x0  }
0x14: {  	s2 =	sld [smem:$0x3F8E];
	s0 =	simm.s32 @p1 $0x1  }
0x15: {  	[smem:$0x3FAB] =	sst s0;
	s0 =	simm.s32 @!p2 $0x0  }
0x16: {  	s3 =	sld [smem:$0x3FDB];
	s0 =	simm.s32 @p2 $0x1  }
0x17: {  	s4 =	simm.s32 $0x1BF5;
	[smem:$0x3FAD] =	sst s0  }
0x18: {  	s0 =	sld [smem:$0x3F90];
	_ =	swait.ge [sflag:s4], $0x0  }
0x19: {  	s7 =	sld [smem:$0x3F91]  }
0x1a: {  	s8 =	sadd.s32 $0xFFFFE003, lr  }
0x1b: {  	s9 =	sadd.s32 $0xFFFFFEF7, lr;
	s5 =	simm.s32 $0xFFFFFFFF;
	p2 =	slt.u32 s8, $0xFFFFF086  }
0x1c: {  	p1 =	slt.u32 s9, $0xF7A;
	s5 =	simm.s32 @!p2 $0x0  }
0x1d: {  	s5 =	simm.s32 @p1 $0x1;
	p0 =	seq.s32 s7, s2  }
0x1e: {  	s7 =	smul.u32 @!p0 $0xF7A, s2;
	p2 =	seq.s32 @!p0 s5, $0x0  }
0x1f: {  	s9 =	smul.u32 $0xF7A, s1;
	s8 =	simm.s32 @!p0 $0x1BF5;
	p2 =	por !p2, p0  }
0x20: {  	[sflag:s8] =	ssyncset.s32 @!p0 $0xFFFFF086;
	s6 =	sadd.s32 @!p0 s3, s7;
	s7 =	simm.s32 @!p0 $0x108  }
0x21: {  	s3 =	sadd.s32 s3, s9;
	s6 =	sadd.s32 @!p0 $0x88, s6;
	s7 =	simm.s32 @p2 $0x1082  }
0x22: {  	[simem:s7], [sflag:s8] =	dma.local @!p0 [hbm:s6], $0xF7A  }
0x23: {  	s9 =	sor.u32 $0xD0000000, s2;
	s6 =	simm.s32 $0x108;
	_ =	swait.ge @!p0 [sflag:s8], $0x0  }
0x24: {  	s3 =	sadd.s32 $0x88, s3;
	s6 =	simm.s32 @!p1 $0x1082;
	[sflag:s4] =	ssyncset.s32 $0xFFFFF086  }
0x25: {  	[simem:s6], [sflag:s4] =	dma.local [hbm:s3], $0xF7A  }
0x26: {  	[smem:$0x3F91] =	sst s1;
	(tag) =	ssettag s2;
	_ =	strace s9  }
0x27: {  	s1 =	sld [smem:$0x3FA1]  }
0x28: {  	s2 =	sld [smem:$0x3FA2]  }
0x29: {  	s4 =	sld [smem:$0x3FA4]  }
0x2a: {  	p0 =	seq.s32 s5, $0x0;
	s5 =	sld [smem:$0x3FA5]  }
0x2b: {  	s6 =	sld [smem:$0x3FA6]  }
0x2c: {  	s7 =	sld [smem:$0x3FA7]  }
0x2d: {  	s3 =	simm.s32 $0x108;
	s8 =	sld [smem:$0x3FA8]  }
0x2e: {  	s3 =	simm.s32 @!p0 $0x1082;
	s9 =	sld [smem:$0x3FA9]  }
0x2f: {  	lr =	sadd.s32 s0, s3;
	s0 =	sld [smem:$0x3FA0]  }
0x30: {  	s3 =	sld [smem:$0x3FA3]  }
0x31: {  	[smem:$0x3FAC] =	sst s10  }
0x32: {  	s10 =	sld [smem:$0x3FAA];
	_ =	sdelay $0x3  }
0x33: {  	p0 =	seq.s32 s10, $0x1;
	s10 =	sld [smem:$0x3FAC];
	_ =	sdelay $0x3  }
0x34: {  	[smem:$0x3FAC] =	sst s10  }
0x35: {  	s10 =	sld [smem:$0x3FAB];
	_ =	sdelay $0x3  }
0x36: {  	p1 =	seq.s32 s10, $0x1;
	s10 =	sld [smem:$0x3FAC];
	_ =	sdelay $0x3  }
0x37: {  	[smem:$0x3FAC] =	sst s10  }
0x38: {  	s10 =	sld [smem:$0x3FAD]  }
0x39: {  	_ = 	snop;
	(pc) =	sbr.ind lr, $3  }
0x3a: {  	_ = 	snop  }
0x3b: {  	_ = 	snop  }
0x3c: {  	p2 =	seq.s32 s10, $0x1;
	s10 =	sld [smem:$0x3FAC]  }
0x3d: {  	_ =	shalt  }
0x3e: {  	_ =	shalt  }
0x3f: {  	_ =	shalt  }
0x40: {  	_ =	shalt  }
0x41: {  	_ =	shalt  }
0x42: {  	_ =	shalt  }
0x43: {  	_ =	shalt  }
0x44: {  	_ =	shalt  }
0x45: {  	_ =	shalt  }
0x46: {  	_ =	shalt  }
0x47: {  	_ =	shalt  }
0x48: {  	_ =	shalt  }
0x49: {  	_ =	shalt  }
0x4a: {  	_ =	shalt  }
0x4b: {  	_ =	shalt  }
0x4c: {  	_ =	shalt  }
0x4d: {  	_ =	shalt  }
0x4e: {  	_ =	shalt  }
0x4f: {  	_ =	shalt  }
0x50: {  	_ =	shalt  }
0x51: {  	_ =	shalt  }
0x52: {  	_ =	shalt  }
0x53: {  	_ =	shalt  }
0x54: {  	_ =	shalt  }
0x55: {  	_ =	shalt  }
0x56: {  	_ =	shalt  }
0x57: {  	_ =	shalt  }
0x58: {  	_ =	shalt  }
0x59: {  	_ =	shalt  }
0x5a: {  	_ =	shalt  }
0x5b: {  	_ =	shalt  }
0x5c: {  	_ =	shalt  }
0x5d: {  	_ =	shalt  }
0x5e: {  	_ =	shalt  }
0x5f: {  	_ =	shalt  }
0x60: {  	_ =	shalt  }
0x61: {  	_ =	shalt  }
0x62: {  	_ =	shalt  }
0x63: {  	_ =	shalt  }
0x64: {  	_ =	shalt  }
0x65: {  	_ =	shalt  }
0x66: {  	_ =	shalt  }
0x67: {  	_ =	shalt  }
0x68: {  	_ =	shalt  }
0x69: {  	_ =	shalt  }
0x6a: {  	_ =	shalt  }
0x6b: {  	_ =	shalt  }
0x6c: {  	_ =	shalt  }
0x6d: {  	_ =	shalt  }
0x6e: {  	_ =	shalt  }
0x6f: {  	_ =	shalt  }
0x70: {  	_ =	shalt  }
0x71: {  	_ =	shalt  }
0x72: {  	_ =	shalt  }
0x73: {  	_ =	shalt  }
0x74: {  	_ =	shalt  }
0x75: {  	_ =	shalt  }
0x76: {  	_ =	shalt  }
0x77: {  	_ =	shalt  }
0x78: {  	_ =	shalt  }
0x79: {  	_ =	shalt  }
0x7a: {  	_ =	shalt  }
0x7b: {  	_ =	shalt  }
0x7c: {  	_ =	shalt  }
0x7d: {  	_ =	shalt  }
0x7e: {  	_ =	shalt  }
0x7f: {  	_ =	shalt  }
0x80: {  	_ =	shalt  }
0x81: {  	_ =	shalt  }
0x82: {  	_ =	shalt  }
0x83: {  	_ =	shalt  }
0x84: {  	_ =	shalt  }
0x85: {  	_ =	shalt  }
0x86: {  	_ =	shalt  }
0x87: {  	_ =	shalt  }
.Lfunc_end0:
.L_simem_size_0:
called_computation_lowered:
.L_overlay_start_0:
0x88: {  	s2 =	sld [smem:$0x3FD9]  }
0x89: {  	s3 =	sld [smem:$0x3FFE];
	_ =	sdelay $0x1  }
0x8a: {  	s1 =	srdreg.scid  }
0x8b: {  	s0 =	sand.u32 $0x1, s1  }
0x8c: {  	s17 =	sshll.u32 s0, $0xA;
	s2 =	sadd.s32 s3, s2  }
0x8d: {  	s2 =	sadd.s32 s2, s17  }
0x8e: {  	[smem:$0x3FB8] =	sst s2  }
0x8f: {  	_ = 	snop  }
0x90: {  	(tm) =	ssettm $0x1  }
0x91: {  	s18 =	sld [smem:$0x3FFB];
	_ =	sdelay $0x3  }
0x92: {  	_ =	strace s18  }
0x93: {  	s2 =	sld [smem:$0x3FFC];
	_ =	sdelay $0x3  }
0x94: {  	_ =	strace s2  }
0x95: {  	s2 =	sld [smem:$0x3FFD];
	_ =	sdelay $0x3  }
0x96: {  	_ =	strace s2  }
0x97: {  	_ =	strace $0x8FFFFFFF  }
0x98: {  	s19 =	sld [smem:$0x3FDB];
	_ =	sdelay $0x1  }
0x99: {  	s20 =	simm.s32 $_scs_section_size  }
0x9a: {  	s4 =	simm.s32 $_size__tile_overlayer_lowered;
	s5 =	simm.s32 $_tile_overlayer_lowered  }
0x9b: {  	s6 =	simm.s32 $0x1BFF;
	s21 =	sshll.u32 s5, $0x1;
	s3 =	sadd.s32 s20, s19  }
0x9c: {  	s22 =	simm.s32 $0x0;
	s4 =	sshll.u32 s4, $0x1;
	s5 =	sadd.s32 s21, s3  }
0x9d: {  	[timem:s22], [sflag:s6] =	dma.local [hbm:s5], s4  }
0x9e: {  	_ =	swait.ge [sflag:s6], s4  }
0x9f: {  	s4 =	ssub.s32 $0x0, s4;
	[sflag:s6] =	ssyncset.done $0x0  }
0xa0: {  	[sflag:s6] =	ssyncadd.s32 s4;
	_ =	sdelay $0x1  }
0xa1: {  	s23 =	simm.s32 $0x1B8B  }
0xa2: {  	_ =	swait.ge [sflag:s23], $0x1  }
0xa3: {  	[sflag:s23] =	ssyncset.done $0x0  }
0xa4: {  	[sflag:s23] =	ssyncadd.s32 $0xFFFFFFFF  }
0xa5: {  	s4 =	sld [smem:$0x0]  }
0xa6: {  	s5 =	sand.u32 $0xFFFFFFFE, s1  }
0xa7: {  	p0 =	sne.s32 s1, s5  }
0xa8: {  	s5 =	sshll.u32 @p0 s5, $0xE  }
0xa9: {  	s5 =	sadd.s32 @p0 $0x11B8D, s5;
	s6 =	sshll.u32 @p0 s4, $0x11  }
0xaa: {  	s5 =	sor.u32 @p0 s6, s5  }
0xab: {  	[sflag:s5] =	ssyncadd.remote.s32 @p0 $0x1;
	_ =	sdelay $0x1  }
0xac: {  	s5 =	simm.s32 @p0 $0x1B8D  }
0xad: {  	_ =	swait.eq @p0 [sflag:s5], $0x1  }
0xae: {  	[sflag:s5] =	ssyncadd.s32 @p0 $0xFFFFFFFF  }
0xaf: {  	s6 =	sshll.u32 @!p0 s1, $0xE  }
0xb0: {  	s6 =	sor.u32 @!p0 $0x4000, s6;
	s5 =	simm.s32 @!p0 $0x1B8D  }
0xb1: {  	s4 =	sshll.u32 @!p0 s4, $0x11;
	s6 =	sadd.s32 @!p0 $0x11B8D, s6;
	_ =	swait.eq @!p0 [sflag:s5], $0x1  }
0xb2: {  	s4 =	sor.u32 @!p0 s4, s6;
	[sflag:s5] =	ssyncadd.s32 @!p0 $0xFFFFFFFF  }
0xb3: {  	s25 =	simm.s32 $0x1B8E;
	s24 =	sld [smem:$0x3FFE];
	[sflag:s4] =	ssyncadd.remote.s32 @!p0 $0x1  }
0xb4: {  	s26 =	simm.s32 $execute0_lowered;
	[smem:$0x3FD2] =	sst s25  }
0xb5: {  	s5 =	sshll.u32 s26, $0x1;
	_ =	strace $0x80000049;
	[dreg:$0x1] =	wrdreg $0xFFFFFFFF  }
0xb6: {  	s28 =	simm.s32 $_size_execute0_lowered;
	s3 =	sadd.s32 s3, s5;
	[dreg:$0x0] =	wrdreg $0x0  }
0xb7: {  	s5 =	sshll.u32 s28, $0x1;
	[dreg:$0x2] =	wrdreg s3  }
0xb8: {  	[dreg:$0x3] =	wrdreg s5  }
0xb9: {  	[dreg:$0x4] =	wrdreg $0xC0  }
0xba: {  	_ =	task [dreg:s22], $0x5FFFF  }
0xbb: {  	[dreg:$0x1] =	wrdreg $0xFFFFFFFF  }
0xbc: {  	[dreg:$0x0] =	wrdreg $0x60  }
0xbd: {  	[dreg:$0x2] =	wrdreg s24  }
0xbe: {  	[dreg:$0x3] =	wrdreg $0x81000  }
0xbf: {  	[dreg:$0x4] =	wrdreg $0x9  }
0xc0: {  	_ =	task.clear_ibuf [dreg:s22], $0x5FFFF;
	_ =	strace $0x90000049  }
0xc1: {  	s29 =	simm.s32 $0x9;
	_ =	strace $0x8000004B  }
0xc2: {  	_ =	swait.ge [sflag:s29], $0x1  }
0xc3: {  	[sflag:s29] =	ssyncadd.s32 $0xFFFFFFFF  }
0xc4: {  	_ =	strace $0x9000004B  }
0xc5: {  	_ =	sfence  }
0xc6: {  	s30 =	sld [smem:$0x0];
	_ =	sdelay $0x2  }
0xc7: {  	s31 =	sshll.u32 s1, $0xD;
	s1 =	sshrl.u32 s1, $0x2  }
0xc8: {  	s4 =	sand.u32 $0x4000, s31;
	s1 =	sadd.s32 s1, s30  }
0xc9: {  	s0 =	sor.u32 s4, s0;
	s1 =	sshll.u32 s1, $0x11  }
0xca: {  	s0 =	sor.u32 s1, s0  }
0xcb: {  	s0 =	sadd.s32 $0x8F2B, s0  }
0xcc: {  	[sflag:s0] =	ssyncadd.remote.s32 $0x1  }
0xcd: {  	_ =	sfence.sel $0xFFFF  }
0xce: {  	[dreg:$0x0] =	wrdreg $0xFFFFFFFF;
	(pc) =	sbr.abs _section_cstart, $3  }
0xcf: {  	[dreg:$0x1] =	wrdreg $0xFFFFFFFF  }
0xd0: {  	_ =	task.clear_ibuf [dreg:s22], $0x2FFFF;
	_ =	strace $0x9FFFFFFF  }
0xd1: {  	(tm) =	ssettm $0x7FFFFFFF  }
tec
execute0_lowered:
.L_overlay_start_1:
0x0: {  	(tag) =	ssettag $0x1  }
0x1: {  	s4 =	rddreg [dreg:$0x0]  }
0x2: {  	s2 =	rddreg [dreg:$0x1]  }
0x3: {  	s0 =	rddreg [dreg:$0x2]  }
0x4: {  	s5 =	srdreg.scid;
	s1 =	stileid.u32  }
0x5: {  	s3 =	simm.s32 $0x0;
	s16 =	simm.s32 $0x100;
	s17 =	simm.s32 $0x3  }
0x6: {  	s18 =	simm.s32 $0x80;
	s19 =	simm.s32 $0x1;
	s6 =	smul.u32 $0x2800, s1  }
0x7: {  	s20 =	simm.s32 $0x4100;
	s21 =	simm.s32 $0x2;
	s28 =	smul.u32 $0x50000, s1  }
0x8: {  	s22 =	simm.s32 $0x0;
	s5 =	sand.u32 $0x1, s5;
	s13 =	smul.u32 $0x50, s1  }
0x9: {  	[smem:$0x7FF] =	sst s3;
	s14 =	sadd.s32 $0x35400, s4;
	s7 =	smul.u32 $0x28000, s5  }
0xa: {  	_ =	strace $0x8000004A;
	s8 =	sshll.u32 s5, $0x4;
	s29 =	ssub.s32 $0x2, s5  }
0xb: {  	s11 =	smul.u32 $0x500, s5;
	s26 =	sor.u32 s1, s8;
	s30 =	sshrl.u32 s29, $0x1  }
0xc: {  	s31 =	sshrl.u32 s28, $0x2;
	s6 =	sadd.s32 s6, s7;
	s9 =	smul.u32 $0x500, s26  }
0xd: {  	s12 =	ssub.s32 s29, s30;
	s13 =	sadd.s32 s13, s11;
	s10 =	sadd.s32 s6, s4  }
.Ltmp0:
0xe: {  	s4 =	sadd.s32 s31, s2;
	s11 =	smax.u32 s12, $0x1;
	(pc) =	sbr.rel .LBB2_1-.Ltmp0, $4  }
0xf: {  	s15 =	sshll.u32 s13, $0x4;
	s5 =	sadd.s32 $0x4000, s4;
	s6 =	sadd.s32 $0x8000, s4  }
0x10: {  	s7 =	sadd.s32 $0xC000, s4;
	s8 =	sadd.s32 $0x10000, s4;
	s9 =	sadd.s32 s14, s9  }
0x11: {  	s10 =	sadd.s32 $0x8F400, s10;
	s15 =	sadd.s32 s15, s14;
	s12 =	sadd.s32 $0x10, s9  }
0x12: {  	v0 =	vimm.f32 $0.0e+00;
	v1 =	vimm.f32 $1.000000000e+00;
	s13 =	sadd.s32 $0x20, s9;
	s14 =	sadd.s32 $0x40, s15;
	s15 =	sadd.s32 $0x30, s15  }
.LBB2_8:
0x13: {  	[spmem:s2] =	stream.indirect.scatter.add.f32 [tilespmem:s20], [sflag:$0x2], $0x80, s18, s18, $0xb8;
	[tilespmem:$0x1C100] =	vst v63  }
0x14: {  	_ =	swait.ge [sflag:s19], $0x4000  }
0x15: {  	[sflag:s19] =	ssyncset.done $0x0  }
0x16: {  	[sflag:s19] =	ssyncadd.s32 $0xFFFFC000  }
0x17: {  	_ =	swait.ge [sflag:s21], $0x4000  }
0x18: {  	s23 =	sshll.u32 s1, $0x6;
	s22 =	sadd.s32 $0x1, s22;
	[sflag:s21] =	ssyncset.done $0x0  }
0x19: {  	s24 =	sshrl.u32 s4, $0x3;
	p0 =	sne.s32 s22, s11;
	[sflag:s21] =	ssyncadd.s32 $0xFFFFC000  }
.Ltmp1:
0x1a: {  	s23 =	sor.u32 $0x1C03, s23;
	[bflag:$0x0] =	sbarrier.arrive $0xFFFF;
	(pc) =	sbr.rel @!p0 .LBB2_9-.Ltmp1, $4  }
0x1b: {  	[hbm:s10], [sflag:s23] =	dma.local [spmem:s24], $0x2800  }
0x1c: {  	_ =	swait.ge [sflag:s17], $0x2800  }
0x1d: {  	[sflag:s17] =	ssyncset.done $0x0  }
0x1e: {  	[sflag:s17] =	ssyncadd.s32 $0xFFFFD800  }
.LBB2_1:
0x1f: {  	s23 =	simm.s32 $0x0;
	s24 =	simm.s32 $0x200  }
.LBB2_2:
0x20: {  	p0 =	sne.s32 s24, $0xFE00;
	[tilespmem:s23+$0x170] =	vst v0  }
0x21: {  	[tilespmem:s23+$0x100] =	vst v0  }
0x22: {  	[tilespmem:s23+$0x110] =	vst v0  }
.Ltmp2:
0x23: {  	[tilespmem:s23+$0x120] =	vst v0;
	(pc) =	sbr.rel @p0 .LBB2_2-.Ltmp2, $4  }
0x24: {  	[tilespmem:s23+$0x130] =	vst v0  }
0x25: {  	[tilespmem:s23+$0x140] =	vst v0  }
0x26: {  	[tilespmem:s23+$0x150] =	vst v0  }
0x27: {  	[tilespmem:s23+$0x160] =	vst v0;
	s23 =	sshra.s32 s24, $0x2;
	s24 =	sadd.s32 $0x200, s24  }
0x28: {  	[tilespmem:s23+$0x170] =	vst v0  }
0x29: {  	[tilespmem:s23+$0x100] =	vst v0  }
0x2a: {  	[tilespmem:s23+$0x110] =	vst v0  }
0x2b: {  	[tilespmem:s23+$0x120] =	vst v0  }
0x2c: {  	[tilespmem:s23+$0x130] =	vst v0  }
0x2d: {  	[tilespmem:s23+$0x140] =	vst v0  }
0x2e: {  	[tilespmem:s23+$0x150] =	vst v0  }
0x2f: {  	[tilespmem:s23+$0x160] =	vst v0  }
0x30: {  	[spmem:s4] =	stream.linear.scatter [tilespmem:s16], [sflag:$0x3], $0x4000, $0x38;
	[tilespmem:$0x1C100] =	vst v63  }
0x31: {  	_ =	swait.ge [sflag:s17], $0x4000  }
0x32: {  	[sflag:s17] =	ssyncset.done $0x0  }
0x33: {  	[sflag:s17] =	ssyncadd.s32 $0xFFFFC000  }
0x34: {  	[spmem:s5] =	stream.linear.scatter [tilespmem:s16], [sflag:$0x3], $0x4000, $0x38;
	[tilespmem:$0x1C100] =	vst v63  }
0x35: {  	_ =	swait.ge [sflag:s17], $0x4000  }
0x36: {  	[sflag:s17] =	ssyncset.done $0x0  }
0x37: {  	[sflag:s17] =	ssyncadd.s32 $0xFFFFC000  }
0x38: {  	[spmem:s6] =	stream.linear.scatter [tilespmem:s16], [sflag:$0x3], $0x4000, $0x38;
	[tilespmem:$0x1C100] =	vst v63  }
0x39: {  	_ =	swait.ge [sflag:s17], $0x4000  }
0x3a: {  	[sflag:s17] =	ssyncset.done $0x0  }
0x3b: {  	[sflag:s17] =	ssyncadd.s32 $0xFFFFC000  }
0x3c: {  	[spmem:s7] =	stream.linear.scatter [tilespmem:s16], [sflag:$0x3], $0x4000, $0x38;
	[tilespmem:$0x1C100] =	vst v63  }
0x3d: {  	_ =	swait.ge [sflag:s17], $0x4000  }
0x3e: {  	[sflag:s17] =	ssyncset.done $0x0  }
0x3f: {  	[sflag:s17] =	ssyncadd.s32 $0xFFFFC000  }
0x40: {  	[spmem:s8] =	stream.linear.scatter [tilespmem:s16], [sflag:$0x3], $0x4000, $0x38;
	[tilespmem:$0x1C100] =	vst v63  }
0x41: {  	_ =	swait.ge [sflag:s17], $0x4000  }
0x42: {  	[sflag:s17] =	ssyncset.done $0x0  }
0x43: {  	s23 =	simm.s32 $0x0;
	s24 =	simm.s32 $0x200;
	[sflag:s17] =	ssyncadd.s32 $0xFFFFC000  }
.LBB2_4:
0x44: {  	p0 =	sne.s32 s24, $0xFE00;
	[tilespmem:s23+$0x4170] =	vst v1  }
0x45: {  	[tilespmem:s23+$0x100] =	vst v1  }
0x46: {  	[tilespmem:s23+$0x4100] =	vst v1  }
0x47: {  	[tilespmem:s23+$0x110] =	vst v1  }
0x48: {  	[tilespmem:s23+$0x4110] =	vst v1  }
0x49: {  	[tilespmem:s23+$0x120] =	vst v1  }
0x4a: {  	[tilespmem:s23+$0x4120] =	vst v1  }
0x4b: {  	[tilespmem:s23+$0x130] =	vst v1  }
0x4c: {  	[tilespmem:s23+$0x4130] =	vst v1  }
0x4d: {  	[tilespmem:s23+$0x140] =	vst v1  }
0x4e: {  	[tilespmem:s23+$0x4140] =	vst v1  }
.Ltmp3:
0x4f: {  	[tilespmem:s23+$0x150] =	vst v1;
	(pc) =	sbr.rel @p0 .LBB2_4-.Ltmp3, $4  }
0x50: {  	[tilespmem:s23+$0x4150] =	vst v1  }
0x51: {  	[tilespmem:s23+$0x160] =	vst v1  }
0x52: {  	[tilespmem:s23+$0x4160] =	vst v1  }
0x53: {  	[tilespmem:s23+$0x170] =	vst v1;
	s23 =	sshra.s32 s24, $0x2;
	s24 =	sadd.s32 $0x200, s24  }
0x54: {  	[tilespmem:s23+$0x4170] =	vst v1  }
0x55: {  	[tilespmem:s23+$0x100] =	vst v1  }
0x56: {  	[tilespmem:s23+$0x4100] =	vst v1  }
0x57: {  	[tilespmem:s23+$0x110] =	vst v1  }
0x58: {  	[tilespmem:s23+$0x4110] =	vst v1  }
0x59: {  	[tilespmem:s23+$0x120] =	vst v1  }
0x5a: {  	[tilespmem:s23+$0x4120] =	vst v1  }
0x5b: {  	[tilespmem:s23+$0x130] =	vst v1  }
0x5c: {  	[tilespmem:s23+$0x4130] =	vst v1  }
0x5d: {  	[tilespmem:s23+$0x140] =	vst v1  }
0x5e: {  	[tilespmem:s23+$0x4140] =	vst v1  }
0x5f: {  	[tilespmem:s23+$0x150] =	vst v1  }
0x60: {  	[tilespmem:s23+$0x4150] =	vst v1  }
0x61: {  	[tilespmem:s23+$0x160] =	vst v1  }
0x62: {  	[tilespmem:s23+$0x4160] =	vst v1  }
0x63: {  	[tilespmem:s23+$0x170] =	vst v1  }
0x64: {  	s23 =	simm.s32 $0x0;
	[bflag:$0x0] =	sbarrier.arrive $0xFFFF  }
0x65: {  	[tilespmem:s23], [sflag:$0x3] =	stream.linear.gather [hbm4b:s9+s23], $0x80, $0x38;
	[tilespmem:$0x1C100] =	vst v63  }
0x66: {  	_ =	swait.ge [sflag:s17], $0x80  }
0x67: {  	[sflag:s17] =	ssyncset.done $0x0  }
0x68: {  	[sflag:s17] =	ssyncadd.s32 $0xFFFFFF80  }
0x69: {  	[tilespmem:s18], [sflag:$0x3] =	stream.linear.gather [hbm4b:s12+s23], $0x80, $0x38;
	[tilespmem:$0x1C100] =	vst v63  }
0x6a: {  	_ =	swait.ge [sflag:s17], $0x80  }
0x6b: {  	[sflag:s17] =	ssyncset.done $0x0  }
0x6c: {  	[sflag:s17] =	ssyncadd.s32 $0xFFFFFF80  }
0x6d: {  	[spmem:s2] =	stream.indirect.scatter.add.f32 [tilespmem:s16], [sflag:$0x1], $0x80, s23, s18, $0xb8;
	[tilespmem:$0x1C100] =	vst v63  }
0x6e: {  	_ =	swait.ge [sflag:s19], $0x4000  }
0x6f: {  	[sflag:s19] =	ssyncset.done $0x0  }
0x70: {  	[sflag:s19] =	ssyncadd.s32 $0xFFFFC000  }
0x71: {  	[tilespmem:s23], [sflag:$0x3] =	stream.linear.gather [hbm4b:s13+s23], $0x80, $0x38;
	[tilespmem:$0x1C100] =	vst v63  }
0x72: {  	_ =	swait.ge [sflag:s17], $0x80  }
0x73: {  	[sflag:s17] =	ssyncset.done $0x0  }
0x74: {  	[sflag:s17] =	ssyncadd.s32 $0xFFFFFF80  }
0x75: {  	[spmem:s2] =	stream.indirect.scatter.add.f32 [tilespmem:s20], [sflag:$0x2], $0x80, s18, s18, $0xb8;
	[tilespmem:$0x1C100] =	vst v63  }
.LBB2_6:
0x76: {  	_ =	swait.ge [sflag:s21], $0x4000  }
0x77: {  	[sflag:s21] =	ssyncset.done $0x0  }
0x78: {  	s24 =	sadd.s32 s23, s15;
	p0 =	seq.s32 s23, $0x4C0;
	[sflag:s21] =	ssyncadd.s32 $0xFFFFC000  }
0x79: {  	[tilespmem:s18], [sflag:$0x3] =	stream.linear.gather [hbm4b:s24+s3], $0x80, $0x38;
	[tilespmem:$0x1C100] =	vst v63  }
.Ltmp4:
0x7a: {  	_ = 	snop;
	(pc) =	sbr.rel @p0 .LBB2_8-.Ltmp4, $4  }
0x7b: {  	_ =	swait.ge [sflag:s17], $0x80  }
0x7c: {  	[sflag:s17] =	ssyncset.done $0x0  }
0x7d: {  	[sflag:s17] =	ssyncadd.s32 $0xFFFFFF80  }
0x7e: {  	[spmem:s2] =	stream.indirect.scatter.add.f32 [tilespmem:s16], [sflag:$0x1], $0x80, s3, s18, $0xb8;
	[tilespmem:$0x1C100] =	vst v63  }
0x7f: {  	_ =	swait.ge [sflag:s19], $0x4000  }
0x80: {  	[sflag:s19] =	ssyncset.done $0x0  }
0x81: {  	s24 =	sadd.s32 s23, s14;
	[sflag:s19] =	ssyncadd.s32 $0xFFFFC000  }
0x82: {  	[tilespmem:s3], [sflag:$0x3] =	stream.linear.gather [hbm4b:s24+s3], $0x80, $0x38;
	[tilespmem:$0x1C100] =	vst v63  }
.Ltmp5:
0x83: {  	_ = 	snop;
	(pc) =	sbr.rel .LBB2_6-.Ltmp5, $4  }
0x84: {  	_ =	swait.ge [sflag:s17], $0x80  }
0x85: {  	[sflag:s17] =	ssyncset.done $0x0  }
0x86: {  	s23 =	sadd.s32 $0x20, s23;
	[sflag:s17] =	ssyncadd.s32 $0xFFFFFF80  }
0x87: {  	[spmem:s2] =	stream.indirect.scatter.add.f32 [tilespmem:s20], [sflag:$0x2], $0x80, s18, s18, $0xb8;
	[tilespmem:$0x1C100] =	vst v63  }
.LBB2_9:
0x88: {  	_ =	sfence.sel $0x180000  }
0x89: {  	[bflag:$0x0] =	sbarrier.arrive $0xFFFF  }
0x8a: {  	p0 =	sne.s32 s1, $0x0;
	_ =	strace $0x9000004A  }
0x8b: {  	s0 =	sadd.s32 @!p0 $0x100000, s0;
	[bflag:$0x2] =	sbarrier.arrive $0xFFFF  }
0x8c: {  	[sflag:s0] =	ssyncadd.tile.s32 @!p0 $0x1;
	_ =	shalt  }
.Lfunc_end2:
_tile_overlayer_lowered:
.L_overlay_start_2:
0x8d: {  	(tag) =	ssettag $0x2  }
0x8e: {  	s0 =	rddreg [dreg:$0x0];
	s2 =	stileid.u32  }
0x8f: {  	s1 =	rddreg [dreg:$0x1];
	p0 =	sne.s32 s2, $0x0  }
0x90: {  	s3 =	rddreg [dreg:$0x2];
	[bflag:$0x3] =	sbarrier.arrive $0xFFFF;
	s2 =	simm.s32 @!p0 $0x1C03  }
0x91: {  	[timem:s3], [sflag:s2] =	dma.local @!p0 [hbm:s0], s1  }
0x92: {  	s0 =	simm.s32 @!p0 $0x3  }
0x93: {  	_ =	swait.ge @!p0 [sflag:s0], s1  }
0x94: {  	s1 =	ssub.s32 @!p0 $0x0, s1;
	[sflag:s0] =	ssyncset.done @!p0 $0x0  }
0x95: {  	[sflag:s0] =	ssyncadd.s32 @!p0 s1  }
0x96: {  	[bflag:$0x3] =	sbarrier.arrive $0xFFFF  }
0x97: {  	_ =	shalt  }

// kernel: kernel.13.cloned.1.call-start
scs
__scs_entry_jumppad:
0x0: {  	(pc) =	sbr.rel $0x88, $3  }
0x1: {  	(tag) =	ssettag $0x0;
	lr =	simm.s32 $0x1  }
0x2: {  	[smem:$0x3F91] =	sst lr;
	_ =	strace $0xD0000000  }
0x3: {  	_ = 	snop  }
0x4: {  	_ = 	snop  }
0x5: {  	_ = 	snop  }
0x6: {  	_ = 	snop  }
0x7: {  	_ = 	snop  }
__scs_overlays_trampoline_lowered:
0x8: {  	[smem:$0x3FA0] =	sst s0  }
0x9: {  	[smem:$0x3FA1] =	sst s1  }
0xa: {  	[smem:$0x3FA2] =	sst s2  }
0xb: {  	[smem:$0x3FA3] =	sst s3  }
0xc: {  	[smem:$0x3FA4] =	sst s4  }
0xd: {  	[smem:$0x3FA5] =	sst s5  }
0xe: {  	[smem:$0x3FA6] =	sst s6  }
0xf: {  	[smem:$0x3FA7] =	sst s7  }
0x10: {  	[smem:$0x3FA8] =	sst s8  }
0x11: {  	[smem:$0x3FA9] =	sst s9;
	s0 =	simm.s32 @!p0 $0x0  }
0x12: {  	s1 =	sld [smem:$0x3F8F];
	s0 =	simm.s32 @p0 $0x1  }
0x13: {  	[smem:$0x3FAA] =	sst s0;
	s0 =	simm.s32 @!p1 $0x0  }
0x14: {  	s2 =	sld [smem:$0x3F8E];
	s0 =	simm.s32 @p1 $0x1  }
0x15: {  	[smem:$0x3FAB] =	sst s0;
	s0 =	simm.s32 @!p2 $0x0  }
0x16: {  	s3 =	sld [smem:$0x3FDB];
	s0 =	simm.s32 @p2 $0x1  }
0x17: {  	s4 =	simm.s32 $0x1BF5;
	[smem:$0x3FAD] =	sst s0  }
0x18: {  	s0 =	sld [smem:$0x3F90];
	_ =	swait.ge [sflag:s4], $0x0  }
0x19: {  	s7 =	sld [smem:$0x3F91]  }
0x1a: {  	s8 =	sadd.s32 $0xFFFFE003, lr  }
0x1b: {  	s9 =	sadd.s32 $0xFFFFFEF7, lr;
	s5 =	simm.s32 $0xFFFFFFFF;
	p2 =	slt.u32 s8, $0xFFFFF086  }
0x1c: {  	p1 =	slt.u32 s9, $0xF7A;
	s5 =	simm.s32 @!p2 $0x0  }
0x1d: {  	s5 =	simm.s32 @p1 $0x1;
	p0 =	seq.s32 s7, s2  }
0x1e: {  	s7 =	smul.u32 @!p0 $0xF7A, s2;
	p2 =	seq.s32 @!p0 s5, $0x0  }
0x1f: {  	s9 =	smul.u32 $0xF7A, s1;
	s8 =	simm.s32 @!p0 $0x1BF5;
	p2 =	por !p2, p0  }
0x20: {  	[sflag:s8] =	ssyncset.s32 @!p0 $0xFFFFF086;
	s6 =	sadd.s32 @!p0 s3, s7;
	s7 =	simm.s32 @!p0 $0x108  }
0x21: {  	s3 =	sadd.s32 s3, s9;
	s6 =	sadd.s32 @!p0 $0x88, s6;
	s7 =	simm.s32 @p2 $0x1082  }
0x22: {  	[simem:s7], [sflag:s8] =	dma.local @!p0 [hbm:s6], $0xF7A  }
0x23: {  	s9 =	sor.u32 $0xD0000000, s2;
	s6 =	simm.s32 $0x108;
	_ =	swait.ge @!p0 [sflag:s8], $0x0  }
0x24: {  	s3 =	sadd.s32 $0x88, s3;
	s6 =	simm.s32 @!p1 $0x1082;
	[sflag:s4] =	ssyncset.s32 $0xFFFFF086  }
0x25: {  	[simem:s6], [sflag:s4] =	dma.local [hbm:s3], $0xF7A  }
0x26: {  	[smem:$0x3F91] =	sst s1;
	(tag) =	ssettag s2;
	_ =	strace s9  }
0x27: {  	s1 =	sld [smem:$0x3FA1]  }
0x28: {  	s2 =	sld [smem:$0x3FA2]  }
0x29: {  	s4 =	sld [smem:$0x3FA4]  }
0x2a: {  	p0 =	seq.s32 s5, $0x0;
	s5 =	sld [smem:$0x3FA5]  }
0x2b: {  	s6 =	sld [smem:$0x3FA6]  }
0x2c: {  	s7 =	sld [smem:$0x3FA7]  }
0x2d: {  	s3 =	simm.s32 $0x108;
	s8 =	sld [smem:$0x3FA8]  }
0x2e: {  	s3 =	simm.s32 @!p0 $0x1082;
	s9 =	sld [smem:$0x3FA9]  }
0x2f: {  	lr =	sadd.s32 s0, s3;
	s0 =	sld [smem:$0x3FA0]  }
0x30: {  	s3 =	sld [smem:$0x3FA3]  }
0x31: {  	[smem:$0x3FAC] =	sst s10  }
0x32: {  	s10 =	sld [smem:$0x3FAA];
	_ =	sdelay $0x3  }
0x33: {  	p0 =	seq.s32 s10, $0x1;
	s10 =	sld [smem:$0x3FAC];
	_ =	sdelay $0x3  }
0x34: {  	[smem:$0x3FAC] =	sst s10  }
0x35: {  	s10 =	sld [smem:$0x3FAB];
	_ =	sdelay $0x3  }
0x36: {  	p1 =	seq.s32 s10, $0x1;
	s10 =	sld [smem:$0x3FAC];
	_ =	sdelay $0x3  }
0x37: {  	[smem:$0x3FAC] =	sst s10  }
0x38: {  	s10 =	sld [smem:$0x3FAD]  }
0x39: {  	_ = 	snop;
	(pc) =	sbr.ind lr, $3  }
0x3a: {  	_ = 	snop  }
0x3b: {  	_ = 	snop  }
0x3c: {  	p2 =	seq.s32 s10, $0x1;
	s10 =	sld [smem:$0x3FAC]  }
0x3d: {  	_ =	shalt  }
0x3e: {  	_ =	shalt  }
0x3f: {  	_ =	shalt  }
0x40: {  	_ =	shalt  }
0x41: {  	_ =	shalt  }
0x42: {  	_ =	shalt  }
0x43: {  	_ =	shalt  }
0x44: {  	_ =	shalt  }
0x45: {  	_ =	shalt  }
0x46: {  	_ =	shalt  }
0x47: {  	_ =	shalt  }
0x48: {  	_ =	shalt  }
0x49: {  	_ =	shalt  }
0x4a: {  	_ =	shalt  }
0x4b: {  	_ =	shalt  }
0x4c: {  	_ =	shalt  }
0x4d: {  	_ =	shalt  }
0x4e: {  	_ =	shalt  }
0x4f: {  	_ =	shalt  }
0x50: {  	_ =	shalt  }
0x51: {  	_ =	shalt  }
0x52: {  	_ =	shalt  }
0x53: {  	_ =	shalt  }
0x54: {  	_ =	shalt  }
0x55: {  	_ =	shalt  }
0x56: {  	_ =	shalt  }
0x57: {  	_ =	shalt  }
0x58: {  	_ =	shalt  }
0x59: {  	_ =	shalt  }
0x5a: {  	_ =	shalt  }
0x5b: {  	_ =	shalt  }
0x5c: {  	_ =	shalt  }
0x5d: {  	_ =	shalt  }
0x5e: {  	_ =	shalt  }
0x5f: {  	_ =	shalt  }
0x60: {  	_ =	shalt  }
0x61: {  	_ =	shalt  }
0x62: {  	_ =	shalt  }
0x63: {  	_ =	shalt  }
0x64: {  	_ =	shalt  }
0x65: {  	_ =	shalt  }
0x66: {  	_ =	shalt  }
0x67: {  	_ =	shalt  }
0x68: {  	_ =	shalt  }
0x69: {  	_ =	shalt  }
0x6a: {  	_ =	shalt  }
0x6b: {  	_ =	shalt  }
0x6c: {  	_ =	shalt  }
0x6d: {  	_ =	shalt  }
0x6e: {  	_ =	shalt  }
0x6f: {  	_ =	shalt  }
0x70: {  	_ =	shalt  }
0x71: {  	_ =	shalt  }
0x72: {  	_ =	shalt  }
0x73: {  	_ =	shalt  }
0x74: {  	_ =	shalt  }
0x75: {  	_ =	shalt  }
0x76: {  	_ =	shalt  }
0x77: {  	_ =	shalt  }
0x78: {  	_ =	shalt  }
0x79: {  	_ =	shalt  }
0x7a: {  	_ =	shalt  }
0x7b: {  	_ =	shalt  }
0x7c: {  	_ =	shalt  }
0x7d: {  	_ =	shalt  }
0x7e: {  	_ =	shalt  }
0x7f: {  	_ =	shalt  }
0x80: {  	_ =	shalt  }
0x81: {  	_ =	shalt  }
0x82: {  	_ =	shalt  }
0x83: {  	_ =	shalt  }
0x84: {  	_ =	shalt  }
0x85: {  	_ =	shalt  }
0x86: {  	_ =	shalt  }
0x87: {  	_ =	shalt  }
.Lfunc_end0:
.L_simem_size_0:
called_computation.1_lowered:
.L_overlay_start_0:
0x88: {  	s2 =	sld [smem:$0x3FD9]  }
0x89: {  	s3 =	sld [smem:$0x3FFE];
	_ =	sdelay $0x1  }
0x8a: {  	s1 =	srdreg.scid  }
0x8b: {  	s0 =	sand.u32 $0x1, s1  }
0x8c: {  	s16 =	sshll.u32 s0, $0xA;
	s2 =	sadd.s32 s3, s2  }
0x8d: {  	s2 =	sadd.s32 s2, s16  }
0x8e: {  	[smem:$0x3FB8] =	sst s2  }
0x8f: {  	_ = 	snop  }
0x90: {  	(tm) =	ssettm $0x1  }
0x91: {  	s17 =	sld [smem:$0x3FFB];
	_ =	sdelay $0x3  }
0x92: {  	_ =	strace s17  }
0x93: {  	s2 =	sld [smem:$0x3FFC];
	_ =	sdelay $0x3  }
0x94: {  	_ =	strace s2  }
0x95: {  	s2 =	sld [smem:$0x3FFD];
	_ =	sdelay $0x3  }
0x96: {  	_ =	strace s2  }
0x97: {  	_ =	strace $0x8FFFFFFF  }
0x98: {  	s18 =	sld [smem:$0x3FDB];
	_ =	sdelay $0x1  }
0x99: {  	s19 =	simm.s32 $_scs_section_size  }
0x9a: {  	s4 =	simm.s32 $_size__tile_overlayer_lowered;
	s5 =	simm.s32 $_tile_overlayer_lowered  }
0x9b: {  	s22 =	simm.s32 $0x1BFF;
	s21 =	sshll.u32 s5, $0x1;
	s2 =	sadd.s32 s19, s18  }
0x9c: {  	s6 =	simm.s32 $0x0;
	s20 =	sshll.u32 s4, $0x1;
	s4 =	sadd.s32 s21, s2  }
0x9d: {  	[timem:s6], [sflag:s22] =	dma.local [hbm:s4], s20  }
0x9e: {  	_ =	swait.ge [sflag:s22], s20  }
0x9f: {  	s3 =	ssub.s32 $0x0, s20;
	[sflag:s22] =	ssyncset.done $0x0  }
0xa0: {  	[sflag:s22] =	ssyncadd.s32 s3;
	_ =	sdelay $0x1  }
0xa1: {  	s23 =	simm.s32 $0x1B8B  }
0xa2: {  	_ =	swait.ge [sflag:s23], $0x1  }
0xa3: {  	[sflag:s23] =	ssyncset.done $0x0  }
0xa4: {  	s25 =	simm.s32 $0x1B8E;
	s24 =	sld [smem:$0x3FFE];
	[sflag:s23] =	ssyncadd.s32 $0xFFFFFFFF  }
0xa5: {  	s26 =	simm.s32 $execute0_lowered;
	[smem:$0x3FD2] =	sst s25  }
0xa6: {  	s4 =	sshll.u32 s26, $0x1;
	_ =	strace $0x80000046;
	[dreg:$0x1] =	wrdreg $0xFFFFFFFF  }
0xa7: {  	s28 =	simm.s32 $_size_execute0_lowered;
	s2 =	sadd.s32 s2, s4;
	[dreg:$0x0] =	wrdreg $0x0  }
0xa8: {  	s4 =	sshll.u32 s28, $0x1;
	[dreg:$0x2] =	wrdreg s2  }
0xa9: {  	[dreg:$0x3] =	wrdreg s4  }
0xaa: {  	[dreg:$0x4] =	wrdreg $0xC0  }
0xab: {  	_ =	task [dreg:s6], $0x5FFFF  }
0xac: {  	[dreg:$0x1] =	wrdreg $0xFFFFFFFF  }
0xad: {  	[dreg:$0x0] =	wrdreg $0x60  }
0xae: {  	[dreg:$0x2] =	wrdreg s24  }
0xaf: {  	[dreg:$0x3] =	wrdreg $0x82000  }
0xb0: {  	[dreg:$0x4] =	wrdreg $0xA  }
0xb1: {  	_ =	task.clear_ibuf [dreg:s6], $0x5FFFF;
	_ =	strace $0x90000046  }
0xb2: {  	s29 =	simm.s32 $0xA;
	_ =	strace $0x80000048  }
0xb3: {  	_ =	swait.ge [sflag:s29], $0x1  }
0xb4: {  	[sflag:s29] =	ssyncadd.s32 $0xFFFFFFFF  }
0xb5: {  	_ =	strace $0x90000048  }
0xb6: {  	_ =	sfence  }
0xb7: {  	s30 =	sld [smem:$0x0];
	_ =	sdelay $0x2  }
0xb8: {  	s31 =	sshll.u32 s1, $0xD;
	s1 =	sshrl.u32 s1, $0x2  }
0xb9: {  	s3 =	sand.u32 $0x4000, s31;
	s1 =	sadd.s32 s1, s30  }
0xba: {  	s0 =	sor.u32 s3, s0;
	s1 =	sshll.u32 s1, $0x11  }
0xbb: {  	s0 =	sor.u32 s1, s0  }
0xbc: {  	s0 =	sadd.s32 $0x8F2B, s0  }
0xbd: {  	[sflag:s0] =	ssyncadd.remote.s32 $0x1  }
0xbe: {  	_ =	sfence.sel $0xFFFF  }
0xbf: {  	[dreg:$0x0] =	wrdreg $0xFFFFFFFF;
	(pc) =	sbr.abs _section_cstart, $3  }
0xc0: {  	[dreg:$0x1] =	wrdreg $0xFFFFFFFF  }
0xc1: {  	_ =	task.clear_ibuf [dreg:s6], $0x2FFFF;
	_ =	strace $0x9FFFFFFF  }
0xc2: {  	(tm) =	ssettm $0x7FFFFFFF  }
0xc3: {  	_ =	shalt  }
tec
execute0_lowered:
.L_overlay_start_1:
0x0: {  	(tag) =	ssettag $0x1  }
0x1: {  	s0 =	rddreg [dreg:$0x0]  }
0x2: {  	s2 =	rddreg [dreg:$0x1];
	s3 =	simm.s32 $0x0  }
0x3: {  	s1 =	srdreg.scid;
	s18 =	stileid.u32;
	s28 =	simm.s32 $0x4200  }
0x4: {  	s29 =	simm.s32 $0x1;
	s30 =	simm.s32 $0x3;
	s5 =	smul.u32 $0x2800, s18  }
0x5: {  	s31 =	simm.s32 $0x2;
	[smem:$0x7FF] =	sst s3;
	s8 =	smul.u32 $0x50000, s18  }
0x6: {  	s1 =	sand.u32 $0x1, s1;
	s4 =	sadd.s32 $0x3400, s0;
	s11 =	smul.u32 $0x50, s18  }
0x7: {  	s7 =	sadd.s32 $0x2B400, s0;
	s21 =	sadd.s32 $0x35400, s0;
	s6 =	smul.u32 $0x28000, s1  }
0x8: {  	_ =	strace $0x80000047;
	s16 =	ssub.s32 $0x2, s1;
	s9 =	smul.u32 $0x500, s1  }
0x9: {  	s1 =	smul.u32 $0x5000, s1;
	s10 =	sshrl.u32 s16, $0x1;
	s8 =	sshrl.u32 s8, $0x2  }
0xa: {  	s5 =	sadd.s32 s5, s6;
	s6 =	ssub.s32 s16, s10;
	s19 =	sadd.s32 s11, s9  }
0xb: {  	s25 =	sadd.s32 s1, s7;
	s0 =	sadd.s32 s5, s0;
	s5 =	sadd.s32 s8, s2  }
0xc: {  	s26 =	sadd.s32 s1, s21;
	s1 =	simm.s32 $0x0;
	s8 =	sadd.s32 $0x4000, s5  }
0xd: {  	s13 =	smax.u32 s6, $0x1;
	s17 =	sadd.s32 $0x8000, s5;
	[dreg:$0x3] =	wrdreg s8  }
0xe: {  	s20 =	sadd.s32 $0xC000, s5;
	s22 =	sadd.s32 $0x10000, s5;
	[dreg:$0x4] =	wrdreg s17  }
0xf: {  	s12 =	sadd.s32 $0x3F400, s0;
	s0 =	simm.s32 $0x4;
	[dreg:$0x5] =	wrdreg s20  }
0x10: {  	[dreg:$0x6] =	wrdreg s22;
	s17 =	sshll.u32 s19, $0x4;
	s22 =	smul.u32 $0x500, s18  }
0x11: {  	s10 =	sadd.s32 s21, s17;
	s11 =	sadd.s32 s7, s17;
	s15 =	sor.u32 $0x10, s17  }
0x12: {  	s23 =	sor.u32 $0x20, s17;
	s24 =	sadd.s32 $0x4F0, s17;
	s14 =	sadd.s32 s21, s15  }
0x13: {  	s15 =	sadd.s32 s7, s15;
	s16 =	sadd.s32 s21, s23;
	s17 =	sadd.s32 s7, s23  }
0x14: {  	s18 =	sadd.s32 s21, s24;
	s19 =	sadd.s32 s7, s24;
	s20 =	sadd.s32 s22, s25  }
0x15: {  	s21 =	sadd.s32 s22, s26;
	s22 =	simm.s32 $0x200;
	s23 =	simm.s32 $0x5  }
0x16: {  	v0 =	vimm.f32 $0.0e+00;
	s24 =	simm.s32 $0x100;
	s25 =	simm.s32 $0x80;
	s26 =	simm.s32 $0x180  }
.LBB2_1:
0x17: {  	s6 =	simm.s32 $0x0;
	s7 =	simm.s32 $0x200  }
.LBB2_2:
0x18: {  	p0 =	sne.s32 s7, $0xFE00;
	[tilespmem:s6+$0x270] =	vst v0  }
0x19: {  	[tilespmem:s6+$0x200] =	vst v0  }
0x1a: {  	[tilespmem:s6+$0x210] =	vst v0  }
.Ltmp0:
0x1b: {  	[tilespmem:s6+$0x220] =	vst v0;
	(pc) =	sbr.rel @p0 .LBB2_2-.Ltmp0, $4  }
0x1c: {  	[tilespmem:s6+$0x230] =	vst v0  }
0x1d: {  	[tilespmem:s6+$0x240] =	vst v0  }
0x1e: {  	[tilespmem:s6+$0x250] =	vst v0  }
0x1f: {  	[tilespmem:s6+$0x260] =	vst v0;
	s6 =	sshra.s32 s7, $0x2;
	s7 =	sadd.s32 $0x200, s7  }
0x20: {  	[tilespmem:s6+$0x270] =	vst v0  }
0x21: {  	[tilespmem:s6+$0x200] =	vst v0  }
0x22: {  	[tilespmem:s6+$0x210] =	vst v0  }
0x23: {  	[tilespmem:s6+$0x220] =	vst v0  }
0x24: {  	[tilespmem:s6+$0x230] =	vst v0  }
0x25: {  	[tilespmem:s6+$0x240] =	vst v0  }
0x26: {  	[tilespmem:s6+$0x250] =	vst v0  }
0x27: {  	[tilespmem:s6+$0x260] =	vst v0  }
0x28: {  	[spmem:s5] =	stream.linear.scatter [tilespmem:s22], [sflag:$0x5], $0x4000, $0x38;
	[tilespmem:$0x1C200] =	vst v63  }
0x29: {  	_ =	swait.ge [sflag:s23], $0x4000  }
0x2a: {  	[sflag:s23] =	ssyncset.done $0x0  }
0x2b: {  	s7 =	rddreg [dreg:$0x3];
	[sflag:s23] =	ssyncadd.s32 $0xFFFFC000  }
0x2c: {  	[spmem:s7] =	stream.linear.scatter [tilespmem:s22], [sflag:$0x5], $0x4000, $0x38;
	[tilespmem:$0x1C200] =	vst v63  }
0x2d: {  	_ =	swait.ge [sflag:s23], $0x4000  }
0x2e: {  	[sflag:s23] =	ssyncset.done $0x0  }
0x2f: {  	s8 =	rddreg [dreg:$0x4];
	[sflag:s23] =	ssyncadd.s32 $0xFFFFC000  }
0x30: {  	[spmem:s8] =	stream.linear.scatter [tilespmem:s22], [sflag:$0x5], $0x4000, $0x38;
	[tilespmem:$0x1C200] =	vst v63  }
0x31: {  	_ =	swait.ge [sflag:s23], $0x4000  }
0x32: {  	[sflag:s23] =	ssyncset.done $0x0  }
0x33: {  	s9 =	rddreg [dreg:$0x5];
	[sflag:s23] =	ssyncadd.s32 $0xFFFFC000  }
0x34: {  	[spmem:s9] =	stream.linear.scatter [tilespmem:s22], [sflag:$0x5], $0x4000, $0x38;
	[tilespmem:$0x1C200] =	vst v63  }
0x35: {  	_ =	swait.ge [sflag:s23], $0x4000  }
0x36: {  	[sflag:s23] =	ssyncset.done $0x0  }
0x37: {  	s7 =	rddreg [dreg:$0x6];
	[sflag:s23] =	ssyncadd.s32 $0xFFFFC000  }
0x38: {  	[spmem:s7] =	stream.linear.scatter [tilespmem:s22], [sflag:$0x5], $0x4000, $0x38;
	[tilespmem:$0x1C200] =	vst v63  }
0x39: {  	_ =	swait.ge [sflag:s23], $0x4000  }
0x3a: {  	[sflag:s23] =	ssyncset.done $0x0  }
0x3b: {  	[sflag:s23] =	ssyncadd.s32 $0xFFFFC000  }
0x3c: {  	s8 =	simm.s32 $0x0;
	[bflag:$0x0] =	sbarrier.arrive $0xFFFF  }
0x3d: {  	[tilespmem:s24], [sflag:$0x5] =	stream.linear.gather [hbm4b:s10+s8], $0x80, $0x38;
	[tilespmem:$0x1C200] =	vst v63  }
0x3e: {  	_ =	swait.ge [sflag:s23], $0x80  }
0x3f: {  	[sflag:s23] =	ssyncset.done $0x0  }
0x40: {  	[sflag:s23] =	ssyncadd.s32 $0xFFFFFF80  }
0x41: {  	[tilespmem:s8], [sflag:$0x5] =	stream.linear.gather [hbm4b:s11+s8], $0x80, $0x38;
	[tilespmem:$0x1C200] =	vst v63  }
0x42: {  	_ =	swait.ge [sflag:s23], $0x80  }
0x43: {  	[sflag:s23] =	ssyncset.done $0x0  }
0x44: {  	[sflag:s23] =	ssyncadd.s32 $0xFFFFFF80  }
0x45: {  	[tilespmem:s22], [sflag:$0x1] =	stream.indirect.gather [hbm4b:s4+s25], $0x80, s8, s25, $0xb8;
	[tilespmem:$0x1C200] =	vst v63  }
0x46: {  	_ = 	snop  }
0x47: {  	[tilespmem:s26], [sflag:$0x5] =	stream.linear.gather [hbm4b:s14+s8], $0x80, $0x38;
	[tilespmem:$0x1C200] =	vst v63  }
0x48: {  	_ =	swait.ge [sflag:s23], $0x80  }
0x49: {  	[sflag:s23] =	ssyncset.done $0x0  }
0x4a: {  	[sflag:s23] =	ssyncadd.s32 $0xFFFFFF80  }
0x4b: {  	[tilespmem:s25], [sflag:$0x5] =	stream.linear.gather [hbm4b:s15+s8], $0x80, $0x38;
	[tilespmem:$0x1C200] =	vst v63  }
0x4c: {  	_ =	swait.ge [sflag:s23], $0x80  }
0x4d: {  	[sflag:s23] =	ssyncset.done $0x0  }
0x4e: {  	[sflag:s23] =	ssyncadd.s32 $0xFFFFFF80  }
0x4f: {  	[tilespmem:s28], [sflag:$0x2] =	stream.indirect.gather [hbm4b:s4+s25], $0x80, s25, s25, $0xb8;
	[tilespmem:$0x1C200] =	vst v63  }
0x50: {  	_ =	swait.ge [sflag:s29], $0x4000  }
0x51: {  	[sflag:s29] =	ssyncset.done $0x0  }
0x52: {  	[sflag:s29] =	ssyncadd.s32 $0xFFFFC000  }
0x53: {  	[spmem:s2] =	stream.indirect.scatter.add.f32 [tilespmem:s22], [sflag:$0x3], $0x80, s24, s25, $0xb8;
	[tilespmem:$0x1C200] =	vst v63  }
0x54: {  	_ =	swait.ge [sflag:s30], $0x4000  }
0x55: {  	[sflag:s30] =	ssyncset.done $0x0  }
0x56: {  	[sflag:s30] =	ssyncadd.s32 $0xFFFFC000  }
0x57: {  	[tilespmem:s24], [sflag:$0x5] =	stream.linear.gather [hbm4b:s16+s8], $0x80, $0x38;
	[tilespmem:$0x1C200] =	vst v63  }
0x58: {  	_ =	swait.ge [sflag:s23], $0x80  }
0x59: {  	[sflag:s23] =	ssyncset.done $0x0  }
0x5a: {  	[sflag:s23] =	ssyncadd.s32 $0xFFFFFF80  }
0x5b: {  	[tilespmem:s8], [sflag:$0x5] =	stream.linear.gather [hbm4b:s17+s8], $0x80, $0x38;
	[tilespmem:$0x1C200] =	vst v63  }
0x5c: {  	_ =	swait.ge [sflag:s23], $0x80  }
0x5d: {  	[sflag:s23] =	ssyncset.done $0x0  }
0x5e: {  	[sflag:s23] =	ssyncadd.s32 $0xFFFFFF80  }
0x5f: {  	[tilespmem:s22], [sflag:$0x1] =	stream.indirect.gather [hbm4b:s4+s25], $0x80, s8, s25, $0xb8;
	[tilespmem:$0x1C200] =	vst v63  }
0x60: {  	_ =	swait.ge [sflag:s31], $0x4000  }
0x61: {  	[sflag:s31] =	ssyncset.done $0x0  }
0x62: {  	[sflag:s31] =	ssyncadd.s32 $0xFFFFC000  }
0x63: {  	[spmem:s2] =	stream.indirect.scatter.add.f32 [tilespmem:s28], [sflag:$0x4], $0x80, s26, s25, $0xb8;
	[tilespmem:$0x1C200] =	vst v63  }
0x64: {  	_ =	swait.ge [sflag:s0], $0x4000  }
0x65: {  	s6 =	sadd.s32 $0x0, s21;
	[sflag:s0] =	ssyncset.done $0x0  }
0x66: {  	s7 =	sadd.s32 $0x30, s6;
	[sflag:s0] =	ssyncadd.s32 $0xFFFFC000  }
0x67: {  	[tilespmem:s26], [sflag:$0x5] =	stream.linear.gather [hbm4b:s7+s3], $0x80, $0x38;
	[tilespmem:$0x1C200] =	vst v63  }
0x68: {  	_ =	swait.ge [sflag:s23], $0x80  }
0x69: {  	s9 =	sadd.s32 $0x0, s20;
	[sflag:s23] =	ssyncset.done $0x0  }
0x6a: {  	s8 =	sadd.s32 $0x30, s9;
	[sflag:s23] =	ssyncadd.s32 $0xFFFFFF80  }
0x6b: {  	[tilespmem:s25], [sflag:$0x5] =	stream.linear.gather [hbm4b:s8+s3], $0x80, $0x38;
	[tilespmem:$0x1C200] =	vst v63  }
0x6c: {  	_ =	swait.ge [sflag:s23], $0x80  }
0x6d: {  	[sflag:s23] =	ssyncset.done $0x0  }
0x6e: {  	[sflag:s23] =	ssyncadd.s32 $0xFFFFFF80  }
0x6f: {  	[tilespmem:s28], [sflag:$0x2] =	stream.indirect.gather [hbm4b:s4+s25], $0x80, s25, s25, $0xb8;
	[tilespmem:$0x1C200] =	vst v63  }
0x70: {  	_ =	swait.ge [sflag:s29], $0x4000  }
0x71: {  	[sflag:s29] =	ssyncset.done $0x0  }
0x72: {  	[sflag:s29] =	ssyncadd.s32 $0xFFFFC000  }
0x73: {  	[spmem:s2] =	stream.indirect.scatter.add.f32 [tilespmem:s22], [sflag:$0x3], $0x80, s24, s25, $0xb8;
	[tilespmem:$0x1C200] =	vst v63  }
0x74: {  	_ =	swait.ge [sflag:s30], $0x4000  }
0x75: {  	[sflag:s30] =	ssyncset.done $0x0  }
0x76: {  	s6 =	sadd.s32 $0x40, s6;
	[sflag:s30] =	ssyncadd.s32 $0xFFFFC000  }
0x77: {  	[tilespmem:s24], [sflag:$0x5] =	stream.linear.gather [hbm4b:s6+s3], $0x80, $0x38;
	[tilespmem:$0x1C200] =	vst v63  }
0x78: {  	_ =	swait.ge [sflag:s23], $0x80  }
0x79: {  	[sflag:s23] =	ssyncset.done $0x0  }
0x7a: {  	s9 =	sadd.s32 $0x40, s9;
	[sflag:s23] =	ssyncadd.s32 $0xFFFFFF80  }
0x7b: {  	[tilespmem:s3], [sflag:$0x5] =	stream.linear.gather [hbm4b:s9+s3], $0x80, $0x38;
	[tilespmem:$0x1C200] =	vst v63  }
0x7c: {  	_ =	swait.ge [sflag:s23], $0x80  }
0x7d: {  	[sflag:s23] =	ssyncset.done $0x0  }
0x7e: {  	[sflag:s23] =	ssyncadd.s32 $0xFFFFFF80  }
0x7f: {  	[tilespmem:s22], [sflag:$0x1] =	stream.indirect.gather [hbm4b:s4+s25], $0x80, s3, s25, $0xb8;
	[tilespmem:$0x1C200] =	vst v63  }
0x80: {  	_ =	swait.ge [sflag:s31], $0x4000  }
0x81: {  	[sflag:s31] =	ssyncset.done $0x0  }
0x82: {  	s6 =	simm.s32 $0x20;
	[sflag:s31] =	ssyncadd.s32 $0xFFFFC000  }
.LBB2_4:
0x83: {  	[spmem:s2] =	stream.indirect.scatter.add.f32 [tilespmem:s28], [sflag:$0x4], $0x80, s26, s25, $0xb8;
	[tilespmem:$0x1C200] =	vst v63  }
0x84: {  	s7 =	smov.u32 s6  }
0x85: {  	p0 =	sne.s32 s6, $0x4A0;
	s6 =	sadd.s32 $0x20, s6;
	_ =	swait.ge [sflag:s0], $0x4000  }
0x86: {  	s8 =	sadd.s32 s7, s21;
	[sflag:s0] =	ssyncset.done $0x0  }
0x87: {  	s9 =	sadd.s32 $0x30, s8;
	[sflag:s0] =	ssyncadd.s32 $0xFFFFC000  }
0x88: {  	[tilespmem:s26], [sflag:$0x5] =	stream.linear.gather [hbm4b:s9+s3], $0x80, $0x38;
	[tilespmem:$0x1C200] =	vst v63  }
0x89: {  	_ =	swait.ge [sflag:s23], $0x80  }
0x8a: {  	s7 =	sadd.s32 s7, s20;
	[sflag:s23] =	ssyncset.done $0x0  }
0x8b: {  	s9 =	sadd.s32 $0x30, s7;
	[sflag:s23] =	ssyncadd.s32 $0xFFFFFF80  }
0x8c: {  	[tilespmem:s25], [sflag:$0x5] =	stream.linear.gather [hbm4b:s9+s3], $0x80, $0x38;
	[tilespmem:$0x1C200] =	vst v63  }
0x8d: {  	_ =	swait.ge [sflag:s23], $0x80  }
0x8e: {  	[sflag:s23] =	ssyncset.done $0x0  }
0x8f: {  	[sflag:s23] =	ssyncadd.s32 $0xFFFFFF80  }
0x90: {  	[tilespmem:s28], [sflag:$0x2] =	stream.indirect.gather [hbm4b:s4+s25], $0x80, s25, s25, $0xb8;
	[tilespmem:$0x1C200] =	vst v63  }
0x91: {  	_ =	swait.ge [sflag:s29], $0x4000  }
0x92: {  	[sflag:s29] =	ssyncset.done $0x0  }
0x93: {  	[sflag:s29] =	ssyncadd.s32 $0xFFFFC000  }
0x94: {  	[spmem:s2] =	stream.indirect.scatter.add.f32 [tilespmem:s22], [sflag:$0x3], $0x80, s24, s25, $0xb8;
	[tilespmem:$0x1C200] =	vst v63  }
0x95: {  	_ =	swait.ge [sflag:s30], $0x4000  }
0x96: {  	[sflag:s30] =	ssyncset.done $0x0  }
0x97: {  	s8 =	sadd.s32 $0x40, s8;
	[sflag:s30] =	ssyncadd.s32 $0xFFFFC000  }
0x98: {  	[tilespmem:s24], [sflag:$0x5] =	stream.linear.gather [hbm4b:s8+s3], $0x80, $0x38;
	[tilespmem:$0x1C200] =	vst v63  }
0x99: {  	_ =	swait.ge [sflag:s23], $0x80  }
0x9a: {  	[sflag:s23] =	ssyncset.done $0x0  }
0x9b: {  	s7 =	sadd.s32 $0x40, s7;
	[sflag:s23] =	ssyncadd.s32 $0xFFFFFF80  }
0x9c: {  	[tilespmem:s3], [sflag:$0x5] =	stream.linear.gather [hbm4b:s7+s3], $0x80, $0x38;
	[tilespmem:$0x1C200] =	vst v63  }
0x9d: {  	_ =	swait.ge [sflag:s23], $0x80  }
0x9e: {  	[sflag:s23] =	ssyncset.done $0x0  }
.Ltmp1:
0x9f: {  	[sflag:s23] =	ssyncadd.s32 $0xFFFFFF80;
	(pc) =	sbr.rel @p0 .LBB2_4-.Ltmp1, $4  }
0xa0: {  	[tilespmem:s22], [sflag:$0x1] =	stream.indirect.gather [hbm4b:s4+s25], $0x80, s3, s25, $0xb8;
	[tilespmem:$0x1C200] =	vst v63  }
0xa1: {  	_ =	swait.ge [sflag:s31], $0x4000  }
0xa2: {  	[sflag:s31] =	ssyncset.done $0x0  }
0xa3: {  	[sflag:s31] =	ssyncadd.s32 $0xFFFFC000  }
0xa4: {  	[spmem:s2] =	stream.indirect.scatter.add.f32 [tilespmem:s28], [sflag:$0x4], $0x80, s26, s25, $0xb8;
	[tilespmem:$0x1C200] =	vst v63  }
0xa5: {  	_ =	swait.ge [sflag:s0], $0x4000  }
0xa6: {  	[sflag:s0] =	ssyncset.done $0x0  }
0xa7: {  	[sflag:s0] =	ssyncadd.s32 $0xFFFFC000  }
0xa8: {  	[tilespmem:s26], [sflag:$0x5] =	stream.linear.gather [hbm4b:s18+s3], $0x80, $0x38;
	[tilespmem:$0x1C200] =	vst v63  }
0xa9: {  	_ =	swait.ge [sflag:s23], $0x80  }
0xaa: {  	[sflag:s23] =	ssyncset.done $0x0  }
0xab: {  	[sflag:s23] =	ssyncadd.s32 $0xFFFFFF80  }
0xac: {  	[tilespmem:s25], [sflag:$0x5] =	stream.linear.gather [hbm4b:s19+s3], $0x80, $0x38;
	[tilespmem:$0x1C200] =	vst v63  }
0xad: {  	_ =	swait.ge [sflag:s23], $0x80  }
0xae: {  	[sflag:s23] =	ssyncset.done $0x0  }
0xaf: {  	[sflag:s23] =	ssyncadd.s32 $0xFFFFFF80  }
0xb0: {  	[tilespmem:s28], [sflag:$0x2] =	stream.indirect.gather [hbm4b:s4+s25], $0x80, s25, s25, $0xb8;
	[tilespmem:$0x1C200] =	vst v63  }
0xb1: {  	_ =	swait.ge [sflag:s29], $0x4000  }
0xb2: {  	[sflag:s29] =	ssyncset.done $0x0  }
0xb3: {  	[sflag:s29] =	ssyncadd.s32 $0xFFFFC000  }
0xb4: {  	[spmem:s2] =	stream.indirect.scatter.add.f32 [tilespmem:s22], [sflag:$0x3], $0x80, s24, s25, $0xb8;
	[tilespmem:$0x1C200] =	vst v63  }
0xb5: {  	_ =	swait.ge [sflag:s31], $0x4000  }
0xb6: {  	[sflag:s31] =	ssyncset.done $0x0  }
0xb7: {  	[sflag:s31] =	ssyncadd.s32 $0xFFFFC000  }
0xb8: {  	[spmem:s2] =	stream.indirect.scatter.add.f32 [tilespmem:s28], [sflag:$0x4], $0x80, s26, s25, $0xb8;
	[tilespmem:$0x1C200] =	vst v63  }
0xb9: {  	_ =	swait.ge [sflag:s30], $0x4000  }
0xba: {  	[sflag:s30] =	ssyncset.done $0x0  }
0xbb: {  	[sflag:s30] =	ssyncadd.s32 $0xFFFFC000  }
0xbc: {  	s6 =	stileid.u32;
	_ =	swait.ge [sflag:s0], $0x4000  }
0xbd: {  	s7 =	sshrl.u32 s5, $0x3;
	s1 =	sadd.s32 $0x1, s1;
	[sflag:s0] =	ssyncset.done $0x0  }
0xbe: {  	s6 =	sshll.u32 s6, $0x6;
	p0 =	sne.s32 s1, s13;
	[sflag:s0] =	ssyncadd.s32 $0xFFFFC000  }
.Ltmp2:
0xbf: {  	s6 =	sor.u32 $0x1C05, s6;
	[bflag:$0x0] =	sbarrier.arrive $0xFFFF;
	(pc) =	sbr.rel @p0 .LBB2_1-.Ltmp2, $4  }
0xc0: {  	[hbm:s12], [sflag:s6] =	dma.local [spmem:s7], $0x2800  }
0xc1: {  	_ =	swait.ge [sflag:s23], $0x2800  }
0xc2: {  	[sflag:s23] =	ssyncset.done $0x0  }
0xc3: {  	[sflag:s23] =	ssyncadd.s32 $0xFFFFD800  }
0xc4: {  	_ =	sfence.sel $0x180000  }
0xc5: {  	[bflag:$0x0] =	sbarrier.arrive $0xFFFF  }
0xc6: {  	_ =	strace $0x90000047  }
0xc7: {  	s0 =	stileid.u32;
	[bflag:$0x2] =	sbarrier.arrive $0xFFFF  }
0xc8: {  	p0 =	sne.s32 s0, $0x0;
	s0 =	rddreg [dreg:$0x2]  }
0xc9: {  	s0 =	sadd.s32 @!p0 $0x100000, s0  }
0xca: {  	[sflag:s0] =	ssyncadd.tile.s32 @!p0 $0x1;
	_ =	shalt  }
.Lfunc_end2:
_tile_overlayer_lowered:
.L_overlay_start_2:
0xcb: {  	(tag) =	ssettag $0x2  }
0xcc: {  	s0 =	rddreg [dreg:$0x0];
	s2 =	stileid.u32  }
0xcd: {  	s1 =	rddreg [dreg:$0x1];
	p0 =	sne.s32 s2, $0x0  }
0xce: {  	s3 =	rddreg [dreg:$0x2];
	[bflag:$0x3] =	sbarrier.arrive $0xFFFF;
	s2 =	simm.s32 @!p0 $0x1C05  }
0xcf: {  	[timem:s3], [sflag:s2] =	dma.local @!p0 [hbm:s0], s1  }
0xd0: {  	s0 =	simm.s32 @!p0 $0x5  }
0xd1: {  	_ =	swait.ge @!p0 [sflag:s0], s1  }
0xd2: {  	s1 =	ssub.s32 @!p0 $0x0, s1;
	[sflag:s0] =	ssyncset.done @!p0 $0x0  }
0xd3: {  	[sflag:s0] =	ssyncadd.s32 @!p0 s1  }
0xd4: {  	[bflag:$0x3] =	sbarrier.arrive $0xFFFF  }
0xd5: {  	_ =	shalt  }

// kernel: kernel.16.cloned.1.call-start
scs
__scs_entry_jumppad:
0x0: {  	(pc) =	sbr.rel $0x88, $3  }
0x1: {  	(tag) =	ssettag $0x0;
	lr =	simm.s32 $0x1  }
0x2: {  	[smem:$0x3F91] =	sst lr;
	_ =	strace $0xD0000000  }
0x3: {  	_ = 	snop  }
0x4: {  	_ = 	snop  }
0x5: {  	_ = 	snop  }
0x6: {  	_ = 	snop  }
0x7: {  	_ = 	snop  }
__scs_overlays_trampoline_lowered:
0x8: {  	[smem:$0x3FA0] =	sst s0  }
0x9: {  	[smem:$0x3FA1] =	sst s1  }
0xa: {  	[smem:$0x3FA2] =	sst s2  }
0xb: {  	[smem:$0x3FA3] =	sst s3  }
0xc: {  	[smem:$0x3FA4] =	sst s4  }
0xd: {  	[smem:$0x3FA5] =	sst s5  }
0xe: {  	[smem:$0x3FA6] =	sst s6  }
0xf: {  	[smem:$0x3FA7] =	sst s7  }
0x10: {  	[smem:$0x3FA8] =	sst s8  }
0x11: {  	[smem:$0x3FA9] =	sst s9;
	s0 =	simm.s32 @!p0 $0x0  }
0x12: {  	s1 =	sld [smem:$0x3F8F];
	s0 =	simm.s32 @p0 $0x1  }
0x13: {  	[smem:$0x3FAA] =	sst s0;
	s0 =	simm.s32 @!p1 $0x0  }
0x14: {  	s2 =	sld [smem:$0x3F8E];
	s0 =	simm.s32 @p1 $0x1  }
0x15: {  	[smem:$0x3FAB] =	sst s0;
	s0 =	simm.s32 @!p2 $0x0  }
0x16: {  	s3 =	sld [smem:$0x3FDB];
	s0 =	simm.s32 @p2 $0x1  }
0x17: {  	s4 =	simm.s32 $0x1BF5;
	[smem:$0x3FAD] =	sst s0  }
0x18: {  	s0 =	sld [smem:$0x3F90];
	_ =	swait.ge [sflag:s4], $0x0  }
0x19: {  	s7 =	sld [smem:$0x3F91]  }
0x1a: {  	s8 =	sadd.s32 $0xFFFFE003, lr  }
0x1b: {  	s9 =	sadd.s32 $0xFFFFFEF7, lr;
	s5 =	simm.s32 $0xFFFFFFFF;
	p2 =	slt.u32 s8, $0xFFFFF086  }
0x1c: {  	p1 =	slt.u32 s9, $0xF7A;
	s5 =	simm.s32 @!p2 $0x0  }
0x1d: {  	s5 =	simm.s32 @p1 $0x1;
	p0 =	seq.s32 s7, s2  }
0x1e: {  	s7 =	smul.u32 @!p0 $0xF7A, s2;
	p2 =	seq.s32 @!p0 s5, $0x0  }
0x1f: {  	s9 =	smul.u32 $0xF7A, s1;
	s8 =	simm.s32 @!p0 $0x1BF5;
	p2 =	por !p2, p0  }
0x20: {  	[sflag:s8] =	ssyncset.s32 @!p0 $0xFFFFF086;
	s6 =	sadd.s32 @!p0 s3, s7;
	s7 =	simm.s32 @!p0 $0x108  }
0x21: {  	s3 =	sadd.s32 s3, s9;
	s6 =	sadd.s32 @!p0 $0x88, s6;
	s7 =	simm.s32 @p2 $0x1082  }
0x22: {  	[simem:s7], [sflag:s8] =	dma.local @!p0 [hbm:s6], $0xF7A  }
0x23: {  	s9 =	sor.u32 $0xD0000000, s2;
	s6 =	simm.s32 $0x108;
	_ =	swait.ge @!p0 [sflag:s8], $0x0  }
0x24: {  	s3 =	sadd.s32 $0x88, s3;
	s6 =	simm.s32 @!p1 $0x1082;
	[sflag:s4] =	ssyncset.s32 $0xFFFFF086  }
0x25: {  	[simem:s6], [sflag:s4] =	dma.local [hbm:s3], $0xF7A  }
0x26: {  	[smem:$0x3F91] =	sst s1;
	(tag) =	ssettag s2;
	_ =	strace s9  }
0x27: {  	s1 =	sld [smem:$0x3FA1]  }
0x28: {  	s2 =	sld [smem:$0x3FA2]  }
0x29: {  	s4 =	sld [smem:$0x3FA4]  }
0x2a: {  	p0 =	seq.s32 s5, $0x0;
	s5 =	sld [smem:$0x3FA5]  }
0x2b: {  	s6 =	sld [smem:$0x3FA6]  }
0x2c: {  	s7 =	sld [smem:$0x3FA7]  }
0x2d: {  	s3 =	simm.s32 $0x108;
	s8 =	sld [smem:$0x3FA8]  }
0x2e: {  	s3 =	simm.s32 @!p0 $0x1082;
	s9 =	sld [smem:$0x3FA9]  }
0x2f: {  	lr =	sadd.s32 s0, s3;
	s0 =	sld [smem:$0x3FA0]  }
0x30: {  	s3 =	sld [smem:$0x3FA3]  }
0x31: {  	[smem:$0x3FAC] =	sst s10  }
0x32: {  	s10 =	sld [smem:$0x3FAA];
	_ =	sdelay $0x3  }
0x33: {  	p0 =	seq.s32 s10, $0x1;
	s10 =	sld [smem:$0x3FAC];
	_ =	sdelay $0x3  }
0x34: {  	[smem:$0x3FAC] =	sst s10  }
0x35: {  	s10 =	sld [smem:$0x3FAB];
	_ =	sdelay $0x3  }
0x36: {  	p1 =	seq.s32 s10, $0x1;
	s10 =	sld [smem:$0x3FAC];
	_ =	sdelay $0x3  }
0x37: {  	[smem:$0x3FAC] =	sst s10  }
0x38: {  	s10 =	sld [smem:$0x3FAD]  }
0x39: {  	_ = 	snop;
	(pc) =	sbr.ind lr, $3  }
0x3a: {  	_ = 	snop  }
0x3b: {  	_ = 	snop  }
0x3c: {  	p2 =	seq.s32 s10, $0x1;
	s10 =	sld [smem:$0x3FAC]  }
0x3d: {  	_ =	shalt  }
0x3e: {  	_ =	shalt  }
0x3f: {  	_ =	shalt  }
0x40: {  	_ =	shalt  }
0x41: {  	_ =	shalt  }
0x42: {  	_ =	shalt  }
0x43: {  	_ =	shalt  }
0x44: {  	_ =	shalt  }
0x45: {  	_ =	shalt  }
0x46: {  	_ =	shalt  }
0x47: {  	_ =	shalt  }
0x48: {  	_ =	shalt  }
0x49: {  	_ =	shalt  }
0x4a: {  	_ =	shalt  }
0x4b: {  	_ =	shalt  }
0x4c: {  	_ =	shalt  }
0x4d: {  	_ =	shalt  }
0x4e: {  	_ =	shalt  }
0x4f: {  	_ =	shalt  }
0x50: {  	_ =	shalt  }
0x51: {  	_ =	shalt  }
0x52: {  	_ =	shalt  }
0x53: {  	_ =	shalt  }
0x54: {  	_ =	shalt  }
0x55: {  	_ =	shalt  }
0x56: {  	_ =	shalt  }
0x57: {  	_ =	shalt  }
0x58: {  	_ =	shalt  }
0x59: {  	_ =	shalt  }
0x5a: {  	_ =	shalt  }
0x5b: {  	_ =	shalt  }
0x5c: {  	_ =	shalt  }
0x5d: {  	_ =	shalt  }
0x5e: {  	_ =	shalt  }
0x5f: {  	_ =	shalt  }
0x60: {  	_ =	shalt  }
0x61: {  	_ =	shalt  }
0x62: {  	_ =	shalt  }
0x63: {  	_ =	shalt  }
0x64: {  	_ =	shalt  }
0x65: {  	_ =	shalt  }
0x66: {  	_ =	shalt  }
0x67: {  	_ =	shalt  }
0x68: {  	_ =	shalt  }
0x69: {  	_ =	shalt  }
0x6a: {  	_ =	shalt  }
0x6b: {  	_ =	shalt  }
0x6c: {  	_ =	shalt  }
0x6d: {  	_ =	shalt  }
0x6e: {  	_ =	shalt  }
0x6f: {  	_ =	shalt  }
0x70: {  	_ =	shalt  }
0x71: {  	_ =	shalt  }
0x72: {  	_ =	shalt  }
0x73: {  	_ =	shalt  }
0x74: {  	_ =	shalt  }
0x75: {  	_ =	shalt  }
0x76: {  	_ =	shalt  }
0x77: {  	_ =	shalt  }
0x78: {  	_ =	shalt  }
0x79: {  	_ =	shalt  }
0x7a: {  	_ =	shalt  }
0x7b: {  	_ =	shalt  }
0x7c: {  	_ =	shalt  }
0x7d: {  	_ =	shalt  }
0x7e: {  	_ =	shalt  }
0x7f: {  	_ =	shalt  }
0x80: {  	_ =	shalt  }
0x81: {  	_ =	shalt  }
0x82: {  	_ =	shalt  }
0x83: {  	_ =	shalt  }
0x84: {  	_ =	shalt  }
0x85: {  	_ =	shalt  }
0x86: {  	_ =	shalt  }
0x87: {  	_ =	shalt  }
.Lfunc_end0:
.L_simem_size_0:
called_computation.2_lowered:
.L_overlay_start_0:
0x88: {  	s2 =	sld [smem:$0x3FD9]  }
0x89: {  	s3 =	sld [smem:$0x3FFE];
	_ =	sdelay $0x1  }
0x8a: {  	s1 =	srdreg.scid  }
0x8b: {  	s0 =	sand.u32 $0x1, s1  }
0x8c: {  	s16 =	sshll.u32 s0, $0xA;
	s2 =	sadd.s32 s3, s2  }
0x8d: {  	s2 =	sadd.s32 s2, s16  }
0x8e: {  	[smem:$0x3FB8] =	sst s2  }
0x8f: {  	_ = 	snop  }
0x90: {  	(tm) =	ssettm $0x1  }
0x91: {  	s17 =	sld [smem:$0x3FFB];
	_ =	sdelay $0x3  }
0x92: {  	_ =	strace s17  }
0x93: {  	s2 =	sld [smem:$0x3FFC];
	_ =	sdelay $0x3  }
0x94: {  	_ =	strace s2  }
0x95: {  	s2 =	sld [smem:$0x3FFD];
	_ =	sdelay $0x3  }
0x96: {  	_ =	strace s2  }
0x97: {  	_ =	strace $0x8FFFFFFF  }
0x98: {  	s18 =	sld [smem:$0x3FDB];
	_ =	sdelay $0x1  }
0x99: {  	s19 =	simm.s32 $_scs_section_size  }
0x9a: {  	s4 =	simm.s32 $_size__tile_overlayer_lowered;
	s5 =	simm.s32 $_tile_overlayer_lowered  }
0x9b: {  	s22 =	simm.s32 $0x1BFF;
	s21 =	sshll.u32 s5, $0x1;
	s2 =	sadd.s32 s19, s18  }
0x9c: {  	s6 =	simm.s32 $0x0;
	s20 =	sshll.u32 s4, $0x1;
	s4 =	sadd.s32 s21, s2  }
0x9d: {  	[timem:s6], [sflag:s22] =	dma.local [hbm:s4], s20  }
0x9e: {  	_ =	swait.ge [sflag:s22], s20  }
0x9f: {  	s3 =	ssub.s32 $0x0, s20;
	[sflag:s22] =	ssyncset.done $0x0  }
0xa0: {  	[sflag:s22] =	ssyncadd.s32 s3;
	_ =	sdelay $0x1  }
0xa1: {  	s23 =	simm.s32 $0x1B8B  }
0xa2: {  	_ =	swait.ge [sflag:s23], $0x1  }
0xa3: {  	[sflag:s23] =	ssyncset.done $0x0  }
0xa4: {  	s25 =	simm.s32 $0x1B8E;
	s24 =	sld [smem:$0x3FFE];
	[sflag:s23] =	ssyncadd.s32 $0xFFFFFFFF  }
0xa5: {  	s26 =	simm.s32 $execute0_lowered;
	[smem:$0x3FD2] =	sst s25  }
0xa6: {  	s4 =	sshll.u32 s26, $0x1;
	_ =	strace $0x8000004C;
	[dreg:$0x1] =	wrdreg $0xFFFFFFFF  }
0xa7: {  	s28 =	simm.s32 $_size_execute0_lowered;
	s2 =	sadd.s32 s2, s4;
	[dreg:$0x0] =	wrdreg $0x0  }
0xa8: {  	s4 =	sshll.u32 s28, $0x1;
	[dreg:$0x2] =	wrdreg s2  }
0xa9: {  	[dreg:$0x3] =	wrdreg s4  }
0xaa: {  	[dreg:$0x4] =	wrdreg $0xC0  }
0xab: {  	_ =	task [dreg:s6], $0x5FFFF  }
0xac: {  	[dreg:$0x1] =	wrdreg $0xFFFFFFFF  }
0xad: {  	[dreg:$0x0] =	wrdreg $0x60  }
0xae: {  	[dreg:$0x2] =	wrdreg s24  }
0xaf: {  	[dreg:$0x3] =	wrdreg $0x82000  }
0xb0: {  	[dreg:$0x4] =	wrdreg $0x9  }
0xb1: {  	_ =	task.clear_ibuf [dreg:s6], $0x5FFFF;
	_ =	strace $0x9000004C  }
0xb2: {  	s29 =	simm.s32 $0x9;
	_ =	strace $0x8000004E  }
0xb3: {  	_ =	swait.ge [sflag:s29], $0x1  }
0xb4: {  	[sflag:s29] =	ssyncadd.s32 $0xFFFFFFFF  }
0xb5: {  	_ =	strace $0x9000004E  }
0xb6: {  	_ =	sfence  }
0xb7: {  	s30 =	sld [smem:$0x0];
	_ =	sdelay $0x2  }
0xb8: {  	s31 =	sshll.u32 s1, $0xD;
	s1 =	sshrl.u32 s1, $0x2  }
0xb9: {  	s3 =	sand.u32 $0x4000, s31;
	s1 =	sadd.s32 s1, s30  }
0xba: {  	s0 =	sor.u32 s3, s0;
	s1 =	sshll.u32 s1, $0x11  }
0xbb: {  	s0 =	sor.u32 s1, s0  }
0xbc: {  	s0 =	sadd.s32 $0x8F2B, s0  }
0xbd: {  	[sflag:s0] =	ssyncadd.remote.s32 $0x1  }
0xbe: {  	_ =	sfence.sel $0xFFFF  }
0xbf: {  	[dreg:$0x0] =	wrdreg $0xFFFFFFFF;
	(pc) =	sbr.abs _section_cstart, $3  }
0xc0: {  	[dreg:$0x1] =	wrdreg $0xFFFFFFFF  }
0xc1: {  	_ =	task.clear_ibuf [dreg:s6], $0x2FFFF;
	_ =	strace $0x9FFFFFFF  }
0xc2: {  	(tm) =	ssettm $0x7FFFFFFF  }
0xc3: {  	_ =	shalt  }
tec
execute0_lowered:
.L_overlay_start_1:
0x0: {  	(tag) =	ssettag $0x1  }
0x1: {  	s0 =	rddreg [dreg:$0x0]  }
0x2: {  	s2 =	rddreg [dreg:$0x1];
	s3 =	simm.s32 $0x0  }
0x3: {  	s1 =	srdreg.scid;
	s18 =	stileid.u32;
	s28 =	simm.s32 $0x4200  }
0x4: {  	s29 =	simm.s32 $0x1;
	s30 =	simm.s32 $0x3;
	s5 =	smul.u32 $0x2800, s18  }
0x5: {  	s31 =	simm.s32 $0x2;
	[smem:$0x7FF] =	sst s3;
	s8 =	smul.u32 $0x50000, s18  }
0x6: {  	s1 =	sand.u32 $0x1, s1;
	s4 =	sadd.s32 $0x3400, s0;
	s11 =	smul.u32 $0x50, s18  }
0x7: {  	s7 =	sadd.s32 $0x2B400, s0;
	s21 =	sadd.s32 $0x35400, s0;
	s6 =	smul.u32 $0x28000, s1  }
0x8: {  	_ =	strace $0x8000004D;
	s16 =	ssub.s32 $0x2, s1;
	s9 =	smul.u32 $0x500, s1  }
0x9: {  	s1 =	smul.u32 $0x5000, s1;
	s10 =	sshrl.u32 s16, $0x1;
	s8 =	sshrl.u32 s8, $0x2  }
0xa: {  	s5 =	sadd.s32 s5, s6;
	s6 =	ssub.s32 s16, s10;
	s19 =	sadd.s32 s11, s9  }
0xb: {  	s25 =	sadd.s32 s1, s7;
	s0 =	sadd.s32 s5, s0;
	s5 =	sadd.s32 s8, s2  }
0xc: {  	s26 =	sadd.s32 s1, s21;
	s1 =	simm.s32 $0x0;
	s8 =	sadd.s32 $0x4000, s5  }
0xd: {  	s13 =	smax.u32 s6, $0x1;
	s17 =	sadd.s32 $0x8000, s5;
	[dreg:$0x3] =	wrdreg s8  }
0xe: {  	s20 =	sadd.s32 $0xC000, s5;
	s22 =	sadd.s32 $0x10000, s5;
	[dreg:$0x4] =	wrdreg s17  }
0xf: {  	s12 =	sadd.s32 $0x67400, s0;
	s0 =	simm.s32 $0x4;
	[dreg:$0x5] =	wrdreg s20  }
0x10: {  	[dreg:$0x6] =	wrdreg s22;
	s17 =	sshll.u32 s19, $0x4;
	s22 =	smul.u32 $0x500, s18  }
0x11: {  	s10 =	sadd.s32 s21, s17;
	s11 =	sadd.s32 s7, s17;
	s15 =	sor.u32 $0x10, s17  }
0x12: {  	s23 =	sor.u32 $0x20, s17;
	s24 =	sadd.s32 $0x4F0, s17;
	s14 =	sadd.s32 s21, s15  }
0x13: {  	s15 =	sadd.s32 s7, s15;
	s16 =	sadd.s32 s21, s23;
	s17 =	sadd.s32 s7, s23  }
0x14: {  	s18 =	sadd.s32 s21, s24;
	s19 =	sadd.s32 s7, s24;
	s20 =	sadd.s32 s22, s25  }
0x15: {  	s21 =	sadd.s32 s22, s26;
	s22 =	simm.s32 $0x200;
	s23 =	simm.s32 $0x5  }
0x16: {  	v0 =	vimm.f32 $0.0e+00;
	s24 =	simm.s32 $0x100;
	s25 =	simm.s32 $0x80;
	s26 =	simm.s32 $0x180  }
.LBB2_1:
0x17: {  	s6 =	simm.s32 $0x0;
	s7 =	simm.s32 $0x200  }
.LBB2_2:
0x18: {  	p0 =	sne.s32 s7, $0xFE00;
	[tilespmem:s6+$0x270] =	vst v0  }
0x19: {  	[tilespmem:s6+$0x200] =	vst v0  }
0x1a: {  	[tilespmem:s6+$0x210] =	vst v0  }
.Ltmp0:
0x1b: {  	[tilespmem:s6+$0x220] =	vst v0;
	(pc) =	sbr.rel @p0 .LBB2_2-.Ltmp0, $4  }
0x1c: {  	[tilespmem:s6+$0x230] =	vst v0  }
0x1d: {  	[tilespmem:s6+$0x240] =	vst v0  }
0x1e: {  	[tilespmem:s6+$0x250] =	vst v0  }
0x1f: {  	[tilespmem:s6+$0x260] =	vst v0;
	s6 =	sshra.s32 s7, $0x2;
	s7 =	sadd.s32 $0x200, s7  }
0x20: {  	[tilespmem:s6+$0x270] =	vst v0  }
0x21: {  	[tilespmem:s6+$0x200] =	vst v0  }
0x22: {  	[tilespmem:s6+$0x210] =	vst v0  }
0x23: {  	[tilespmem:s6+$0x220] =	vst v0  }
0x24: {  	[tilespmem:s6+$0x230] =	vst v0  }
0x25: {  	[tilespmem:s6+$0x240] =	vst v0  }
0x26: {  	[tilespmem:s6+$0x250] =	vst v0  }
0x27: {  	[tilespmem:s6+$0x260] =	vst v0  }
0x28: {  	[spmem:s5] =	stream.linear.scatter [tilespmem:s22], [sflag:$0x5], $0x4000, $0x38;
	[tilespmem:$0x1C200] =	vst v63  }
0x29: {  	_ =	swait.ge [sflag:s23], $0x4000  }
0x2a: {  	[sflag:s23] =	ssyncset.done $0x0  }
0x2b: {  	s7 =	rddreg [dreg:$0x3];
	[sflag:s23] =	ssyncadd.s32 $0xFFFFC000  }
0x2c: {  	[spmem:s7] =	stream.linear.scatter [tilespmem:s22], [sflag:$0x5], $0x4000, $0x38;
	[tilespmem:$0x1C200] =	vst v63  }
0x2d: {  	_ =	swait.ge [sflag:s23], $0x4000  }
0x2e: {  	[sflag:s23] =	ssyncset.done $0x0  }
0x2f: {  	s8 =	rddreg [dreg:$0x4];
	[sflag:s23] =	ssyncadd.s32 $0xFFFFC000  }
0x30: {  	[spmem:s8] =	stream.linear.scatter [tilespmem:s22], [sflag:$0x5], $0x4000, $0x38;
	[tilespmem:$0x1C200] =	vst v63  }
0x31: {  	_ =	swait.ge [sflag:s23], $0x4000  }
0x32: {  	[sflag:s23] =	ssyncset.done $0x0  }
0x33: {  	s9 =	rddreg [dreg:$0x5];
	[sflag:s23] =	ssyncadd.s32 $0xFFFFC000  }
0x34: {  	[spmem:s9] =	stream.linear.scatter [tilespmem:s22], [sflag:$0x5], $0x4000, $0x38;
	[tilespmem:$0x1C200] =	vst v63  }
0x35: {  	_ =	swait.ge [sflag:s23], $0x4000  }
0x36: {  	[sflag:s23] =	ssyncset.done $0x0  }
0x37: {  	s7 =	rddreg [dreg:$0x6];
	[sflag:s23] =	ssyncadd.s32 $0xFFFFC000  }
0x38: {  	[spmem:s7] =	stream.linear.scatter [tilespmem:s22], [sflag:$0x5], $0x4000, $0x38;
	[tilespmem:$0x1C200] =	vst v63  }
0x39: {  	_ =	swait.ge [sflag:s23], $0x4000  }
0x3a: {  	[sflag:s23] =	ssyncset.done $0x0  }
0x3b: {  	[sflag:s23] =	ssyncadd.s32 $0xFFFFC000  }
0x3c: {  	s8 =	simm.s32 $0x0;
	[bflag:$0x0] =	sbarrier.arrive $0xFFFF  }
0x3d: {  	[tilespmem:s24], [sflag:$0x5] =	stream.linear.gather [hbm4b:s10+s8], $0x80, $0x38;
	[tilespmem:$0x1C200] =	vst v63  }
0x3e: {  	_ =	swait.ge [sflag:s23], $0x80  }
0x3f: {  	[sflag:s23] =	ssyncset.done $0x0  }
0x40: {  	[sflag:s23] =	ssyncadd.s32 $0xFFFFFF80  }
0x41: {  	[tilespmem:s8], [sflag:$0x5] =	stream.linear.gather [hbm4b:s11+s8], $0x80, $0x38;
	[tilespmem:$0x1C200] =	vst v63  }
0x42: {  	_ =	swait.ge [sflag:s23], $0x80  }
0x43: {  	[sflag:s23] =	ssyncset.done $0x0  }
0x44: {  	[sflag:s23] =	ssyncadd.s32 $0xFFFFFF80  }
0x45: {  	[tilespmem:s22], [sflag:$0x1] =	stream.indirect.gather [hbm4b:s4+s25], $0x80, s8, s25, $0xb8;
	[tilespmem:$0x1C200] =	vst v63  }
0x46: {  	_ = 	snop  }
0x47: {  	[tilespmem:s26], [sflag:$0x5] =	stream.linear.gather [hbm4b:s14+s8], $0x80, $0x38;
	[tilespmem:$0x1C200] =	vst v63  }
0x48: {  	_ =	swait.ge [sflag:s23], $0x80  }
0x49: {  	[sflag:s23] =	ssyncset.done $0x0  }
0x4a: {  	[sflag:s23] =	ssyncadd.s32 $0xFFFFFF80  }
0x4b: {  	[tilespmem:s25], [sflag:$0x5] =	stream.linear.gather [hbm4b:s15+s8], $0x80, $0x38;
	[tilespmem:$0x1C200] =	vst v63  }
0x4c: {  	_ =	swait.ge [sflag:s23], $0x80  }
0x4d: {  	[sflag:s23] =	ssyncset.done $0x0  }
0x4e: {  	[sflag:s23] =	ssyncadd.s32 $0xFFFFFF80  }
0x4f: {  	[tilespmem:s28], [sflag:$0x2] =	stream.indirect.gather [hbm4b:s4+s25], $0x80, s25, s25, $0xb8;
	[tilespmem:$0x1C200] =	vst v63  }
0x50: {  	_ =	swait.ge [sflag:s29], $0x4000  }
0x51: {  	[sflag:s29] =	ssyncset.done $0x0  }
0x52: {  	[sflag:s29] =	ssyncadd.s32 $0xFFFFC000  }
0x53: {  	[spmem:s2] =	stream.indirect.scatter.add.f32 [tilespmem:s22], [sflag:$0x3], $0x80, s24, s25, $0xb8;
	[tilespmem:$0x1C200] =	vst v63  }
0x54: {  	_ =	swait.ge [sflag:s30], $0x4000  }
0x55: {  	[sflag:s30] =	ssyncset.done $0x0  }
0x56: {  	[sflag:s30] =	ssyncadd.s32 $0xFFFFC000  }
0x57: {  	[tilespmem:s24], [sflag:$0x5] =	stream.linear.gather [hbm4b:s16+s8], $0x80, $0x38;
	[tilespmem:$0x1C200] =	vst v63  }
0x58: {  	_ =	swait.ge [sflag:s23], $0x80  }
0x59: {  	[sflag:s23] =	ssyncset.done $0x0  }
0x5a: {  	[sflag:s23] =	ssyncadd.s32 $0xFFFFFF80  }
0x5b: {  	[tilespmem:s8], [sflag:$0x5] =	stream.linear.gather [hbm4b:s17+s8], $0x80, $0x38;
	[tilespmem:$0x1C200] =	vst v63  }
0x5c: {  	_ =	swait.ge [sflag:s23], $0x80  }
0x5d: {  	[sflag:s23] =	ssyncset.done $0x0  }
0x5e: {  	[sflag:s23] =	ssyncadd.s32 $0xFFFFFF80  }
0x5f: {  	[tilespmem:s22], [sflag:$0x1] =	stream.indirect.gather [hbm4b:s4+s25], $0x80, s8, s25, $0xb8;
	[tilespmem:$0x1C200] =	vst v63  }
0x60: {  	_ =	swait.ge [sflag:s31], $0x4000  }
0x61: {  	[sflag:s31] =	ssyncset.done $0x0  }
0x62: {  	[sflag:s31] =	ssyncadd.s32 $0xFFFFC000  }
0x63: {  	[spmem:s2] =	stream.indirect.scatter.add.f32 [tilespmem:s28], [sflag:$0x4], $0x80, s26, s25, $0xb8;
	[tilespmem:$0x1C200] =	vst v63  }
0x64: {  	_ =	swait.ge [sflag:s0], $0x4000  }
0x65: {  	s6 =	sadd.s32 $0x0, s21;
	[sflag:s0] =	ssyncset.done $0x0  }
0x66: {  	s7 =	sadd.s32 $0x30, s6;
	[sflag:s0] =	ssyncadd.s32 $0xFFFFC000  }
0x67: {  	[tilespmem:s26], [sflag:$0x5] =	stream.linear.gather [hbm4b:s7+s3], $0x80, $0x38;
	[tilespmem:$0x1C200] =	vst v63  }
0x68: {  	_ =	swait.ge [sflag:s23], $0x80  }
0x69: {  	s9 =	sadd.s32 $0x0, s20;
	[sflag:s23] =	ssyncset.done $0x0  }
0x6a: {  	s8 =	sadd.s32 $0x30, s9;
	[sflag:s23] =	ssyncadd.s32 $0xFFFFFF80  }
0x6b: {  	[tilespmem:s25], [sflag:$0x5] =	stream.linear.gather [hbm4b:s8+s3], $0x80, $0x38;
	[tilespmem:$0x1C200] =	vst v63  }
0x6c: {  	_ =	swait.ge [sflag:s23], $0x80  }
0x6d: {  	[sflag:s23] =	ssyncset.done $0x0  }
0x6e: {  	[sflag:s23] =	ssyncadd.s32 $0xFFFFFF80  }
0x6f: {  	[tilespmem:s28], [sflag:$0x2] =	stream.indirect.gather [hbm4b:s4+s25], $0x80, s25, s25, $0xb8;
	[tilespmem:$0x1C200] =	vst v63  }
0x70: {  	_ =	swait.ge [sflag:s29], $0x4000  }
0x71: {  	[sflag:s29] =	ssyncset.done $0x0  }
0x72: {  	[sflag:s29] =	ssyncadd.s32 $0xFFFFC000  }
0x73: {  	[spmem:s2] =	stream.indirect.scatter.add.f32 [tilespmem:s22], [sflag:$0x3], $0x80, s24, s25, $0xb8;
	[tilespmem:$0x1C200] =	vst v63  }
0x74: {  	_ =	swait.ge [sflag:s30], $0x4000  }
0x75: {  	[sflag:s30] =	ssyncset.done $0x0  }
0x76: {  	s6 =	sadd.s32 $0x40, s6;
	[sflag:s30] =	ssyncadd.s32 $0xFFFFC000  }
0x77: {  	[tilespmem:s24], [sflag:$0x5] =	stream.linear.gather [hbm4b:s6+s3], $0x80, $0x38;
	[tilespmem:$0x1C200] =	vst v63  }
0x78: {  	_ =	swait.ge [sflag:s23], $0x80  }
0x79: {  	[sflag:s23] =	ssyncset.done $0x0  }
0x7a: {  	s9 =	sadd.s32 $0x40, s9;
	[sflag:s23] =	ssyncadd.s32 $0xFFFFFF80  }
0x7b: {  	[tilespmem:s3], [sflag:$0x5] =	stream.linear.gather [hbm4b:s9+s3], $0x80, $0x38;
	[tilespmem:$0x1C200] =	vst v63  }
0x7c: {  	_ =	swait.ge [sflag:s23], $0x80  }
0x7d: {  	[sflag:s23] =	ssyncset.done $0x0  }
0x7e: {  	[sflag:s23] =	ssyncadd.s32 $0xFFFFFF80  }
0x7f: {  	[tilespmem:s22], [sflag:$0x1] =	stream.indirect.gather [hbm4b:s4+s25], $0x80, s3, s25, $0xb8;
	[tilespmem:$0x1C200] =	vst v63  }
0x80: {  	_ =	swait.ge [sflag:s31], $0x4000  }
0x81: {  	[sflag:s31] =	ssyncset.done $0x0  }
0x82: {  	s6 =	simm.s32 $0x20;
	[sflag:s31] =	ssyncadd.s32 $0xFFFFC000  }
.LBB2_4:
0x83: {  	[spmem:s2] =	stream.indirect.scatter.add.f32 [tilespmem:s28], [sflag:$0x4], $0x80, s26, s25, $0xb8;
	[tilespmem:$0x1C200] =	vst v63  }
0x84: {  	s7 =	smov.u32 s6  }
0x85: {  	p0 =	sne.s32 s6, $0x4A0;
	s6 =	sadd.s32 $0x20, s6;
	_ =	swait.ge [sflag:s0], $0x4000  }
0x86: {  	s8 =	sadd.s32 s7, s21;
	[sflag:s0] =	ssyncset.done $0x0  }
0x87: {  	s9 =	sadd.s32 $0x30, s8;
	[sflag:s0] =	ssyncadd.s32 $0xFFFFC000  }
0x88: {  	[tilespmem:s26], [sflag:$0x5] =	stream.linear.gather [hbm4b:s9+s3], $0x80, $0x38;
	[tilespmem:$0x1C200] =	vst v63  }
0x89: {  	_ =	swait.ge [sflag:s23], $0x80  }
0x8a: {  	s7 =	sadd.s32 s7, s20;
	[sflag:s23] =	ssyncset.done $0x0  }
0x8b: {  	s9 =	sadd.s32 $0x30, s7;
	[sflag:s23] =	ssyncadd.s32 $0xFFFFFF80  }
0x8c: {  	[tilespmem:s25], [sflag:$0x5] =	stream.linear.gather [hbm4b:s9+s3], $0x80, $0x38;
	[tilespmem:$0x1C200] =	vst v63  }
0x8d: {  	_ =	swait.ge [sflag:s23], $0x80  }
0x8e: {  	[sflag:s23] =	ssyncset.done $0x0  }
0x8f: {  	[sflag:s23] =	ssyncadd.s32 $0xFFFFFF80  }
0x90: {  	[tilespmem:s28], [sflag:$0x2] =	stream.indirect.gather [hbm4b:s4+s25], $0x80, s25, s25, $0xb8;
	[tilespmem:$0x1C200] =	vst v63  }
0x91: {  	_ =	swait.ge [sflag:s29], $0x4000  }
0x92: {  	[sflag:s29] =	ssyncset.done $0x0  }
0x93: {  	[sflag:s29] =	ssyncadd.s32 $0xFFFFC000  }
0x94: {  	[spmem:s2] =	stream.indirect.scatter.add.f32 [tilespmem:s22], [sflag:$0x3], $0x80, s24, s25, $0xb8;
	[tilespmem:$0x1C200] =	vst v63  }
0x95: {  	_ =	swait.ge [sflag:s30], $0x4000  }
0x96: {  	[sflag:s30] =	ssyncset.done $0x0  }
0x97: {  	s8 =	sadd.s32 $0x40, s8;
	[sflag:s30] =	ssyncadd.s32 $0xFFFFC000  }
0x98: {  	[tilespmem:s24], [sflag:$0x5] =	stream.linear.gather [hbm4b:s8+s3], $0x80, $0x38;
	[tilespmem:$0x1C200] =	vst v63  }
0x99: {  	_ =	swait.ge [sflag:s23], $0x80  }
0x9a: {  	[sflag:s23] =	ssyncset.done $0x0  }
0x9b: {  	s7 =	sadd.s32 $0x40, s7;
	[sflag:s23] =	ssyncadd.s32 $0xFFFFFF80  }
0x9c: {  	[tilespmem:s3], [sflag:$0x5] =	stream.linear.gather [hbm4b:s7+s3], $0x80, $0x38;
	[tilespmem:$0x1C200] =	vst v63  }
0x9d: {  	_ =	swait.ge [sflag:s23], $0x80  }
0x9e: {  	[sflag:s23] =	ssyncset.done $0x0  }
.Ltmp1:
0x9f: {  	[sflag:s23] =	ssyncadd.s32 $0xFFFFFF80;
	(pc) =	sbr.rel @p0 .LBB2_4-.Ltmp1, $4  }
0xa0: {  	[tilespmem:s22], [sflag:$0x1] =	stream.indirect.gather [hbm4b:s4+s25], $0x80, s3, s25, $0xb8;
	[tilespmem:$0x1C200] =	vst v63  }
0xa1: {  	_ =	swait.ge [sflag:s31], $0x4000  }
0xa2: {  	[sflag:s31] =	ssyncset.done $0x0  }
0xa3: {  	[sflag:s31] =	ssyncadd.s32 $0xFFFFC000  }
0xa4: {  	[spmem:s2] =	stream.indirect.scatter.add.f32 [tilespmem:s28], [sflag:$0x4], $0x80, s26, s25, $0xb8;
	[tilespmem:$0x1C200] =	vst v63  }
0xa5: {  	_ =	swait.ge [sflag:s0], $0x4000  }
0xa6: {  	[sflag:s0] =	ssyncset.done $0x0  }
0xa7: {  	[sflag:s0] =	ssyncadd.s32 $0xFFFFC000  }
0xa8: {  	[tilespmem:s26], [sflag:$0x5] =	stream.linear.gather [hbm4b:s18+s3], $0x80, $0x38;
	[tilespmem:$0x1C200] =	vst v63  }
0xa9: {  	_ =	swait.ge [sflag:s23], $0x80  }
0xaa: {  	[sflag:s23] =	ssyncset.done $0x0  }
0xab: {  	[sflag:s23] =	ssyncadd.s32 $0xFFFFFF80  }
0xac: {  	[tilespmem:s25], [sflag:$0x5] =	stream.linear.gather [hbm4b:s19+s3], $0x80, $0x38;
	[tilespmem:$0x1C200] =	vst v63  }
0xad: {  	_ =	swait.ge [sflag:s23], $0x80  }
0xae: {  	[sflag:s23] =	ssyncset.done $0x0  }
0xaf: {  	[sflag:s23] =	ssyncadd.s32 $0xFFFFFF80  }
0xb0: {  	[tilespmem:s28], [sflag:$0x2] =	stream.indirect.gather [hbm4b:s4+s25], $0x80, s25, s25, $0xb8;
	[tilespmem:$0x1C200] =	vst v63  }
0xb1: {  	_ =	swait.ge [sflag:s29], $0x4000  }
0xb2: {  	[sflag:s29] =	ssyncset.done $0x0  }
0xb3: {  	[sflag:s29] =	ssyncadd.s32 $0xFFFFC000  }
0xb4: {  	[spmem:s2] =	stream.indirect.scatter.add.f32 [tilespmem:s22], [sflag:$0x3], $0x80, s24, s25, $0xb8;
	[tilespmem:$0x1C200] =	vst v63  }
0xb5: {  	_ =	swait.ge [sflag:s31], $0x4000  }
0xb6: {  	[sflag:s31] =	ssyncset.done $0x0  }
0xb7: {  	[sflag:s31] =	ssyncadd.s32 $0xFFFFC000  }
0xb8: {  	[spmem:s2] =	stream.indirect.scatter.add.f32 [tilespmem:s28], [sflag:$0x4], $0x80, s26, s25, $0xb8;
	[tilespmem:$0x1C200] =	vst v63  }
0xb9: {  	_ =	swait.ge [sflag:s30], $0x4000  }
0xba: {  	[sflag:s30] =	ssyncset.done $0x0  }
0xbb: {  	[sflag:s30] =	ssyncadd.s32 $0xFFFFC000  }
0xbc: {  	s6 =	stileid.u32;
	_ =	swait.ge [sflag:s0], $0x4000  }
0xbd: {  	s7 =	sshrl.u32 s5, $0x3;
	s1 =	sadd.s32 $0x1, s1;
	[sflag:s0] =	ssyncset.done $0x0  }
0xbe: {  	s6 =	sshll.u32 s6, $0x6;
	p0 =	sne.s32 s1, s13;
	[sflag:s0] =	ssyncadd.s32 $0xFFFFC000  }
.Ltmp2:
0xbf: {  	s6 =	sor.u32 $0x1C05, s6;
	[bflag:$0x0] =	sbarrier.arrive $0xFFFF;
	(pc) =	sbr.rel @p0 .LBB2_1-.Ltmp2, $4  }
0xc0: {  	[hbm:s12], [sflag:s6] =	dma.local [spmem:s7], $0x2800  }
0xc1: {  	_ =	swait.ge [sflag:s23], $0x2800  }
0xc2: {  	[sflag:s23] =	ssyncset.done $0x0  }
0xc3: {  	[sflag:s23] =	ssyncadd.s32 $0xFFFFD800  }
0xc4: {  	_ =	sfence.sel $0x180000  }
0xc5: {  	[bflag:$0x0] =	sbarrier.arrive $0xFFFF  }
0xc6: {  	_ =	strace $0x9000004D  }
0xc7: {  	s0 =	stileid.u32;
	[bflag:$0x2] =	sbarrier.arrive $0xFFFF  }
0xc8: {  	p0 =	sne.s32 s0, $0x0;
	s0 =	rddreg [dreg:$0x2]  }
0xc9: {  	s0 =	sadd.s32 @!p0 $0x100000, s0  }
0xca: {  	[sflag:s0] =	ssyncadd.tile.s32 @!p0 $0x1;
	_ =	shalt  }
.Lfunc_end2:
_tile_overlayer_lowered:
.L_overlay_start_2:
0xcb: {  	(tag) =	ssettag $0x2  }
0xcc: {  	s0 =	rddreg [dreg:$0x0];
	s2 =	stileid.u32  }
0xcd: {  	s1 =	rddreg [dreg:$0x1];
	p0 =	sne.s32 s2, $0x0  }
0xce: {  	s3 =	rddreg [dreg:$0x2];
	[bflag:$0x3] =	sbarrier.arrive $0xFFFF;
	s2 =	simm.s32 @!p0 $0x1C05  }
0xcf: {  	[timem:s3], [sflag:s2] =	dma.local @!p0 [hbm:s0], s1  }
0xd0: {  	s0 =	simm.s32 @!p0 $0x5  }
0xd1: {  	_ =	swait.ge @!p0 [sflag:s0], s1  }
0xd2: {  	s1 =	ssub.s32 @!p0 $0x0, s1;
	[sflag:s0] =	ssyncset.done @!p0 $0x0  }
0xd3: {  	[sflag:s0] =	ssyncadd.s32 @!p0 s1  }
0xd4: {  	[bflag:$0x3] =	sbarrier.arrive $0xFFFF  }
0xd5: {  	_ =	shalt  }

// kernel: kernel.19.cloned.1.call-start
scs
__scs_entry_jumppad:
0x0: {  	(pc) =	sbr.rel $0x88, $3  }
0x1: {  	(tag) =	ssettag $0x0;
	lr =	simm.s32 $0x1  }
0x2: {  	[smem:$0x3F91] =	sst lr;
	_ =	strace $0xD0000000  }
0x3: {  	_ = 	snop  }
0x4: {  	_ = 	snop  }
0x5: {  	_ = 	snop  }
0x6: {  	_ = 	snop  }
0x7: {  	_ = 	snop  }
__scs_overlays_trampoline_lowered:
0x8: {  	[smem:$0x3FA0] =	sst s0  }
0x9: {  	[smem:$0x3FA1] =	sst s1  }
0xa: {  	[smem:$0x3FA2] =	sst s2  }
0xb: {  	[smem:$0x3FA3] =	sst s3  }
0xc: {  	[smem:$0x3FA4] =	sst s4  }
0xd: {  	[smem:$0x3FA5] =	sst s5  }
0xe: {  	[smem:$0x3FA6] =	sst s6  }
0xf: {  	[smem:$0x3FA7] =	sst s7  }
0x10: {  	[smem:$0x3FA8] =	sst s8  }
0x11: {  	[smem:$0x3FA9] =	sst s9;
	s0 =	simm.s32 @!p0 $0x0  }
0x12: {  	s1 =	sld [smem:$0x3F8F];
	s0 =	simm.s32 @p0 $0x1  }
0x13: {  	[smem:$0x3FAA] =	sst s0;
	s0 =	simm.s32 @!p1 $0x0  }
0x14: {  	s2 =	sld [smem:$0x3F8E];
	s0 =	simm.s32 @p1 $0x1  }
0x15: {  	[smem:$0x3FAB] =	sst s0;
	s0 =	simm.s32 @!p2 $0x0  }
0x16: {  	s3 =	sld [smem:$0x3FDB];
	s0 =	simm.s32 @p2 $0x1  }
0x17: {  	s4 =	simm.s32 $0x1BF5;
	[smem:$0x3FAD] =	sst s0  }
0x18: {  	s0 =	sld [smem:$0x3F90];
	_ =	swait.ge [sflag:s4], $0x0  }
0x19: {  	s7 =	sld [smem:$0x3F91]  }
0x1a: {  	s8 =	sadd.s32 $0xFFFFE003, lr  }
0x1b: {  	s9 =	sadd.s32 $0xFFFFFEF7, lr;
	s5 =	simm.s32 $0xFFFFFFFF;
	p2 =	slt.u32 s8, $0xFFFFF086  }
0x1c: {  	p1 =	slt.u32 s9, $0xF7A;
	s5 =	simm.s32 @!p2 $0x0  }
0x1d: {  	s5 =	simm.s32 @p1 $0x1;
	p0 =	seq.s32 s7, s2  }
0x1e: {  	s7 =	smul.u32 @!p0 $0xF7A, s2;
	p2 =	seq.s32 @!p0 s5, $0x0  }
0x1f: {  	s9 =	smul.u32 $0xF7A, s1;
	s8 =	simm.s32 @!p0 $0x1BF5;
	p2 =	por !p2, p0  }
0x20: {  	[sflag:s8] =	ssyncset.s32 @!p0 $0xFFFFF086;
	s6 =	sadd.s32 @!p0 s3, s7;
	s7 =	simm.s32 @!p0 $0x108  }
0x21: {  	s3 =	sadd.s32 s3, s9;
	s6 =	sadd.s32 @!p0 $0x88, s6;
	s7 =	simm.s32 @p2 $0x1082  }
0x22: {  	[simem:s7], [sflag:s8] =	dma.local @!p0 [hbm:s6], $0xF7A  }
0x23: {  	s9 =	sor.u32 $0xD0000000, s2;
	s6 =	simm.s32 $0x108;
	_ =	swait.ge @!p0 [sflag:s8], $0x0  }
0x24: {  	s3 =	sadd.s32 $0x88, s3;
	s6 =	simm.s32 @!p1 $0x1082;
	[sflag:s4] =	ssyncset.s32 $0xFFFFF086  }
0x25: {  	[simem:s6], [sflag:s4] =	dma.local [hbm:s3], $0xF7A  }
0x26: {  	[smem:$0x3F91] =	sst s1;
	(tag) =	ssettag s2;
	_ =	strace s9  }
0x27: {  	s1 =	sld [smem:$0x3FA1]  }
0x28: {  	s2 =	sld [smem:$0x3FA2]  }
0x29: {  	s4 =	sld [smem:$0x3FA4]  }
0x2a: {  	p0 =	seq.s32 s5, $0x0;
	s5 =	sld [smem:$0x3FA5]  }
0x2b: {  	s6 =	sld [smem:$0x3FA6]  }
0x2c: {  	s7 =	sld [smem:$0x3FA7]  }
0x2d: {  	s3 =	simm.s32 $0x108;
	s8 =	sld [smem:$0x3FA8]  }
0x2e: {  	s3 =	simm.s32 @!p0 $0x1082;
	s9 =	sld [smem:$0x3FA9]  }
0x2f: {  	lr =	sadd.s32 s0, s3;
	s0 =	sld [smem:$0x3FA0]  }
0x30: {  	s3 =	sld [smem:$0x3FA3]  }
0x31: {  	[smem:$0x3FAC] =	sst s10  }
0x32: {  	s10 =	sld [smem:$0x3FAA];
	_ =	sdelay $0x3  }
0x33: {  	p0 =	seq.s32 s10, $0x1;
	s10 =	sld [smem:$0x3FAC];
	_ =	sdelay $0x3  }
0x34: {  	[smem:$0x3FAC] =	sst s10  }
0x35: {  	s10 =	sld [smem:$0x3FAB];
	_ =	sdelay $0x3  }
0x36: {  	p1 =	seq.s32 s10, $0x1;
	s10 =	sld [smem:$0x3FAC];
	_ =	sdelay $0x3  }
0x37: {  	[smem:$0x3FAC] =	sst s10  }
0x38: {  	s10 =	sld [smem:$0x3FAD]  }
0x39: {  	_ = 	snop;
	(pc) =	sbr.ind lr, $3  }
0x3a: {  	_ = 	snop  }
0x3b: {  	_ = 	snop  }
0x3c: {  	p2 =	seq.s32 s10, $0x1;
	s10 =	sld [smem:$0x3FAC]  }
0x3d: {  	_ =	shalt  }
0x3e: {  	_ =	shalt  }
0x3f: {  	_ =	shalt  }
0x40: {  	_ =	shalt  }
0x41: {  	_ =	shalt  }
0x42: {  	_ =	shalt  }
0x43: {  	_ =	shalt  }
0x44: {  	_ =	shalt  }
0x45: {  	_ =	shalt  }
0x46: {  	_ =	shalt  }
0x47: {  	_ =	shalt  }
0x48: {  	_ =	shalt  }
0x49: {  	_ =	shalt  }
0x4a: {  	_ =	shalt  }
0x4b: {  	_ =	shalt  }
0x4c: {  	_ =	shalt  }
0x4d: {  	_ =	shalt  }
0x4e: {  	_ =	shalt  }
0x4f: {  	_ =	shalt  }
0x50: {  	_ =	shalt  }
0x51: {  	_ =	shalt  }
0x52: {  	_ =	shalt  }
0x53: {  	_ =	shalt  }
0x54: {  	_ =	shalt  }
0x55: {  	_ =	shalt  }
0x56: {  	_ =	shalt  }
0x57: {  	_ =	shalt  }
0x58: {  	_ =	shalt  }
0x59: {  	_ =	shalt  }
0x5a: {  	_ =	shalt  }
0x5b: {  	_ =	shalt  }
0x5c: {  	_ =	shalt  }
0x5d: {  	_ =	shalt  }
0x5e: {  	_ =	shalt  }
0x5f: {  	_ =	shalt  }
0x60: {  	_ =	shalt  }
0x61: {  	_ =	shalt  }
0x62: {  	_ =	shalt  }
0x63: {  	_ =	shalt  }
0x64: {  	_ =	shalt  }
0x65: {  	_ =	shalt  }
0x66: {  	_ =	shalt  }
0x67: {  	_ =	shalt  }
0x68: {  	_ =	shalt  }
0x69: {  	_ =	shalt  }
0x6a: {  	_ =	shalt  }
0x6b: {  	_ =	shalt  }
0x6c: {  	_ =	shalt  }
0x6d: {  	_ =	shalt  }
0x6e: {  	_ =	shalt  }
0x6f: {  	_ =	shalt  }
0x70: {  	_ =	shalt  }
0x71: {  	_ =	shalt  }
0x72: {  	_ =	shalt  }
0x73: {  	_ =	shalt  }
0x74: {  	_ =	shalt  }
0x75: {  	_ =	shalt  }
0x76: {  	_ =	shalt  }
0x77: {  	_ =	shalt  }
0x78: {  	_ =	shalt  }
0x79: {  	_ =	shalt  }
0x7a: {  	_ =	shalt  }
0x7b: {  	_ =	shalt  }
0x7c: {  	_ =	shalt  }
0x7d: {  	_ =	shalt  }
0x7e: {  	_ =	shalt  }
0x7f: {  	_ =	shalt  }
0x80: {  	_ =	shalt  }
0x81: {  	_ =	shalt  }
0x82: {  	_ =	shalt  }
0x83: {  	_ =	shalt  }
0x84: {  	_ =	shalt  }
0x85: {  	_ =	shalt  }
0x86: {  	_ =	shalt  }
0x87: {  	_ =	shalt  }
.Lfunc_end0:
.L_simem_size_0:
called_computation.3_lowered:
.L_overlay_start_0:
0x88: {  	s2 =	sld [smem:$0x3FD9]  }
0x89: {  	s3 =	sld [smem:$0x3FFE];
	_ =	sdelay $0x1  }
0x8a: {  	s1 =	srdreg.scid  }
0x8b: {  	s0 =	sand.u32 $0x1, s1  }
0x8c: {  	s16 =	sshll.u32 s0, $0xA;
	s2 =	sadd.s32 s3, s2  }
0x8d: {  	s2 =	sadd.s32 s2, s16  }
0x8e: {  	[smem:$0x3FB8] =	sst s2  }
0x8f: {  	_ = 	snop  }
0x90: {  	(tm) =	ssettm $0x1  }
0x91: {  	s17 =	sld [smem:$0x3FFB];
	_ =	sdelay $0x3  }
0x92: {  	_ =	strace s17  }
0x93: {  	s2 =	sld [smem:$0x3FFC];
	_ =	sdelay $0x3  }
0x94: {  	_ =	strace s2  }
0x95: {  	s2 =	sld [smem:$0x3FFD];
	_ =	sdelay $0x3  }
0x96: {  	_ =	strace s2  }
0x97: {  	_ =	strace $0x8FFFFFFF  }
0x98: {  	s18 =	sld [smem:$0x3FDB];
	_ =	sdelay $0x1  }
0x99: {  	s19 =	simm.s32 $_scs_section_size  }
0x9a: {  	s4 =	simm.s32 $_size__tile_overlayer_lowered;
	s5 =	simm.s32 $_tile_overlayer_lowered  }
0x9b: {  	s22 =	simm.s32 $0x1BFF;
	s21 =	sshll.u32 s5, $0x1;
	s2 =	sadd.s32 s19, s18  }
0x9c: {  	s6 =	simm.s32 $0x0;
	s20 =	sshll.u32 s4, $0x1;
	s4 =	sadd.s32 s21, s2  }
0x9d: {  	[timem:s6], [sflag:s22] =	dma.local [hbm:s4], s20  }
0x9e: {  	_ =	swait.ge [sflag:s22], s20  }
0x9f: {  	s3 =	ssub.s32 $0x0, s20;
	[sflag:s22] =	ssyncset.done $0x0  }
0xa0: {  	[sflag:s22] =	ssyncadd.s32 s3;
	_ =	sdelay $0x1  }
0xa1: {  	s23 =	simm.s32 $0x1B8B  }
0xa2: {  	_ =	swait.ge [sflag:s23], $0x1  }
0xa3: {  	[sflag:s23] =	ssyncset.done $0x0  }
0xa4: {  	s25 =	simm.s32 $0x1B8E;
	s24 =	sld [smem:$0x3FFE];
	[sflag:s23] =	ssyncadd.s32 $0xFFFFFFFF  }
0xa5: {  	s26 =	simm.s32 $execute0_lowered;
	[smem:$0x3FD2] =	sst s25  }
0xa6: {  	s4 =	sshll.u32 s26, $0x1;
	_ =	strace $0x8000004F;
	[dreg:$0x1] =	wrdreg $0xFFFFFFFF  }
0xa7: {  	s28 =	simm.s32 $_size_execute0_lowered;
	s2 =	sadd.s32 s2, s4;
	[dreg:$0x0] =	wrdreg $0x0  }
0xa8: {  	s4 =	sshll.u32 s28, $0x1;
	[dreg:$0x2] =	wrdreg s2  }
0xa9: {  	[dreg:$0x3] =	wrdreg s4  }
0xaa: {  	[dreg:$0x4] =	wrdreg $0xC0  }
0xab: {  	_ =	task [dreg:s6], $0x5FFFF  }
0xac: {  	[dreg:$0x1] =	wrdreg $0xFFFFFFFF  }
0xad: {  	[dreg:$0x0] =	wrdreg $0x60  }
0xae: {  	[dreg:$0x2] =	wrdreg s24  }
0xaf: {  	[dreg:$0x3] =	wrdreg $0x82000  }
0xb0: {  	[dreg:$0x4] =	wrdreg $0x9  }
0xb1: {  	_ =	task.clear_ibuf [dreg:s6], $0x5FFFF;
	_ =	strace $0x9000004F  }
0xb2: {  	s29 =	simm.s32 $0x9;
	_ =	strace $0x80000051  }
0xb3: {  	_ =	swait.ge [sflag:s29], $0x1  }
0xb4: {  	[sflag:s29] =	ssyncadd.s32 $0xFFFFFFFF  }
0xb5: {  	_ =	strace $0x90000051  }
0xb6: {  	_ =	sfence  }
0xb7: {  	s30 =	sld [smem:$0x0];
	_ =	sdelay $0x2  }
0xb8: {  	s31 =	sshll.u32 s1, $0xD;
	s1 =	sshrl.u32 s1, $0x2  }
0xb9: {  	s3 =	sand.u32 $0x4000, s31;
	s1 =	sadd.s32 s1, s30  }
0xba: {  	s0 =	sor.u32 s3, s0;
	s1 =	sshll.u32 s1, $0x11  }
0xbb: {  	s0 =	sor.u32 s1, s0  }
0xbc: {  	s0 =	sadd.s32 $0x8F2B, s0  }
0xbd: {  	[sflag:s0] =	ssyncadd.remote.s32 $0x1  }
0xbe: {  	_ =	sfence.sel $0xFFFF  }
0xbf: {  	[dreg:$0x0] =	wrdreg $0xFFFFFFFF;
	(pc) =	sbr.abs _section_cstart, $3  }
0xc0: {  	[dreg:$0x1] =	wrdreg $0xFFFFFFFF  }
0xc1: {  	_ =	task.clear_ibuf [dreg:s6], $0x2FFFF;
	_ =	strace $0x9FFFFFFF  }
0xc2: {  	(tm) =	ssettm $0x7FFFFFFF  }
0xc3: {  	_ =	shalt  }
tec
execute0_lowered:
.L_overlay_start_1:
0x0: {  	(tag) =	ssettag $0x1  }
0x1: {  	s0 =	rddreg [dreg:$0x0]  }
0x2: {  	s2 =	rddreg [dreg:$0x1];
	s3 =	simm.s32 $0x0  }
0x3: {  	s1 =	srdreg.scid;
	s18 =	stileid.u32;
	s28 =	simm.s32 $0x4200  }
0x4: {  	s29 =	simm.s32 $0x1;
	s30 =	simm.s32 $0x3;
	s5 =	smul.u32 $0x2800, s18  }
0x5: {  	s31 =	simm.s32 $0x2;
	[smem:$0x7FF] =	sst s3;
	s8 =	smul.u32 $0x50000, s18  }
0x6: {  	s1 =	sand.u32 $0x1, s1;
	s4 =	sadd.s32 $0x3400, s0;
	s11 =	smul.u32 $0x50, s18  }
0x7: {  	s7 =	sadd.s32 $0x2B400, s0;
	s21 =	sadd.s32 $0x35400, s0;
	s6 =	smul.u32 $0x28000, s1  }
0x8: {  	_ =	strace $0x80000050;
	s16 =	ssub.s32 $0x2, s1;
	s9 =	smul.u32 $0x500, s1  }
0x9: {  	s1 =	smul.u32 $0x5000, s1;
	s10 =	sshrl.u32 s16, $0x1;
	s8 =	sshrl.u32 s8, $0x2  }
0xa: {  	s5 =	sadd.s32 s5, s6;
	s6 =	ssub.s32 s16, s10;
	s19 =	sadd.s32 s11, s9  }
0xb: {  	s25 =	sadd.s32 s1, s7;
	s0 =	sadd.s32 s5, s0;
	s5 =	sadd.s32 s8, s2  }
0xc: {  	s26 =	sadd.s32 s1, s21;
	s1 =	simm.s32 $0x0;
	s8 =	sadd.s32 $0x4000, s5  }
0xd: {  	s13 =	smax.u32 s6, $0x1;
	s17 =	sadd.s32 $0x8000, s5;
	[dreg:$0x3] =	wrdreg s8  }
0xe: {  	s20 =	sadd.s32 $0xC000, s5;
	s22 =	sadd.s32 $0x10000, s5;
	[dreg:$0x4] =	wrdreg s17  }
0xf: {  	s12 =	sadd.s32 $0x67400, s0;
	s0 =	simm.s32 $0x4;
	[dreg:$0x5] =	wrdreg s20  }
0x10: {  	[dreg:$0x6] =	wrdreg s22;
	s17 =	sshll.u32 s19, $0x4;
	s22 =	smul.u32 $0x500, s18  }
0x11: {  	s10 =	sadd.s32 s21, s17;
	s11 =	sadd.s32 s7, s17;
	s15 =	sor.u32 $0x10, s17  }
0x12: {  	s23 =	sor.u32 $0x20, s17;
	s24 =	sadd.s32 $0x4F0, s17;
	s14 =	sadd.s32 s21, s15  }
0x13: {  	s15 =	sadd.s32 s7, s15;
	s16 =	sadd.s32 s21, s23;
	s17 =	sadd.s32 s7, s23  }
0x14: {  	s18 =	sadd.s32 s21, s24;
	s19 =	sadd.s32 s7, s24;
	s20 =	sadd.s32 s22, s25  }
0x15: {  	s21 =	sadd.s32 s22, s26;
	s22 =	simm.s32 $0x200;
	s23 =	simm.s32 $0x5  }
0x16: {  	v0 =	vimm.f32 $0.0e+00;
	s24 =	simm.s32 $0x100;
	s25 =	simm.s32 $0x80;
	s26 =	simm.s32 $0x180  }
.LBB2_1:
0x17: {  	s6 =	simm.s32 $0x0;
	s7 =	simm.s32 $0x200  }
.LBB2_2:
0x18: {  	p0 =	sne.s32 s7, $0xFE00;
	[tilespmem:s6+$0x270] =	vst v0  }
0x19: {  	[tilespmem:s6+$0x200] =	vst v0  }
0x1a: {  	[tilespmem:s6+$0x210] =	vst v0  }
.Ltmp0:
0x1b: {  	[tilespmem:s6+$0x220] =	vst v0;
	(pc) =	sbr.rel @p0 .LBB2_2-.Ltmp0, $4  }
0x1c: {  	[tilespmem:s6+$0x230] =	vst v0  }
0x1d: {  	[tilespmem:s6+$0x240] =	vst v0  }
0x1e: {  	[tilespmem:s6+$0x250] =	vst v0  }
0x1f: {  	[tilespmem:s6+$0x260] =	vst v0;
	s6 =	sshra.s32 s7, $0x2;
	s7 =	sadd.s32 $0x200, s7  }
0x20: {  	[tilespmem:s6+$0x270] =	vst v0  }
0x21: {  	[tilespmem:s6+$0x200] =	vst v0  }
0x22: {  	[tilespmem:s6+$0x210] =	vst v0  }
0x23: {  	[tilespmem:s6+$0x220] =	vst v0  }
0x24: {  	[tilespmem:s6+$0x230] =	vst v0  }
0x25: {  	[tilespmem:s6+$0x240] =	vst v0  }
0x26: {  	[tilespmem:s6+$0x250] =	vst v0  }
0x27: {  	[tilespmem:s6+$0x260] =	vst v0  }
0x28: {  	[spmem:s5] =	stream.linear.scatter [tilespmem:s22], [sflag:$0x5], $0x4000, $0x38;
	[tilespmem:$0x1C200] =	vst v63  }
0x29: {  	_ =	swait.ge [sflag:s23], $0x4000  }
0x2a: {  	[sflag:s23] =	ssyncset.done $0x0  }
0x2b: {  	s7 =	rddreg [dreg:$0x3];
	[sflag:s23] =	ssyncadd.s32 $0xFFFFC000  }
0x2c: {  	[spmem:s7] =	stream.linear.scatter [tilespmem:s22], [sflag:$0x5], $0x4000, $0x38;
	[tilespmem:$0x1C200] =	vst v63  }
0x2d: {  	_ =	swait.ge [sflag:s23], $0x4000  }
0x2e: {  	[sflag:s23] =	ssyncset.done $0x0  }
0x2f: {  	s8 =	rddreg [dreg:$0x4];
	[sflag:s23] =	ssyncadd.s32 $0xFFFFC000  }
0x30: {  	[spmem:s8] =	stream.linear.scatter [tilespmem:s22], [sflag:$0x5], $0x4000, $0x38;
	[tilespmem:$0x1C200] =	vst v63  }
0x31: {  	_ =	swait.ge [sflag:s23], $0x4000  }
0x32: {  	[sflag:s23] =	ssyncset.done $0x0  }
0x33: {  	s9 =	rddreg [dreg:$0x5];
	[sflag:s23] =	ssyncadd.s32 $0xFFFFC000  }
0x34: {  	[spmem:s9] =	stream.linear.scatter [tilespmem:s22], [sflag:$0x5], $0x4000, $0x38;
	[tilespmem:$0x1C200] =	vst v63  }
0x35: {  	_ =	swait.ge [sflag:s23], $0x4000  }
0x36: {  	[sflag:s23] =	ssyncset.done $0x0  }
0x37: {  	s7 =	rddreg [dreg:$0x6];
	[sflag:s23] =	ssyncadd.s32 $0xFFFFC000  }
0x38: {  	[spmem:s7] =	stream.linear.scatter [tilespmem:s22], [sflag:$0x5], $0x4000, $0x38;
	[tilespmem:$0x1C200] =	vst v63  }
0x39: {  	_ =	swait.ge [sflag:s23], $0x4000  }
0x3a: {  	[sflag:s23] =	ssyncset.done $0x0  }
0x3b: {  	[sflag:s23] =	ssyncadd.s32 $0xFFFFC000  }
0x3c: {  	s8 =	simm.s32 $0x0;
	[bflag:$0x0] =	sbarrier.arrive $0xFFFF  }
0x3d: {  	[tilespmem:s24], [sflag:$0x5] =	stream.linear.gather [hbm4b:s10+s8], $0x80, $0x38;
	[tilespmem:$0x1C200] =	vst v63  }
0x3e: {  	_ =	swait.ge [sflag:s23], $0x80  }
0x3f: {  	[sflag:s23] =	ssyncset.done $0x0  }
0x40: {  	[sflag:s23] =	ssyncadd.s32 $0xFFFFFF80  }
0x41: {  	[tilespmem:s8], [sflag:$0x5] =	stream.linear.gather [hbm4b:s11+s8], $0x80, $0x38;
	[tilespmem:$0x1C200] =	vst v63  }
0x42: {  	_ =	swait.ge [sflag:s23], $0x80  }
0x43: {  	[sflag:s23] =	ssyncset.done $0x0  }
0x44: {  	[sflag:s23] =	ssyncadd.s32 $0xFFFFFF80  }
0x45: {  	[tilespmem:s22], [sflag:$0x1] =	stream.indirect.gather [hbm4b:s4+s25], $0x80, s8, s25, $0xb8;
	[tilespmem:$0x1C200] =	vst v63  }
0x46: {  	_ = 	snop  }
0x47: {  	[tilespmem:s26], [sflag:$0x5] =	stream.linear.gather [hbm4b:s14+s8], $0x80, $0x38;
	[tilespmem:$0x1C200] =	vst v63  }
0x48: {  	_ =	swait.ge [sflag:s23], $0x80  }
0x49: {  	[sflag:s23] =	ssyncset.done $0x0  }
0x4a: {  	[sflag:s23] =	ssyncadd.s32 $0xFFFFFF80  }
0x4b: {  	[tilespmem:s25], [sflag:$0x5] =	stream.linear.gather [hbm4b:s15+s8], $0x80, $0x38;
	[tilespmem:$0x1C200] =	vst v63  }
0x4c: {  	_ =	swait.ge [sflag:s23], $0x80  }
0x4d: {  	[sflag:s23] =	ssyncset.done $0x0  }
0x4e: {  	[sflag:s23] =	ssyncadd.s32 $0xFFFFFF80  }
0x4f: {  	[tilespmem:s28], [sflag:$0x2] =	stream.indirect.gather [hbm4b:s4+s25], $0x80, s25, s25, $0xb8;
	[tilespmem:$0x1C200] =	vst v63  }
0x50: {  	_ =	swait.ge [sflag:s29], $0x4000  }
0x51: {  	[sflag:s29] =	ssyncset.done $0x0  }
0x52: {  	[sflag:s29] =	ssyncadd.s32 $0xFFFFC000  }
0x53: {  	[spmem:s2] =	stream.indirect.scatter.add.f32 [tilespmem:s22], [sflag:$0x3], $0x80, s24, s25, $0xb8;
	[tilespmem:$0x1C200] =	vst v63  }
0x54: {  	_ =	swait.ge [sflag:s30], $0x4000  }
0x55: {  	[sflag:s30] =	ssyncset.done $0x0  }
0x56: {  	[sflag:s30] =	ssyncadd.s32 $0xFFFFC000  }
0x57: {  	[tilespmem:s24], [sflag:$0x5] =	stream.linear.gather [hbm4b:s16+s8], $0x80, $0x38;
	[tilespmem:$0x1C200] =	vst v63  }
0x58: {  	_ =	swait.ge [sflag:s23], $0x80  }
0x59: {  	[sflag:s23] =	ssyncset.done $0x0  }
0x5a: {  	[sflag:s23] =	ssyncadd.s32 $0xFFFFFF80  }
0x5b: {  	[tilespmem:s8], [sflag:$0x5] =	stream.linear.gather [hbm4b:s17+s8], $0x80, $0x38;
	[tilespmem:$0x1C200] =	vst v63  }
0x5c: {  	_ =	swait.ge [sflag:s23], $0x80  }
0x5d: {  	[sflag:s23] =	ssyncset.done $0x0  }
0x5e: {  	[sflag:s23] =	ssyncadd.s32 $0xFFFFFF80  }
0x5f: {  	[tilespmem:s22], [sflag:$0x1] =	stream.indirect.gather [hbm4b:s4+s25], $0x80, s8, s25, $0xb8;
	[tilespmem:$0x1C200] =	vst v63  }
0x60: {  	_ =	swait.ge [sflag:s31], $0x4000  }
0x61: {  	[sflag:s31] =	ssyncset.done $0x0  }
0x62: {  	[sflag:s31] =	ssyncadd.s32 $0xFFFFC000  }
0x63: {  	[spmem:s2] =	stream.indirect.scatter.add.f32 [tilespmem:s28], [sflag:$0x4], $0x80, s26, s25, $0xb8;
	[tilespmem:$0x1C200] =	vst v63  }
0x64: {  	_ =	swait.ge [sflag:s0], $0x4000  }
0x65: {  	s6 =	sadd.s32 $0x0, s21;
	[sflag:s0] =	ssyncset.done $0x0  }
0x66: {  	s7 =	sadd.s32 $0x30, s6;
	[sflag:s0] =	ssyncadd.s32 $0xFFFFC000  }
0x67: {  	[tilespmem:s26], [sflag:$0x5] =	stream.linear.gather [hbm4b:s7+s3], $0x80, $0x38;
	[tilespmem:$0x1C200] =	vst v63  }
0x68: {  	_ =	swait.ge [sflag:s23], $0x80  }
0x69: {  	s9 =	sadd.s32 $0x0, s20;
	[sflag:s23] =	ssyncset.done $0x0  }
0x6a: {  	s8 =	sadd.s32 $0x30, s9;
	[sflag:s23] =	ssyncadd.s32 $0xFFFFFF80  }
0x6b: {  	[tilespmem:s25], [sflag:$0x5] =	stream.linear.gather [hbm4b:s8+s3], $0x80, $0x38;
	[tilespmem:$0x1C200] =	vst v63  }
0x6c: {  	_ =	swait.ge [sflag:s23], $0x80  }
0x6d: {  	[sflag:s23] =	ssyncset.done $0x0  }
0x6e: {  	[sflag:s23] =	ssyncadd.s32 $0xFFFFFF80  }
0x6f: {  	[tilespmem:s28], [sflag:$0x2] =	stream.indirect.gather [hbm4b:s4+s25], $0x80, s25, s25, $0xb8;
	[tilespmem:$0x1C200] =	vst v63  }
0x70: {  	_ =	swait.ge [sflag:s29], $0x4000  }
0x71: {  	[sflag:s29] =	ssyncset.done $0x0  }
0x72: {  	[sflag:s29] =	ssyncadd.s32 $0xFFFFC000  }
0x73: {  	[spmem:s2] =	stream.indirect.scatter.add.f32 [tilespmem:s22], [sflag:$0x3], $0x80, s24, s25, $0xb8;
	[tilespmem:$0x1C200] =	vst v63  }
0x74: {  	_ =	swait.ge [sflag:s30], $0x4000  }
0x75: {  	[sflag:s30] =	ssyncset.done $0x0  }
0x76: {  	s6 =	sadd.s32 $0x40, s6;
	[sflag:s30] =	ssyncadd.s32 $0xFFFFC000  }
0x77: {  	[tilespmem:s24], [sflag:$0x5] =	stream.linear.gather [hbm4b:s6+s3], $0x80, $0x38;
	[tilespmem:$0x1C200] =	vst v63  }
0x78: {  	_ =	swait.ge [sflag:s23], $0x80  }
0x79: {  	[sflag:s23] =	ssyncset.done $0x0  }
0x7a: {  	s9 =	sadd.s32 $0x40, s9;
	[sflag:s23] =	ssyncadd.s32 $0xFFFFFF80  }
0x7b: {  	[tilespmem:s3], [sflag:$0x5] =	stream.linear.gather [hbm4b:s9+s3], $0x80, $0x38;
	[tilespmem:$0x1C200] =	vst v63  }
0x7c: {  	_ =	swait.ge [sflag:s23], $0x80  }
0x7d: {  	[sflag:s23] =	ssyncset.done $0x0  }
0x7e: {  	[sflag:s23] =	ssyncadd.s32 $0xFFFFFF80  }
0x7f: {  	[tilespmem:s22], [sflag:$0x1] =	stream.indirect.gather [hbm4b:s4+s25], $0x80, s3, s25, $0xb8;
	[tilespmem:$0x1C200] =	vst v63  }
0x80: {  	_ =	swait.ge [sflag:s31], $0x4000  }
0x81: {  	[sflag:s31] =	ssyncset.done $0x0  }
0x82: {  	s6 =	simm.s32 $0x20;
	[sflag:s31] =	ssyncadd.s32 $0xFFFFC000  }
.LBB2_4:
0x83: {  	[spmem:s2] =	stream.indirect.scatter.add.f32 [tilespmem:s28], [sflag:$0x4], $0x80, s26, s25, $0xb8;
	[tilespmem:$0x1C200] =	vst v63  }
0x84: {  	s7 =	smov.u32 s6  }
0x85: {  	p0 =	sne.s32 s6, $0x4A0;
	s6 =	sadd.s32 $0x20, s6;
	_ =	swait.ge [sflag:s0], $0x4000  }
0x86: {  	s8 =	sadd.s32 s7, s21;
	[sflag:s0] =	ssyncset.done $0x0  }
0x87: {  	s9 =	sadd.s32 $0x30, s8;
	[sflag:s0] =	ssyncadd.s32 $0xFFFFC000  }
0x88: {  	[tilespmem:s26], [sflag:$0x5] =	stream.linear.gather [hbm4b:s9+s3], $0x80, $0x38;
	[tilespmem:$0x1C200] =	vst v63  }
0x89: {  	_ =	swait.ge [sflag:s23], $0x80  }
0x8a: {  	s7 =	sadd.s32 s7, s20;
	[sflag:s23] =	ssyncset.done $0x0  }
0x8b: {  	s9 =	sadd.s32 $0x30, s7;
	[sflag:s23] =	ssyncadd.s32 $0xFFFFFF80  }
0x8c: {  	[tilespmem:s25], [sflag:$0x5] =	stream.linear.gather [hbm4b:s9+s3], $0x80, $0x38;
	[tilespmem:$0x1C200] =	vst v63  }
0x8d: {  	_ =	swait.ge [sflag:s23], $0x80  }
0x8e: {  	[sflag:s23] =	ssyncset.done $0x0  }
0x8f: {  	[sflag:s23] =	ssyncadd.s32 $0xFFFFFF80  }
0x90: {  	[tilespmem:s28], [sflag:$0x2] =	stream.indirect.gather [hbm4b:s4+s25], $0x80, s25, s25, $0xb8;
	[tilespmem:$0x1C200] =	vst v63  }
0x91: {  	_ =	swait.ge [sflag:s29], $0x4000  }
0x92: {  	[sflag:s29] =	ssyncset.done $0x0  }
0x93: {  	[sflag:s29] =	ssyncadd.s32 $0xFFFFC000  }
0x94: {  	[spmem:s2] =	stream.indirect.scatter.add.f32 [tilespmem:s22], [sflag:$0x3], $0x80, s24, s25, $0xb8;
	[tilespmem:$0x1C200] =	vst v63  }
0x95: {  	_ =	swait.ge [sflag:s30], $0x4000  }
0x96: {  	[sflag:s30] =	ssyncset.done $0x0  }
0x97: {  	s8 =	sadd.s32 $0x40, s8;
	[sflag:s30] =	ssyncadd.s32 $0xFFFFC000  }
0x98: {  	[tilespmem:s24], [sflag:$0x5] =	stream.linear.gather [hbm4b:s8+s3], $0x80, $0x38;
	[tilespmem:$0x1C200] =	vst v63  }
0x99: {  	_ =	swait.ge [sflag:s23], $0x80  }
0x9a: {  	[sflag:s23] =	ssyncset.done $0x0  }
0x9b: {  	s7 =	sadd.s32 $0x40, s7;
	[sflag:s23] =	ssyncadd.s32 $0xFFFFFF80  }
0x9c: {  	[tilespmem:s3], [sflag:$0x5] =	stream.linear.gather [hbm4b:s7+s3], $0x80, $0x38;
	[tilespmem:$0x1C200] =	vst v63  }
0x9d: {  	_ =	swait.ge [sflag:s23], $0x80  }
0x9e: {  	[sflag:s23] =	ssyncset.done $0x0  }
.Ltmp1:
0x9f: {  	[sflag:s23] =	ssyncadd.s32 $0xFFFFFF80;
	(pc) =	sbr.rel @p0 .LBB2_4-.Ltmp1, $4  }
0xa0: {  	[tilespmem:s22], [sflag:$0x1] =	stream.indirect.gather [hbm4b:s4+s25], $0x80, s3, s25, $0xb8;
	[tilespmem:$0x1C200] =	vst v63  }
0xa1: {  	_ =	swait.ge [sflag:s31], $0x4000  }
0xa2: {  	[sflag:s31] =	ssyncset.done $0x0  }
0xa3: {  	[sflag:s31] =	ssyncadd.s32 $0xFFFFC000  }
0xa4: {  	[spmem:s2] =	stream.indirect.scatter.add.f32 [tilespmem:s28], [sflag:$0x4], $0x80, s26, s25, $0xb8;
	[tilespmem:$0x1C200] =	vst v63  }
0xa5: {  	_ =	swait.ge [sflag:s0], $0x4000  }
0xa6: {  	[sflag:s0] =	ssyncset.done $0x0  }
0xa7: {  	[sflag:s0] =	ssyncadd.s32 $0xFFFFC000  }
0xa8: {  	[tilespmem:s26], [sflag:$0x5] =	stream.linear.gather [hbm4b:s18+s3], $0x80, $0x38;
	[tilespmem:$0x1C200] =	vst v63  }
0xa9: {  	_ =	swait.ge [sflag:s23], $0x80  }
0xaa: {  	[sflag:s23] =	ssyncset.done $0x0  }
0xab: {  	[sflag:s23] =	ssyncadd.s32 $0xFFFFFF80  }
0xac: {  	[tilespmem:s25], [sflag:$0x5] =	stream.linear.gather [hbm4b:s19+s3], $0x80, $0x38;
	[tilespmem:$0x1C200] =	vst v63  }
0xad: {  	_ =	swait.ge [sflag:s23], $0x80  }
0xae: {  	[sflag:s23] =	ssyncset.done $0x0  }
0xaf: {  	[sflag:s23] =	ssyncadd.s32 $0xFFFFFF80  }
0xb0: {  	[tilespmem:s28], [sflag:$0x2] =	stream.indirect.gather [hbm4b:s4+s25], $0x80, s25, s25, $0xb8;
	[tilespmem:$0x1C200] =	vst v63  }
0xb1: {  	_ =	swait.ge [sflag:s29], $0x4000  }
0xb2: {  	[sflag:s29] =	ssyncset.done $0x0  }
0xb3: {  	[sflag:s29] =	ssyncadd.s32 $0xFFFFC000  }
0xb4: {  	[spmem:s2] =	stream.indirect.scatter.add.f32 [tilespmem:s22], [sflag:$0x3], $0x80, s24, s25, $0xb8;
	[tilespmem:$0x1C200] =	vst v63  }
0xb5: {  	_ =	swait.ge [sflag:s31], $0x4000  }
0xb6: {  	[sflag:s31] =	ssyncset.done $0x0  }
0xb7: {  	[sflag:s31] =	ssyncadd.s32 $0xFFFFC000  }
0xb8: {  	[spmem:s2] =	stream.indirect.scatter.add.f32 [tilespmem:s28], [sflag:$0x4], $0x80, s26, s25, $0xb8;
	[tilespmem:$0x1C200] =	vst v63  }
0xb9: {  	_ =	swait.ge [sflag:s30], $0x4000  }
0xba: {  	[sflag:s30] =	ssyncset.done $0x0  }
0xbb: {  	[sflag:s30] =	ssyncadd.s32 $0xFFFFC000  }
0xbc: {  	s6 =	stileid.u32;
	_ =	swait.ge [sflag:s0], $0x4000  }
0xbd: {  	s7 =	sshrl.u32 s5, $0x3;
	s1 =	sadd.s32 $0x1, s1;
	[sflag:s0] =	ssyncset.done $0x0  }
0xbe: {  	s6 =	sshll.u32 s6, $0x6;
	p0 =	sne.s32 s1, s13;
	[sflag:s0] =	ssyncadd.s32 $0xFFFFC000  }
.Ltmp2:
0xbf: {  	s6 =	sor.u32 $0x1C05, s6;
	[bflag:$0x0] =	sbarrier.arrive $0xFFFF;
	(pc) =	sbr.rel @p0 .LBB2_1-.Ltmp2, $4  }
0xc0: {  	[hbm:s12], [sflag:s6] =	dma.local [spmem:s7], $0x2800  }
0xc1: {  	_ =	swait.ge [sflag:s23], $0x2800  }
0xc2: {  	[sflag:s23] =	ssyncset.done $0x0  }
0xc3: {  	[sflag:s23] =	ssyncadd.s32 $0xFFFFD800  }
0xc4: {  	_ =	sfence.sel $0x180000  }
0xc5: {  	[bflag:$0x0] =	sbarrier.arrive $0xFFFF  }
0xc6: {  	_ =	strace $0x90000050  }
0xc7: {  	s0 =	stileid.u32;
	[bflag:$0x2] =	sbarrier.arrive $0xFFFF  }
0xc8: {  	p0 =	sne.s32 s0, $0x0;
	s0 =	rddreg [dreg:$0x2]  }
0xc9: {  	s0 =	sadd.s32 @!p0 $0x100000, s0  }
0xca: {  	[sflag:s0] =	ssyncadd.tile.s32 @!p0 $0x1;
	_ =	shalt  }
.Lfunc_end2:
_tile_overlayer_lowered:
.L_overlay_start_2:
0xcb: {  	(tag) =	ssettag $0x2  }
0xcc: {  	s0 =	rddreg [dreg:$0x0];
	s2 =	stileid.u32  }
0xcd: {  	s1 =	rddreg [dreg:$0x1];
	p0 =	sne.s32 s2, $0x0  }
0xce: {  	s3 =	rddreg [dreg:$0x2];
	[bflag:$0x3] =	sbarrier.arrive $0xFFFF;
	s2 =	simm.s32 @!p0 $0x1C05  }
0xcf: {  	[timem:s3], [sflag:s2] =	dma.local @!p0 [hbm:s0], s1  }
0xd0: {  	s0 =	simm.s32 @!p0 $0x5  }
0xd1: {  	_ =	swait.ge @!p0 [sflag:s0], s1  }
0xd2: {  	s1 =	ssub.s32 @!p0 $0x0, s1;
	[sflag:s0] =	ssyncset.done @!p0 $0x0  }
0xd3: {  	[sflag:s0] =	ssyncadd.s32 @!p0 s1  }
0xd4: {  	[bflag:$0x3] =	sbarrier.arrive $0xFFFF  }
0xd5: {  	_ =	shalt  }

</sc_bundles>
